<compile_context>
chip_gen: v7x
topology: tpu7x:2x2x1
jax: 0.10.2.dev20260603
libtpu: 0.0.44.dev20260713+nightly
codegen_flags: <defaults>
</compile_context>

<pallas_src>
import functools

import jax
import jax.numpy as jnp
from jax import lax
from jax.experimental import pallas as pl
from jax.experimental.pallas import tpu as pltpu
from jax.experimental.pallas import tpu_sc as plsc

TILE = 512


def _gate_rank_body(x_ref, Wg_ref, bg_ref, tri_ref,
                    e1_ref, e2_ref, w1_ref, w2_ref, r1_ref, r2_ref,
                    off_ref, te_ref, carry_ref, oh2_ref, *, n_exp, tile, nb):
    i = pl.program_id(0)

    @pl.when(i == 0)
    def _init():
        carry_ref[...] = jnp.zeros_like(carry_ref)

    blk = x_ref.shape[0]

    @pl.when(i < nb)
    def _pass1():
        x = x_ref[...]
        logits = jnp.dot(x, Wg_ref[...], preferred_element_type=jnp.float32)
        logits = logits + bg_ref[...]
        iota_e = lax.broadcasted_iota(jnp.int32, logits.shape, 1)
        a1 = jnp.argmax(logits, axis=-1)[:, None]
        m1 = jnp.max(logits, axis=-1, keepdims=True)
        l2 = jnp.where(iota_e == a1, -jnp.inf, logits)
        a2 = jnp.argmax(l2, axis=-1)[:, None]
        m2 = jnp.max(l2, axis=-1, keepdims=True)
        w1 = 1.0 / (1.0 + jnp.exp(m2 - m1))
        e1_ref[...] = a1
        e2_ref[...] = a2
        w1_ref[...] = w1
        w2_ref[...] = 1.0 - w1
        oh1 = (iota_e == a1).astype(jnp.float32)
        oh2_ref[pl.ds(i * blk, blk), :] = (iota_e == a2).astype(jnp.float32)
        cum = jnp.dot(tri_ref[...], oh1, preferred_element_type=jnp.float32)
        cum = cum + carry_ref[...]
        r1_ref[...] = (jnp.sum(cum * oh1, axis=1, keepdims=True) - 1.0
                       ).astype(jnp.int32)
        carry_ref[...] = cum[-1:, :]

    @pl.when(i >= nb)
    def _pass2():
        oh2 = oh2_ref[pl.ds((i - nb) * blk, blk), :]
        cum = jnp.dot(tri_ref[...], oh2, preferred_element_type=jnp.float32)
        cum = cum + carry_ref[...]
        r2_ref[...] = (jnp.sum(cum * oh2, axis=1, keepdims=True) - 1.0
                       ).astype(jnp.int32)
        carry_new = cum[-1:, :]
        carry_ref[...] = carry_new
        pc = jnp.floor((carry_new + (tile - 1)) / tile) * tile
        r8 = lax.broadcasted_iota(jnp.int32, (n_exp, n_exp), 0)
        c8 = lax.broadcasted_iota(jnp.int32, (n_exp, n_exp), 1)
        incl_m = (r8 <= c8).astype(jnp.float32)
        incl = jnp.dot(pc, incl_m, preferred_element_type=jnp.float32)
        off_ref[...] = jnp.broadcast_to(incl - pc, off_ref.shape).astype(jnp.int32)
        nt_pad = te_ref.shape[0]
        ts = lax.broadcasted_iota(jnp.int32, (nt_pad, n_exp), 0) * tile
        acc = jnp.sum((ts.astype(jnp.float32) >= incl).astype(jnp.float32),
                      axis=1, keepdims=True).astype(jnp.int32)
        te_ref[...] = jnp.minimum(acc, n_exp - 1)


def _mk_route_build(P, T, n_pad, n_tiles, n_exp):
    mesh = plsc.VectorSubcoreMesh(core_axis_name="c", subcore_axis_name="s")

    @functools.partial(
        pl.kernel,
        mesh=mesh,
        out_type=[
            jax.ShapeDtypeStruct((n_pad,), jnp.int32),
            jax.ShapeDtypeStruct((n_pad,), jnp.float32),
            jax.ShapeDtypeStruct((P,), jnp.int32),
        ],
        compiler_params=pltpu.CompilerParams(needs_layout_passes=False),
        scratch_types=[
            pltpu.VMEM((P,), jnp.int32),
            pltpu.VMEM((P,), jnp.int32),
            pltpu.VMEM((P,), jnp.float32),
            pltpu.VMEM((P,), jnp.int32),
            pltpu.VMEM((n_pad,), jnp.int32),
            pltpu.VMEM((n_pad,), jnp.float32),
            pltpu.VMEM((16,), jnp.int32),
        ],
    )
    def route_build(e_hbm, r_hbm, w_hbm, off_hbm,
                    si_hbm, ws_hbm, pos_hbm,
                    e_v, r_v, w_v, pos_v, si_v, ws_v, off_v):
        wid = lax.axis_index("s") * 2 + lax.axis_index("c")

        @pl.when(wid == 0)
        def _work():
            pltpu.sync_copy(e_hbm, e_v)
            pltpu.sync_copy(r_hbm, r_v)
            pltpu.sync_copy(w_hbm, w_v)
            pltpu.sync_copy(off_hbm, off_v)

            lanes = lax.iota(jnp.int32, 16)

            def _zero(i, _):
                si_v[pl.ds(i * 16, 16)] = (i * 16 + lanes) & (T - 1)
                ws_v[pl.ds(i * 16, 16)] = jnp.zeros((16,), jnp.float32)
                return 0
            lax.fori_loop(0, n_pad // 16, _zero, 0)

            def _scatter(i, _):
                base = i * 16
                ve = e_v[pl.ds(base, 16)]
                vr = r_v[pl.ds(base, 16)]
                vw = w_v[pl.ds(base, 16)]
                voff = plsc.load_gather(off_v, [ve])
                vpos = voff + vr
                pos_v[pl.ds(base, 16)] = vpos
                vp = base + lanes
                vt = vp - jnp.where(vp >= T, jnp.int32(T), 0)
                plsc.store_scatter(si_v, [vpos], vt)
                plsc.store_scatter(ws_v, [vpos], vw)
                return 0
            lax.fori_loop(0, P // 16, _scatter, 0)

            pltpu.sync_copy(si_v, si_hbm)
            pltpu.sync_copy(ws_v, ws_hbm)
            pltpu.sync_copy(pos_v, pos_hbm)

    return route_build


def _mk_gather(T, D, n_pad, dtype=jnp.float32):
    mesh = plsc.VectorSubcoreMesh(core_axis_name="c", subcore_axis_name="s")
    NW = 32
    b_per_w = n_pad // NW
    CH = 80
    n_ch = b_per_w // CH

    @functools.partial(
        pl.kernel,
        mesh=mesh,
        out_type=jax.ShapeDtypeStruct((n_pad, D), dtype),
        compiler_params=pltpu.CompilerParams(needs_layout_passes=False),
        scratch_types=[
            pltpu.VMEM((b_per_w,), jnp.int32),
            pltpu.VMEM((CH, D), dtype),
            pltpu.VMEM((CH, D), dtype),
            pltpu.SemaphoreType.DMA,
            pltpu.SemaphoreType.DMA,
        ],
    )
    def gather_rows(x_hbm, idx_hbm, out_hbm, idx_v, b0_v, b1_v, s0, s1):
        wid = lax.axis_index("s") * 2 + lax.axis_index("c")
        base = wid * b_per_w
        pltpu.sync_copy(idx_hbm.at[pl.ds(base, b_per_w)], idx_v)

        def _chunk(c, _):
            cp0 = pltpu.async_copy(
                x_hbm.at[idx_v.at[pl.ds(2 * c * CH, CH)]], b0_v, s0)
            cp1 = pltpu.async_copy(
                x_hbm.at[idx_v.at[pl.ds((2 * c + 1) * CH, CH)]], b1_v, s1)
            cp0.wait()
            cp1.wait()
            pltpu.sync_copy(b0_v, out_hbm.at[pl.ds(base + 2 * c * CH, CH)])
            pltpu.sync_copy(b1_v, out_hbm.at[pl.ds(base + (2 * c + 1) * CH, CH)])
            return 0
        lax.fori_loop(0, n_ch // 2, _chunk, 0)

    return gather_rows


def _ffn_body(te_ref, xs_ref, W1_ref, b1_ref, W2_ref, b2_ref, ws_ref, ys_ref):
    x = xs_ref[...]
    h = jnp.dot(x, W1_ref[0], preferred_element_type=jnp.float32) + b1_ref[0]
    h = h * (1.0 / (1.0 + jnp.exp(-h)))
    y = jnp.dot(h, W2_ref[0], preferred_element_type=jnp.float32) + b2_ref[0]
    ys_ref[...] = y * ws_ref[...]


def _mk_combine(T, D, n_pad):
    mesh = plsc.VectorSubcoreMesh(core_axis_name="c", subcore_axis_name="s")
    NW = 32
    t_per_w = T // NW
    CH = 64
    n_ch = t_per_w // CH

    @functools.partial(
        pl.kernel,
        mesh=mesh,
        out_type=jax.ShapeDtypeStruct((T, D), jnp.float32),
        compiler_params=pltpu.CompilerParams(needs_layout_passes=False),
        scratch_types=[
            pltpu.VMEM((t_per_w,), jnp.int32),
            pltpu.VMEM((t_per_w,), jnp.int32),
            pltpu.VMEM((CH, D), jnp.float32),
            pltpu.VMEM((CH, D), jnp.float32),
            pltpu.SemaphoreType.DMA,
            pltpu.SemaphoreType.DMA,
        ],
    )
    def combine(ys_hbm, pos_hbm, out_hbm, i0_v, i1_v, b0_v, b1_v, s0, s1):
        wid = lax.axis_index("s") * 2 + lax.axis_index("c")
        base = wid * t_per_w
        pltpu.sync_copy(pos_hbm.at[pl.ds(base, t_per_w)], i0_v)
        pltpu.sync_copy(pos_hbm.at[pl.ds(T + base, t_per_w)], i1_v)

        def _chunk(c, _):
            cp0 = pltpu.async_copy(ys_hbm.at[i0_v.at[pl.ds(c * CH, CH)]], b0_v, s0)
            cp1 = pltpu.async_copy(ys_hbm.at[i1_v.at[pl.ds(c * CH, CH)]], b1_v, s1)
            cp0.wait()
            cp1.wait()

            def _row(r, _):
                for col in range(D // 16):
                    sl = pl.ds(col * 16, 16)
                    b0_v[r, sl] = b0_v[r, sl] + b1_v[r, sl]
                return 0
            lax.fori_loop(0, CH, _row, 0)
            pltpu.sync_copy(b0_v, out_hbm.at[pl.ds(base + c * CH, CH)])
            return 0
        lax.fori_loop(0, n_ch, _chunk, 0)

    return combine


def kernel(inputs, Wg, bg, W1, b1, W2, b2):
    B, S, D = inputs.shape
    E = Wg.shape[1]
    D_FF = W1.shape[2]
    T = B * S
    K = 2
    P = K * T
    N_TILES_MAX = (P + E * TILE) // TILE
    N_PAD = N_TILES_MAX * TILE
    x = inputs.reshape(T, D)

    BLK = 512
    NB = T // BLK
    NT_PAD = ((N_TILES_MAX + 15) // 16) * 16
    tri = jnp.tril(jnp.ones((BLK, BLK), jnp.float32))
    blk_map = lambda i: (jnp.minimum(i, NB - 1), 0)
    blk2_map = lambda i: (jnp.maximum(i - NB, 0), 0)
    fix_map = lambda i: (0, 0)
    e1, e2, w1, w2, rank1, rank2, off, tile_e = pl.pallas_call(
        functools.partial(_gate_rank_body, n_exp=E, tile=TILE, nb=NB),
        grid=(2 * NB,),
        in_specs=[
            pl.BlockSpec((BLK, D), blk_map),
            pl.BlockSpec((D, E), fix_map),
            pl.BlockSpec((1, E), fix_map),
            pl.BlockSpec((BLK, BLK), fix_map),
        ],
        out_specs=[
            pl.BlockSpec((BLK, 1), blk_map),
            pl.BlockSpec((BLK, 1), blk_map),
            pl.BlockSpec((BLK, 1), blk_map),
            pl.BlockSpec((BLK, 1), blk_map),
            pl.BlockSpec((BLK, 1), blk_map),
            pl.BlockSpec((BLK, 1), blk2_map),
            pl.BlockSpec((8, E), fix_map),
            pl.BlockSpec((NT_PAD, 1), fix_map),
        ],
        out_shape=[
            jax.ShapeDtypeStruct((T, 1), jnp.int32),
            jax.ShapeDtypeStruct((T, 1), jnp.int32),
            jax.ShapeDtypeStruct((T, 1), jnp.float32),
            jax.ShapeDtypeStruct((T, 1), jnp.float32),
            jax.ShapeDtypeStruct((T, 1), jnp.int32),
            jax.ShapeDtypeStruct((T, 1), jnp.int32),
            jax.ShapeDtypeStruct((8, E), jnp.int32),
            jax.ShapeDtypeStruct((NT_PAD, 1), jnp.int32),
        ],
        scratch_shapes=[
            pltpu.VMEM((1, E), jnp.float32),
            pltpu.VMEM((T, E), jnp.float32),
        ],
        compiler_params=pltpu.CompilerParams(
            dimension_semantics=("arbitrary",),
        ),
    )(x, Wg, bg.reshape(1, E), tri)

    e_all = jnp.concatenate([e1, e2], axis=0)
    w_all = jnp.concatenate([w1, w2], axis=0)
    rank = jnp.concatenate([rank1, rank2], axis=0)

    off16 = jnp.pad(off[0], (0, 16 - E))

    route = _mk_route_build(P, T, N_PAD, N_TILES_MAX, E)
    src_idx, wsort, pos = route(
        e_all.reshape(P), rank.reshape(P), w_all.reshape(P), off16)
    tile_e = tile_e.reshape(NT_PAD)

    xs = _mk_gather(T, D, N_PAD)(x, src_idx)

    nt = N_PAD // TILE
    ys = pl.pallas_call(
        _ffn_body,
        grid_spec=pltpu.PrefetchScalarGridSpec(
            num_scalar_prefetch=1,
            grid=(nt,),
            in_specs=[
                pl.BlockSpec((TILE, D), lambda i, te: (i, 0)),
                pl.BlockSpec((1, D, D_FF), lambda i, te: (te[i], 0, 0)),
                pl.BlockSpec((1, 1, D_FF), lambda i, te: (te[i], 0, 0)),
                pl.BlockSpec((1, D_FF, D), lambda i, te: (te[i], 0, 0)),
                pl.BlockSpec((1, 1, D), lambda i, te: (te[i], 0, 0)),
                pl.BlockSpec((TILE, 1), lambda i, te: (i, 0)),
            ],
            out_specs=pl.BlockSpec((TILE, D), lambda i, te: (i, 0)),
        ),
        out_shape=jax.ShapeDtypeStruct((N_PAD, D), jnp.float32),
        compiler_params=pltpu.CompilerParams(
            dimension_semantics=("arbitrary",),
        ),
    )(tile_e, xs, W1, b1.reshape(E, 1, D_FF), W2, b2.reshape(E, 1, D),
      wsort.reshape(N_PAD, 1))

    out = _mk_combine(T, D, N_PAD)(ys, pos)
    return out.reshape(B, S, D)

# --- scband reference (transcript-rebuilt; emitter-appended) ---
"""Pipeline reference for scband-moe-layer-8890582303068 (READ-ONLY COPY).

The authoritative reference and input builder live on the scoring server;
editing this copy changes nothing except your own understanding.
"""

import jax, jax.numpy as jnp
import numpy as np

B, S, D = 2, 4096, 768
E = 8
TOP_K = 2
D_FF = 768


def setup_inputs(seed: int = 0) -> dict:
    key = jax.random.key(seed)
    k_in, k_wg, k_bg, k_w1, k_b1, k_w2, k_b2 = jax.random.split(key, 7)
    inputs = jax.random.normal(k_in, (B, S, D), dtype=jnp.float32)
    Wg = jax.random.normal(k_wg, (D, E), dtype=jnp.float32) * 0.02
    bg = jax.random.normal(k_bg, (E,), dtype=jnp.float32) * 0.02
    W1 = jax.random.normal(k_w1, (E, D, D_FF), dtype=jnp.float32) * 0.02
    b1 = jax.random.normal(k_b1, (E, D_FF), dtype=jnp.float32) * 0.02
    W2 = jax.random.normal(k_w2, (E, D_FF, D), dtype=jnp.float32) * 0.02
    b2 = jax.random.normal(k_b2, (E, D), dtype=jnp.float32) * 0.02
    return {"inputs": inputs, "Wg": Wg, "bg": bg, "W1": W1, "b1": b1, "W2": W2, "b2": b2}


def reference(inputs, Wg, bg, W1, b1, W2, b2):
    # gate_logits = self.gate(inputs)
    gate_logits = jnp.einsum('bsd,de->bse', inputs, Wg) + bg  # [B, S, E]
    # weights, selected_experts = torch.topk(gate_logits, num_experts_per_tok)
    weights, selected_experts = jax.lax.top_k(gate_logits, TOP_K)  # [B, S, K]
    # softmax over the top-k dim (dim=2), in float32, cast back to input dtype
    weights = jax.nn.softmax(weights.astype(jnp.float32), axis=2).astype(inputs.dtype)
    results = jnp.zeros_like(inputs)
    # expert loop: in torch only selected tokens are gathered; here we compute
    # each expert densely and mask by per-token routing weight (same math).
    for i in range(E):
        mask_i = (selected_experts == i)  # [B, S, K]
        w_i = jnp.sum(jnp.where(mask_i, weights, jnp.zeros_like(weights)), axis=-1)  # [B, S]
        h = jax.nn.silu(jnp.einsum('bsd,df->bsf', inputs, W1[i]) + b1[i])
        expert_out = jnp.einsum('bsf,fd->bsd', h, W2[i]) + b2[i]
        results = results + w_i[..., None] * expert_out
    return results

if __name__ == "__main__":
    import jax
    _d = setup_inputs()
    print(jax.jit(kernel)(*tuple(_d.values())))

</pallas_src>

<mosaic_0001>
#map = affine_map<(d0, d1) -> (0)>
module attributes {stable_mosaic.version = 14 : i64} {
  func.func @route_build(%arg0: i32, %arg1: i32, %arg2: memref<16384xi32, #tpu.memory_space<hbm>>, %arg3: memref<16384xi32, #tpu.memory_space<hbm>>, %arg4: memref<16384xf32, #tpu.memory_space<hbm>>, %arg5: memref<16xi32, #tpu.memory_space<hbm>>, %arg6: memref<20480xi32, #tpu.memory_space<hbm>>, %arg7: memref<20480xf32, #tpu.memory_space<hbm>>, %arg8: memref<16384xi32, #tpu.memory_space<hbm>>, %arg9: memref<16384xi32, #tpu.memory_space<vmem>>, %arg10: memref<16384xi32, #tpu.memory_space<vmem>>, %arg11: memref<16384xf32, #tpu.memory_space<vmem>>, %arg12: memref<16384xi32, #tpu.memory_space<vmem>>, %arg13: memref<20480xi32, #tpu.memory_space<vmem>>, %arg14: memref<20480xf32, #tpu.memory_space<vmem>>, %arg15: memref<16xi32, #tpu.memory_space<vmem>>) attributes {dimension_semantics = [#tpu.dimension_semantics<core_parallel>, #tpu.dimension_semantics<subcore_parallel>], iteration_bounds = array<i64: 2, 16>, scalar_prefetch = 0 : i64, scratch_operands = 7 : i64, tpu.core_type = #tpu.core_type<sc_vector_subcore>, window_params = [{transform_indices = #map}, {transform_indices = #map}, {transform_indices = #map}, {transform_indices = #map}, {transform_indices = #map}, {transform_indices = #map}, {transform_indices = #map}]} {
    %mul3A = arith.constant 2 : i32
    %mul3A_0 = arith.muli %arg1, %mul3A : i32
    %add3A = arith.addi %mul3A_0, %arg0 : i32
    %eq3A = arith.constant 0 : i32
    %eq3A_1 = arith.cmpi eq, %add3A, %eq3A : i32
    %convert_element_type3A = arith.extui %eq3A_1 : i1 to i32
    %cond3A = arith.constant 0 : i32
    %cond3A_2 = arith.cmpi ne, %convert_element_type3A, %cond3A : i32
    scf.if %cond3A_2 {
      "tpu.region"() ({
        %run_scoped3A = tpu.sem_alloc : memref<!tpu.dma_semaphore, #tpu.memory_space<semaphore_mem>>
        tpu.enqueue_dma source(%arg2 : memref<16384xi32, #tpu.memory_space<hbm>>) target(%arg9 : memref<16384xi32, #tpu.memory_space<vmem>>) target_semaphore(%run_scoped3A : memref<!tpu.dma_semaphore, #tpu.memory_space<semaphore_mem>>)
        tpu.wait_dma2 semaphore(%run_scoped3A : memref<!tpu.dma_semaphore, #tpu.memory_space<semaphore_mem>>) src(%arg2 : memref<16384xi32, #tpu.memory_space<hbm>>) dst(%arg9 : memref<16384xi32, #tpu.memory_space<vmem>>)
        tpu.yield
      }) : () -> ()
      "tpu.region"() ({
        %run_scoped3A = tpu.sem_alloc : memref<!tpu.dma_semaphore, #tpu.memory_space<semaphore_mem>>
        tpu.enqueue_dma source(%arg3 : memref<16384xi32, #tpu.memory_space<hbm>>) target(%arg10 : memref<16384xi32, #tpu.memory_space<vmem>>) target_semaphore(%run_scoped3A : memref<!tpu.dma_semaphore, #tpu.memory_space<semaphore_mem>>)
        tpu.wait_dma2 semaphore(%run_scoped3A : memref<!tpu.dma_semaphore, #tpu.memory_space<semaphore_mem>>) src(%arg3 : memref<16384xi32, #tpu.memory_space<hbm>>) dst(%arg10 : memref<16384xi32, #tpu.memory_space<vmem>>)
        tpu.yield
      }) : () -> ()
      "tpu.region"() ({
        %run_scoped3A = tpu.sem_alloc : memref<!tpu.dma_semaphore, #tpu.memory_space<semaphore_mem>>
        tpu.enqueue_dma source(%arg4 : memref<16384xf32, #tpu.memory_space<hbm>>) target(%arg11 : memref<16384xf32, #tpu.memory_space<vmem>>) target_semaphore(%run_scoped3A : memref<!tpu.dma_semaphore, #tpu.memory_space<semaphore_mem>>)
        tpu.wait_dma2 semaphore(%run_scoped3A : memref<!tpu.dma_semaphore, #tpu.memory_space<semaphore_mem>>) src(%arg4 : memref<16384xf32, #tpu.memory_space<hbm>>) dst(%arg11 : memref<16384xf32, #tpu.memory_space<vmem>>)
        tpu.yield
      }) : () -> ()
      "tpu.region"() ({
        %run_scoped3A = tpu.sem_alloc : memref<!tpu.dma_semaphore, #tpu.memory_space<semaphore_mem>>
        tpu.enqueue_dma source(%arg5 : memref<16xi32, #tpu.memory_space<hbm>>) target(%arg15 : memref<16xi32, #tpu.memory_space<vmem>>) target_semaphore(%run_scoped3A : memref<!tpu.dma_semaphore, #tpu.memory_space<semaphore_mem>>)
        tpu.wait_dma2 semaphore(%run_scoped3A : memref<!tpu.dma_semaphore, #tpu.memory_space<semaphore_mem>>) src(%arg5 : memref<16xi32, #tpu.memory_space<hbm>>) dst(%arg15 : memref<16xi32, #tpu.memory_space<vmem>>)
        tpu.yield
      }) : () -> ()
      %iota3A = tpu.iota {dimensions = array<i32: 0>} : vector<16xi32>
      %scan3A = arith.constant 0 : i32
      %scan3A_3 = arith.constant 0 : i32
      %scan3A_4 = arith.constant 1280 : i32
      %scan3A_5 = arith.addi %scan3A_3, %scan3A_4 : i32
      %scan3A_6 = arith.constant 1 : i32
      %scan3A_7 = scf.for %scan3A_16 = %scan3A_3 to %scan3A_5 step %scan3A_6 iter_args(%scan3A_17 = %scan3A) -> (i32)  : i32 {
        %mul3A_18 = arith.constant 16 : i32
        %mul3A_19 = arith.muli %scan3A_16, %mul3A_18 : i32
        %add3A_20 = vector.broadcast %mul3A_19 : i32 to vector<16xi32>
        %add3A_21 = arith.addi %add3A_20, %iota3A : vector<16xi32>
        %and3A = arith.constant 8191 : i32
        %and3A_22 = vector.broadcast %and3A : i32 to vector<16xi32>
        %and3A_23 = arith.andi %add3A_21, %and3A_22 : vector<16xi32>
        %mul3A_24 = arith.constant 16 : i32
        %mul3A_25 = arith.muli %scan3A_16, %mul3A_24 : i32
        %swap3A = arith.index_cast %mul3A_25 : i32 to index
        %swap3A_26 = tpu.vector_load %arg13[%swap3A] {strides = array<i32>} : memref<20480xi32, #tpu.memory_space<vmem>>, vector<16xi32>,
        tpu.vector_store %arg13[%swap3A], %and3A_23 {strides = array<i32>} : memref<20480xi32, #tpu.memory_space<vmem>>, vector<16xi32>,
        %broadcast_in_dim3A = arith.constant 0.000000e+00 : f32
        %broadcast_in_dim3A_27 = vector.broadcast %broadcast_in_dim3A : f32 to vector<16xf32>
        %mul3A_28 = arith.constant 16 : i32
        %mul3A_29 = arith.muli %scan3A_16, %mul3A_28 : i32
        %swap3A_30 = arith.index_cast %mul3A_29 : i32 to index
        %swap3A_31 = tpu.vector_load %arg14[%swap3A_30] {strides = array<i32>} : memref<20480xf32, #tpu.memory_space<vmem>>, vector<16xf32>,
        tpu.vector_store %arg14[%swap3A_30], %broadcast_in_dim3A_27 {strides = array<i32>} : memref<20480xf32, #tpu.memory_space<vmem>>, vector<16xf32>,
        %scan3A_32 = arith.constant 0 : i32
        scf.yield %scan3A_32 : i32
      }
      %scan3A_8 = arith.constant 1280 : i32
      %scan3A_9 = arith.constant 0 : i32
      %scan3A_10 = arith.constant 0 : i32
      %scan3A_11 = arith.constant 1024 : i32
      %scan3A_12 = arith.addi %scan3A_10, %scan3A_11 : i32
      %scan3A_13 = arith.constant 1 : i32
      %scan3A_14 = scf.for %scan3A_16 = %scan3A_10 to %scan3A_12 step %scan3A_13 iter_args(%scan3A_17 = %scan3A_9) -> (i32)  : i32 {
        %mul3A_18 = arith.constant 16 : i32
        %mul3A_19 = arith.muli %scan3A_16, %mul3A_18 : i32
        %get3A = arith.index_cast %mul3A_19 : i32 to index
        %get3A_20 = tpu.vector_load %arg9[%get3A] {strides = array<i32>} : memref<16384xi32, #tpu.memory_space<vmem>>, vector<16xi32>,
        %get3A_21 = arith.index_cast %mul3A_19 : i32 to index
        %get3A_22 = tpu.vector_load %arg10[%get3A_21] {strides = array<i32>} : memref<16384xi32, #tpu.memory_space<vmem>>, vector<16xi32>,
        %get3A_23 = arith.index_cast %mul3A_19 : i32 to index
        %get3A_24 = tpu.vector_load %arg11[%get3A_23] {strides = array<i32>} : memref<16384xf32, #tpu.memory_space<vmem>>, vector<16xf32>,
        %gather3A = tpu.vector_load_idx %arg15[%get3A_20] : memref<16xi32, #tpu.memory_space<vmem>>[vector<16xi32>], vector<16xi32>,
        %add3A_25 = arith.addi %gather3A, %get3A_22 : vector<16xi32>
        %swap3A = arith.index_cast %mul3A_19 : i32 to index
        %swap3A_26 = tpu.vector_load %arg12[%swap3A] {strides = array<i32>} : memref<16384xi32, #tpu.memory_space<vmem>>, vector<16xi32>,
        tpu.vector_store %arg12[%swap3A], %add3A_25 {strides = array<i32>} : memref<16384xi32, #tpu.memory_space<vmem>>, vector<16xi32>,
        %add3A_27 = vector.broadcast %mul3A_19 : i32 to vector<16xi32>
        %add3A_28 = arith.addi %add3A_27, %iota3A : vector<16xi32>
        %ge3A = arith.constant 8192 : i32
        %ge3A_29 = vector.broadcast %ge3A : i32 to vector<16xi32>
        %ge3A_30 = arith.cmpi sge, %add3A_28, %ge3A_29 : vector<16xi32>
        %jit3A = arith.constant 8192 : i32
        %jit3A_31 = arith.constant 0 : i32
        %broadcast_in_dim3A = vector.broadcast %jit3A : i32 to vector<16xi32>
        %broadcast_in_dim3A_32 = vector.broadcast %jit3A_31 : i32 to vector<16xi32>
        %select_n3A = arith.select %ge3A_30, %broadcast_in_dim3A, %broadcast_in_dim3A_32 : vector<16xi1>, vector<16xi32>
        %sub3A = arith.subi %add3A_28, %select_n3A : vector<16xi32>
        tpu.vector_store_idx %arg13[%add3A_25], %sub3A : memref<20480xi32, #tpu.memory_space<vmem>>[vector<16xi32>], vector<16xi32>,
        tpu.vector_store_idx %arg14[%add3A_25], %get3A_24 : memref<20480xf32, #tpu.memory_space<vmem>>[vector<16xi32>], vector<16xf32>,
        %scan3A_33 = arith.constant 0 : i32
        scf.yield %scan3A_33 : i32
      }
      %scan3A_15 = arith.constant 1024 : i32
      "tpu.region"() ({
        %run_scoped3A = tpu.sem_alloc : memref<!tpu.dma_semaphore, #tpu.memory_space<semaphore_mem>>
        tpu.enqueue_dma source(%arg13 : memref<20480xi32, #tpu.memory_space<vmem>>) target(%arg6 : memref<20480xi32, #tpu.memory_space<hbm>>) target_semaphore(%run_scoped3A : memref<!tpu.dma_semaphore, #tpu.memory_space<semaphore_mem>>)
        tpu.wait_dma2 semaphore(%run_scoped3A : memref<!tpu.dma_semaphore, #tpu.memory_space<semaphore_mem>>) src(%arg13 : memref<20480xi32, #tpu.memory_space<vmem>>) dst(%arg6 : memref<20480xi32, #tpu.memory_space<hbm>>)
        tpu.yield
      }) : () -> ()
      "tpu.region"() ({
        %run_scoped3A = tpu.sem_alloc : memref<!tpu.dma_semaphore, #tpu.memory_space<semaphore_mem>>
        tpu.enqueue_dma source(%arg14 : memref<20480xf32, #tpu.memory_space<vmem>>) target(%arg7 : memref<20480xf32, #tpu.memory_space<hbm>>) target_semaphore(%run_scoped3A : memref<!tpu.dma_semaphore, #tpu.memory_space<semaphore_mem>>)
        tpu.wait_dma2 semaphore(%run_scoped3A : memref<!tpu.dma_semaphore, #tpu.memory_space<semaphore_mem>>) src(%arg14 : memref<20480xf32, #tpu.memory_space<vmem>>) dst(%arg7 : memref<20480xf32, #tpu.memory_space<hbm>>)
        tpu.yield
      }) : () -> ()
      "tpu.region"() ({
        %run_scoped3A = tpu.sem_alloc : memref<!tpu.dma_semaphore, #tpu.memory_space<semaphore_mem>>
        tpu.enqueue_dma source(%arg12 : memref<16384xi32, #tpu.memory_space<vmem>>) target(%arg8 : memref<16384xi32, #tpu.memory_space<hbm>>) target_semaphore(%run_scoped3A : memref<!tpu.dma_semaphore, #tpu.memory_space<semaphore_mem>>)
        tpu.wait_dma2 semaphore(%run_scoped3A : memref<!tpu.dma_semaphore, #tpu.memory_space<semaphore_mem>>) src(%arg12 : memref<16384xi32, #tpu.memory_space<vmem>>) dst(%arg8 : memref<16384xi32, #tpu.memory_space<hbm>>)
        tpu.yield
      }) : () -> ()
    } else {
    }
    return
  }
}

#map = affine_map<(d0, d1) -> (0, 0)>
#map1 = affine_map<(d0, d1) -> (0)>
module attributes {stable_mosaic.version = 14 : i64} {
  func.func @combine(%arg0: i32, %arg1: i32, %arg2: memref<20480x768xf32, #tpu.memory_space<hbm>>, %arg3: memref<16384xi32, #tpu.memory_space<hbm>>, %arg4: memref<8192x768xf32, #tpu.memory_space<hbm>>, %arg5: memref<256xi32, #tpu.memory_space<vmem>>, %arg6: memref<256xi32, #tpu.memory_space<vmem>>, %arg7: memref<64x768xf32, #tpu.memory_space<vmem>>, %arg8: memref<64x768xf32, #tpu.memory_space<vmem>>, %arg9: memref<!tpu.dma_semaphore, #tpu.memory_space<semaphore_mem>>, %arg10: memref<!tpu.dma_semaphore, #tpu.memory_space<semaphore_mem>>) attributes {dimension_semantics = [#tpu.dimension_semantics<core_parallel>, #tpu.dimension_semantics<subcore_parallel>], iteration_bounds = array<i64: 2, 16>, scalar_prefetch = 0 : i64, scratch_operands = 6 : i64, tpu.core_type = #tpu.core_type<sc_vector_subcore>, window_params = [{transform_indices = #map}, {transform_indices = #map1}, {transform_indices = #map}]} {
    %mul3A = arith.constant 2 : i32
    %mul3A_0 = arith.muli %arg1, %mul3A : i32
    %add3A = arith.addi %mul3A_0, %arg0 : i32
    %mul3A_1 = arith.constant 256 : i32
    %mul3A_2 = arith.muli %add3A, %mul3A_1 : i32
    "tpu.region"() ({
      %run_scoped3A = tpu.sem_alloc : memref<!tpu.dma_semaphore, #tpu.memory_space<semaphore_mem>>
      %dma_start3A = tpu.memref_slice %arg3[%mul3A_2] : memref<16384xi32, #tpu.memory_space<hbm>> -> memref<256xi32, #tpu.memory_space<hbm>>
      %dma_start3A_11 = tpu.memref_slice %arg3[%mul3A_2] : memref<16384xi32, #tpu.memory_space<hbm>> -> memref<256xi32, #tpu.memory_space<hbm>>
      tpu.enqueue_dma source(%dma_start3A_11 : memref<256xi32, #tpu.memory_space<hbm>>) target(%arg5 : memref<256xi32, #tpu.memory_space<vmem>>) target_semaphore(%run_scoped3A : memref<!tpu.dma_semaphore, #tpu.memory_space<semaphore_mem>>)
      %dma_wait3A = tpu.memref_slice %arg3[%mul3A_2] : memref<16384xi32, #tpu.memory_space<hbm>> -> memref<256xi32, #tpu.memory_space<hbm>>
      %dma_wait3A_12 = tpu.memref_slice %arg3[%mul3A_2] : memref<16384xi32, #tpu.memory_space<hbm>> -> memref<256xi32, #tpu.memory_space<hbm>>
      tpu.wait_dma2 semaphore(%run_scoped3A : memref<!tpu.dma_semaphore, #tpu.memory_space<semaphore_mem>>) src(%dma_wait3A_12 : memref<256xi32, #tpu.memory_space<hbm>>) dst(%arg5 : memref<256xi32, #tpu.memory_space<vmem>>)
      tpu.yield
    }) : () -> ()
    %add3A_3 = arith.constant 8192 : i32
    %add3A_4 = arith.addi %add3A_3, %mul3A_2 : i32
    "tpu.region"() ({
      %run_scoped3A = tpu.sem_alloc : memref<!tpu.dma_semaphore, #tpu.memory_space<semaphore_mem>>
      %dma_start3A = tpu.memref_slice %arg3[%add3A_4] : memref<16384xi32, #tpu.memory_space<hbm>> -> memref<256xi32, #tpu.memory_space<hbm>>
      %dma_start3A_11 = tpu.memref_slice %arg3[%add3A_4] : memref<16384xi32, #tpu.memory_space<hbm>> -> memref<256xi32, #tpu.memory_space<hbm>>
      tpu.enqueue_dma source(%dma_start3A_11 : memref<256xi32, #tpu.memory_space<hbm>>) target(%arg6 : memref<256xi32, #tpu.memory_space<vmem>>) target_semaphore(%run_scoped3A : memref<!tpu.dma_semaphore, #tpu.memory_space<semaphore_mem>>)
      %dma_wait3A = tpu.memref_slice %arg3[%add3A_4] : memref<16384xi32, #tpu.memory_space<hbm>> -> memref<256xi32, #tpu.memory_space<hbm>>
      %dma_wait3A_12 = tpu.memref_slice %arg3[%add3A_4] : memref<16384xi32, #tpu.memory_space<hbm>> -> memref<256xi32, #tpu.memory_space<hbm>>
      tpu.wait_dma2 semaphore(%run_scoped3A : memref<!tpu.dma_semaphore, #tpu.memory_space<semaphore_mem>>) src(%dma_wait3A_12 : memref<256xi32, #tpu.memory_space<hbm>>) dst(%arg6 : memref<256xi32, #tpu.memory_space<vmem>>)
      tpu.yield
    }) : () -> ()
    %scan3A = arith.constant 0 : i32
    %scan3A_5 = arith.constant 0 : i32
    %scan3A_6 = arith.constant 4 : i32
    %scan3A_7 = arith.addi %scan3A_5, %scan3A_6 : i32
    %scan3A_8 = arith.constant 1 : i32
    %scan3A_9 = scf.for %scan3A_11 = %scan3A_5 to %scan3A_7 step %scan3A_8 iter_args(%scan3A_12 = %scan3A) -> (i32)  : i32 {
      %mul3A_13 = arith.constant 64 : i32
      %mul3A_14 = arith.muli %scan3A_11, %mul3A_13 : i32
      %dma_start3A = tpu.memref_slice %arg5[%mul3A_14] : memref<256xi32, #tpu.memory_space<vmem>> -> memref<64xi32, #tpu.memory_space<vmem>>
      %dma_start3A_15 = arith.constant 0 : i32
      %dma_start3A_16 = arith.constant 0 : i32
      %dma_start3A_17 = tpu.memref_slice %arg2[%dma_start3A_15, %dma_start3A_16] : memref<20480x768xf32, #tpu.memory_space<hbm>> -> memref<20480x768xf32, #tpu.memory_space<hbm>>
      tpu.enqueue_indirect_dma source(%dma_start3A_17 : memref<20480x768xf32, #tpu.memory_space<hbm>>) target(%arg7 : memref<64x768xf32, #tpu.memory_space<vmem>>) offsets(%dma_start3A : memref<64xi32, #tpu.memory_space<vmem>>) semaphore(%arg9 : memref<!tpu.dma_semaphore, #tpu.memory_space<semaphore_mem>>)
      %mul3A_18 = arith.constant 64 : i32
      %mul3A_19 = arith.muli %scan3A_11, %mul3A_18 : i32
      %dma_start3A_20 = tpu.memref_slice %arg6[%mul3A_19] : memref<256xi32, #tpu.memory_space<vmem>> -> memref<64xi32, #tpu.memory_space<vmem>>
      %dma_start3A_21 = arith.constant 0 : i32
      %dma_start3A_22 = arith.constant 0 : i32
      %dma_start3A_23 = tpu.memref_slice %arg2[%dma_start3A_21, %dma_start3A_22] : memref<20480x768xf32, #tpu.memory_space<hbm>> -> memref<20480x768xf32, #tpu.memory_space<hbm>>
      tpu.enqueue_indirect_dma source(%dma_start3A_23 : memref<20480x768xf32, #tpu.memory_space<hbm>>) target(%arg8 : memref<64x768xf32, #tpu.memory_space<vmem>>) offsets(%dma_start3A_20 : memref<64xi32, #tpu.memory_space<vmem>>) semaphore(%arg10 : memref<!tpu.dma_semaphore, #tpu.memory_space<semaphore_mem>>)
      %dma_wait3A = tpu.memref_slice %arg5[%mul3A_14] : memref<256xi32, #tpu.memory_space<vmem>> -> memref<64xi32, #tpu.memory_space<vmem>>
      %dma_wait3A_24 = arith.constant 0 : i32
      %dma_wait3A_25 = arith.constant 0 : i32
      %dma_wait3A_26 = tpu.memref_slice %arg2[%dma_wait3A_24, %dma_wait3A_25] : memref<20480x768xf32, #tpu.memory_space<hbm>> -> memref<20480x768xf32, #tpu.memory_space<hbm>>
      tpu.wait_indirect_dma semaphore(%arg9 : memref<!tpu.dma_semaphore, #tpu.memory_space<semaphore_mem>>) src(%dma_wait3A_26 : memref<20480x768xf32, #tpu.memory_space<hbm>>) dst(%arg7 : memref<64x768xf32, #tpu.memory_space<vmem>>)
      %dma_wait3A_27 = tpu.memref_slice %arg6[%mul3A_19] : memref<256xi32, #tpu.memory_space<vmem>> -> memref<64xi32, #tpu.memory_space<vmem>>
      %dma_wait3A_28 = arith.constant 0 : i32
      %dma_wait3A_29 = arith.constant 0 : i32
      %dma_wait3A_30 = tpu.memref_slice %arg2[%dma_wait3A_28, %dma_wait3A_29] : memref<20480x768xf32, #tpu.memory_space<hbm>> -> memref<20480x768xf32, #tpu.memory_space<hbm>>
      tpu.wait_indirect_dma semaphore(%arg10 : memref<!tpu.dma_semaphore, #tpu.memory_space<semaphore_mem>>) src(%dma_wait3A_30 : memref<20480x768xf32, #tpu.memory_space<hbm>>) dst(%arg8 : memref<64x768xf32, #tpu.memory_space<vmem>>)
      %scan3A_31 = arith.constant 0 : i32
      %scan3A_32 = arith.constant 0 : i32
      %scan3A_33 = arith.constant 64 : i32
      %scan3A_34 = arith.addi %scan3A_32, %scan3A_33 : i32
      %scan3A_35 = arith.constant 1 : i32
      %scan3A_36 = scf.for %scan3A_42 = %scan3A_32 to %scan3A_34 step %scan3A_35 iter_args(%scan3A_43 = %scan3A_31) -> (i32)  : i32 {
        %get3A = arith.index_cast %scan3A_42 : i32 to index
        %get3A_44 = arith.constant 0 : index
        %get3A_45 = tpu.vector_load %arg7[%get3A, %get3A_44] {strides = array<i32>} : memref<64x768xf32, #tpu.memory_space<vmem>>, vector<16xf32>,
        %get3A_46 = arith.index_cast %scan3A_42 : i32 to index
        %get3A_47 = arith.constant 0 : index
        %get3A_48 = tpu.vector_load %arg8[%get3A_46, %get3A_47] {strides = array<i32>} : memref<64x768xf32, #tpu.memory_space<vmem>>, vector<16xf32>,
        %add3A_49 = arith.addf %get3A_45, %get3A_48 : vector<16xf32>
        %swap3A = arith.index_cast %scan3A_42 : i32 to index
        %swap3A_50 = arith.constant 0 : index
        %swap3A_51 = tpu.vector_load %arg7[%swap3A, %swap3A_50] {strides = array<i32>} : memref<64x768xf32, #tpu.memory_space<vmem>>, vector<16xf32>,
        tpu.vector_store %arg7[%swap3A, %swap3A_50], %add3A_49 {strides = array<i32>} : memref<64x768xf32, #tpu.memory_space<vmem>>, vector<16xf32>,
        %get3A_52 = arith.index_cast %scan3A_42 : i32 to index
        %get3A_53 = arith.constant 16 : index
        %get3A_54 = tpu.vector_load %arg7[%get3A_52, %get3A_53] {strides = array<i32>} : memref<64x768xf32, #tpu.memory_space<vmem>>, vector<16xf32>,
        %get3A_55 = arith.index_cast %scan3A_42 : i32 to index
        %get3A_56 = arith.constant 16 : index
        %get3A_57 = tpu.vector_load %arg8[%get3A_55, %get3A_56] {strides = array<i32>} : memref<64x768xf32, #tpu.memory_space<vmem>>, vector<16xf32>,
        %add3A_58 = arith.addf %get3A_54, %get3A_57 : vector<16xf32>
        %swap3A_59 = arith.index_cast %scan3A_42 : i32 to index
        %swap3A_60 = arith.constant 16 : index
        %swap3A_61 = tpu.vector_load %arg7[%swap3A_59, %swap3A_60] {strides = array<i32>} : memref<64x768xf32, #tpu.memory_space<vmem>>, vector<16xf32>,
        tpu.vector_store %arg7[%swap3A_59, %swap3A_60], %add3A_58 {strides = array<i32>} : memref<64x768xf32, #tpu.memory_space<vmem>>, vector<16xf32>,
        %get3A_62 = arith.index_cast %scan3A_42 : i32 to index
        %get3A_63 = arith.constant 32 : index
        %get3A_64 = tpu.vector_load %arg7[%get3A_62, %get3A_63] {strides = array<i32>} : memref<64x768xf32, #tpu.memory_space<vmem>>, vector<16xf32>,
        %get3A_65 = arith.index_cast %scan3A_42 : i32 to index
        %get3A_66 = arith.constant 32 : index
        %get3A_67 = tpu.vector_load %arg8[%get3A_65, %get3A_66] {strides = array<i32>} : memref<64x768xf32, #tpu.memory_space<vmem>>, vector<16xf32>,
        %add3A_68 = arith.addf %get3A_64, %get3A_67 : vector<16xf32>
        %swap3A_69 = arith.index_cast %scan3A_42 : i32 to index
        %swap3A_70 = arith.constant 32 : index
        %swap3A_71 = tpu.vector_load %arg7[%swap3A_69, %swap3A_70] {strides = array<i32>} : memref<64x768xf32, #tpu.memory_space<vmem>>, vector<16xf32>,
        tpu.vector_store %arg7[%swap3A_69, %swap3A_70], %add3A_68 {strides = array<i32>} : memref<64x768xf32, #tpu.memory_space<vmem>>, vector<16xf32>,
        %get3A_72 = arith.index_cast %scan3A_42 : i32 to index
        %get3A_73 = arith.constant 48 : index
        %get3A_74 = tpu.vector_load %arg7[%get3A_72, %get3A_73] {strides = array<i32>} : memref<64x768xf32, #tpu.memory_space<vmem>>, vector<16xf32>,
        %get3A_75 = arith.index_cast %scan3A_42 : i32 to index
        %get3A_76 = arith.constant 48 : index
        %get3A_77 = tpu.vector_load %arg8[%get3A_75, %get3A_76] {strides = array<i32>} : memref<64x768xf32, #tpu.memory_space<vmem>>, vector<16xf32>,
        %add3A_78 = arith.addf %get3A_74, %get3A_77 : vector<16xf32>
        %swap3A_79 = arith.index_cast %scan3A_42 : i32 to index
        %swap3A_80 = arith.constant 48 : index
        %swap3A_81 = tpu.vector_load %arg7[%swap3A_79, %swap3A_80] {strides = array<i32>} : memref<64x768xf32, #tpu.memory_space<vmem>>, vector<16xf32>,
        tpu.vector_store %arg7[%swap3A_79, %swap3A_80], %add3A_78 {strides = array<i32>} : memref<64x768xf32, #tpu.memory_space<vmem>>, vector<16xf32>,
        %get3A_82 = arith.index_cast %scan3A_42 : i32 to index
        %get3A_83 = arith.constant 64 : index
        %get3A_84 = tpu.vector_load %arg7[%get3A_82, %get3A_83] {strides = array<i32>} : memref<64x768xf32, #tpu.memory_space<vmem>>, vector<16xf32>,
        %get3A_85 = arith.index_cast %scan3A_42 : i32 to index
        %get3A_86 = arith.constant 64 : index
        %get3A_87 = tpu.vector_load %arg8[%get3A_85, %get3A_86] {strides = array<i32>} : memref<64x768xf32, #tpu.memory_space<vmem>>, vector<16xf32>,
        %add3A_88 = arith.addf %get3A_84, %get3A_87 : vector<16xf32>
        %swap3A_89 = arith.index_cast %scan3A_42 : i32 to index
        %swap3A_90 = arith.constant 64 : index
        %swap3A_91 = tpu.vector_load %arg7[%swap3A_89, %swap3A_90] {strides = array<i32>} : memref<64x768xf32, #tpu.memory_space<vmem>>, vector<16xf32>,
        tpu.vector_store %arg7[%swap3A_89, %swap3A_90], %add3A_88 {strides = array<i32>} : memref<64x768xf32, #tpu.memory_space<vmem>>, vector<16xf32>,
        %get3A_92 = arith.index_cast %scan3A_42 : i32 to index
        %get3A_93 = arith.constant 80 : index
        %get3A_94 = tpu.vector_load %arg7[%get3A_92, %get3A_93] {strides = array<i32>} : memref<64x768xf32, #tpu.memory_space<vmem>>, vector<16xf32>,
        %get3A_95 = arith.index_cast %scan3A_42 : i32 to index
        %get3A_96 = arith.constant 80 : index
        %get3A_97 = tpu.vector_load %arg8[%get3A_95, %get3A_96] {strides = array<i32>} : memref<64x768xf32, #tpu.memory_space<vmem>>, vector<16xf32>,
        %add3A_98 = arith.addf %get3A_94, %get3A_97 : vector<16xf32>
        %swap3A_99 = arith.index_cast %scan3A_42 : i32 to index
        %swap3A_100 = arith.constant 80 : index
        %swap3A_101 = tpu.vector_load %arg7[%swap3A_99, %swap3A_100] {strides = array<i32>} : memref<64x768xf32, #tpu.memory_space<vmem>>, vector<16xf32>,
        tpu.vector_store %arg7[%swap3A_99, %swap3A_100], %add3A_98 {strides = array<i32>} : memref<64x768xf32, #tpu.memory_space<vmem>>, vector<16xf32>,
        %get3A_102 = arith.index_cast %scan3A_42 : i32 to index
        %get3A_103 = arith.constant 96 : index
        %get3A_104 = tpu.vector_load %arg7[%get3A_102, %get3A_103] {strides = array<i32>} : memref<64x768xf32, #tpu.memory_space<vmem>>, vector<16xf32>,
        %get3A_105 = arith.index_cast %scan3A_42 : i32 to index
        %get3A_106 = arith.constant 96 : index
        %get3A_107 = tpu.vector_load %arg8[%get3A_105, %get3A_106] {strides = array<i32>} : memref<64x768xf32, #tpu.memory_space<vmem>>, vector<16xf32>,
        %add3A_108 = arith.addf %get3A_104, %get3A_107 : vector<16xf32>
        %swap3A_109 = arith.index_cast %scan3A_42 : i32 to index
        %swap3A_110 = arith.constant 96 : index
        %swap3A_111 = tpu.vector_load %arg7[%swap3A_109, %swap3A_110] {strides = array<i32>} : memref<64x768xf32, #tpu.memory_space<vmem>>, vector<16xf32>,
        tpu.vector_store %arg7[%swap3A_109, %swap3A_110], %add3A_108 {strides = array<i32>} : memref<64x768xf32, #tpu.memory_space<vmem>>, vector<16xf32>,
        %get3A_112 = arith.index_cast %scan3A_42 : i32 to index
        %get3A_113 = arith.constant 112 : index
        %get3A_114 = tpu.vector_load %arg7[%get3A_112, %get3A_113] {strides = array<i32>} : memref<64x768xf32, #tpu.memory_space<vmem>>, vector<16xf32>,
        %get3A_115 = arith.index_cast %scan3A_42 : i32 to index
        %get3A_116 = arith.constant 112 : index
        %get3A_117 = tpu.vector_load %arg8[%get3A_115, %get3A_116] {strides = array<i32>} : memref<64x768xf32, #tpu.memory_space<vmem>>, vector<16xf32>,
        %add3A_118 = arith.addf %get3A_114, %get3A_117 : vector<16xf32>
        %swap3A_119 = arith.index_cast %scan3A_42 : i32 to index
        %swap3A_120 = arith.constant 112 : index
        %swap3A_121 = tpu.vector_load %arg7[%swap3A_119, %swap3A_120] {strides = array<i32>} : memref<64x768xf32, #tpu.memory_space<vmem>>, vector<16xf32>,
        tpu.vector_store %arg7[%swap3A_119, %swap3A_120], %add3A_118 {strides = array<i32>} : memref<64x768xf32, #tpu.memory_space<vmem>>, vector<16xf32>,
        %get3A_122 = arith.index_cast %scan3A_42 : i32 to index
        %get3A_123 = arith.constant 128 : index
        %get3A_124 = tpu.vector_load %arg7[%get3A_122, %get3A_123] {strides = array<i32>} : memref<64x768xf32, #tpu.memory_space<vmem>>, vector<16xf32>,
        %get3A_125 = arith.index_cast %scan3A_42 : i32 to index
        %get3A_126 = arith.constant 128 : index
        %get3A_127 = tpu.vector_load %arg8[%get3A_125, %get3A_126] {strides = array<i32>} : memref<64x768xf32, #tpu.memory_space<vmem>>, vector<16xf32>,
        %add3A_128 = arith.addf %get3A_124, %get3A_127 : vector<16xf32>
        %swap3A_129 = arith.index_cast %scan3A_42 : i32 to index
        %swap3A_130 = arith.constant 128 : index
        %swap3A_131 = tpu.vector_load %arg7[%swap3A_129, %swap3A_130] {strides = array<i32>} : memref<64x768xf32, #tpu.memory_space<vmem>>, vector<16xf32>,
        tpu.vector_store %arg7[%swap3A_129, %swap3A_130], %add3A_128 {strides = array<i32>} : memref<64x768xf32, #tpu.memory_space<vmem>>, vector<16xf32>,
        %get3A_132 = arith.index_cast %scan3A_42 : i32 to index
        %get3A_133 = arith.constant 144 : index
        %get3A_134 = tpu.vector_load %arg7[%get3A_132, %get3A_133] {strides = array<i32>} : memref<64x768xf32, #tpu.memory_space<vmem>>, vector<16xf32>,
        %get3A_135 = arith.index_cast %scan3A_42 : i32 to index
        %get3A_136 = arith.constant 144 : index
        %get3A_137 = tpu.vector_load %arg8[%get3A_135, %get3A_136] {strides = array<i32>} : memref<64x768xf32, #tpu.memory_space<vmem>>, vector<16xf32>,
        %add3A_138 = arith.addf %get3A_134, %get3A_137 : vector<16xf32>
        %swap3A_139 = arith.index_cast %scan3A_42 : i32 to index
        %swap3A_140 = arith.constant 144 : index
        %swap3A_141 = tpu.vector_load %arg7[%swap3A_139, %swap3A_140] {strides = array<i32>} : memref<64x768xf32, #tpu.memory_space<vmem>>, vector<16xf32>,
        tpu.vector_store %arg7[%swap3A_139, %swap3A_140], %add3A_138 {strides = array<i32>} : memref<64x768xf32, #tpu.memory_space<vmem>>, vector<16xf32>,
        %get3A_142 = arith.index_cast %scan3A_42 : i32 to index
        %get3A_143 = arith.constant 160 : index
        %get3A_144 = tpu.vector_load %arg7[%get3A_142, %get3A_143] {strides = array<i32>} : memref<64x768xf32, #tpu.memory_space<vmem>>, vector<16xf32>,
        %get3A_145 = arith.index_cast %scan3A_42 : i32 to index
        %get3A_146 = arith.constant 160 : index
        %get3A_147 = tpu.vector_load %arg8[%get3A_145, %get3A_146] {strides = array<i32>} : memref<64x768xf32, #tpu.memory_space<vmem>>, vector<16xf32>,
        %add3A_148 = arith.addf %get3A_144, %get3A_147 : vector<16xf32>
        %swap3A_149 = arith.index_cast %scan3A_42 : i32 to index
        %swap3A_150 = arith.constant 160 : index
        %swap3A_151 = tpu.vector_load %arg7[%swap3A_149, %swap3A_150] {strides = array<i32>} : memref<64x768xf32, #tpu.memory_space<vmem>>, vector<16xf32>,
        tpu.vector_store %arg7[%swap3A_149, %swap3A_150], %add3A_148 {strides = array<i32>} : memref<64x768xf32, #tpu.memory_space<vmem>>, vector<16xf32>,
        %get3A_152 = arith.index_cast %scan3A_42 : i32 to index
        %get3A_153 = arith.constant 176 : index
        %get3A_154 = tpu.vector_load %arg7[%get3A_152, %get3A_153] {strides = array<i32>} : memref<64x768xf32, #tpu.memory_space<vmem>>, vector<16xf32>,
        %get3A_155 = arith.index_cast %scan3A_42 : i32 to index
        %get3A_156 = arith.constant 176 : index
        %get3A_157 = tpu.vector_load %arg8[%get3A_155, %get3A_156] {strides = array<i32>} : memref<64x768xf32, #tpu.memory_space<vmem>>, vector<16xf32>,
        %add3A_158 = arith.addf %get3A_154, %get3A_157 : vector<16xf32>
        %swap3A_159 = arith.index_cast %scan3A_42 : i32 to index
        %swap3A_160 = arith.constant 176 : index
        %swap3A_161 = tpu.vector_load %arg7[%swap3A_159, %swap3A_160] {strides = array<i32>} : memref<64x768xf32, #tpu.memory_space<vmem>>, vector<16xf32>,
        tpu.vector_store %arg7[%swap3A_159, %swap3A_160], %add3A_158 {strides = array<i32>} : memref<64x768xf32, #tpu.memory_space<vmem>>, vector<16xf32>,
        %get3A_162 = arith.index_cast %scan3A_42 : i32 to index
        %get3A_163 = arith.constant 192 : index
        %get3A_164 = tpu.vector_load %arg7[%get3A_162, %get3A_163] {strides = array<i32>} : memref<64x768xf32, #tpu.memory_space<vmem>>, vector<16xf32>,
        %get3A_165 = arith.index_cast %scan3A_42 : i32 to index
        %get3A_166 = arith.constant 192 : index
        %get3A_167 = tpu.vector_load %arg8[%get3A_165, %get3A_166] {strides = array<i32>} : memref<64x768xf32, #tpu.memory_space<vmem>>, vector<16xf32>,
        %add3A_168 = arith.addf %get3A_164, %get3A_167 : vector<16xf32>
        %swap3A_169 = arith.index_cast %scan3A_42 : i32 to index
        %swap3A_170 = arith.constant 192 : index
        %swap3A_171 = tpu.vector_load %arg7[%swap3A_169, %swap3A_170] {strides = array<i32>} : memref<64x768xf32, #tpu.memory_space<vmem>>, vector<16xf32>,
        tpu.vector_store %arg7[%swap3A_169, %swap3A_170], %add3A_168 {strides = array<i32>} : memref<64x768xf32, #tpu.memory_space<vmem>>, vector<16xf32>,
        %get3A_172 = arith.index_cast %scan3A_42 : i32 to index
        %get3A_173 = arith.constant 208 : index
        %get3A_174 = tpu.vector_load %arg7[%get3A_172, %get3A_173] {strides = array<i32>} : memref<64x768xf32, #tpu.memory_space<vmem>>, vector<16xf32>,
        %get3A_175 = arith.index_cast %scan3A_42 : i32 to index
        %get3A_176 = arith.constant 208 : index
        %get3A_177 = tpu.vector_load %arg8[%get3A_175, %get3A_176] {strides = array<i32>} : memref<64x768xf32, #tpu.memory_space<vmem>>, vector<16xf32>,
        %add3A_178 = arith.addf %get3A_174, %get3A_177 : vector<16xf32>
        %swap3A_179 = arith.index_cast %scan3A_42 : i32 to index
        %swap3A_180 = arith.constant 208 : index
        %swap3A_181 = tpu.vector_load %arg7[%swap3A_179, %swap3A_180] {strides = array<i32>} : memref<64x768xf32, #tpu.memory_space<vmem>>, vector<16xf32>,
        tpu.vector_store %arg7[%swap3A_179, %swap3A_180], %add3A_178 {strides = array<i32>} : memref<64x768xf32, #tpu.memory_space<vmem>>, vector<16xf32>,
        %get3A_182 = arith.index_cast %scan3A_42 : i32 to index
        %get3A_183 = arith.constant 224 : index
        %get3A_184 = tpu.vector_load %arg7[%get3A_182, %get3A_183] {strides = array<i32>} : memref<64x768xf32, #tpu.memory_space<vmem>>, vector<16xf32>,
        %get3A_185 = arith.index_cast %scan3A_42 : i32 to index
        %get3A_186 = arith.constant 224 : index
        %get3A_187 = tpu.vector_load %arg8[%get3A_185, %get3A_186] {strides = array<i32>} : memref<64x768xf32, #tpu.memory_space<vmem>>, vector<16xf32>,
        %add3A_188 = arith.addf %get3A_184, %get3A_187 : vector<16xf32>
        %swap3A_189 = arith.index_cast %scan3A_42 : i32 to index
        %swap3A_190 = arith.constant 224 : index
        %swap3A_191 = tpu.vector_load %arg7[%swap3A_189, %swap3A_190] {strides = array<i32>} : memref<64x768xf32, #tpu.memory_space<vmem>>, vector<16xf32>,
        tpu.vector_store %arg7[%swap3A_189, %swap3A_190], %add3A_188 {strides = array<i32>} : memref<64x768xf32, #tpu.memory_space<vmem>>, vector<16xf32>,
        %get3A_192 = arith.index_cast %scan3A_42 : i32 to index
        %get3A_193 = arith.constant 240 : index
        %get3A_194 = tpu.vector_load %arg7[%get3A_192, %get3A_193] {strides = array<i32>} : memref<64x768xf32, #tpu.memory_space<vmem>>, vector<16xf32>,
        %get3A_195 = arith.index_cast %scan3A_42 : i32 to index
        %get3A_196 = arith.constant 240 : index
        %get3A_197 = tpu.vector_load %arg8[%get3A_195, %get3A_196] {strides = array<i32>} : memref<64x768xf32, #tpu.memory_space<vmem>>, vector<16xf32>,
        %add3A_198 = arith.addf %get3A_194, %get3A_197 : vector<16xf32>
        %swap3A_199 = arith.index_cast %scan3A_42 : i32 to index
        %swap3A_200 = arith.constant 240 : index
        %swap3A_201 = tpu.vector_load %arg7[%swap3A_199, %swap3A_200] {strides = array<i32>} : memref<64x768xf32, #tpu.memory_space<vmem>>, vector<16xf32>,
        tpu.vector_store %arg7[%swap3A_199, %swap3A_200], %add3A_198 {strides = array<i32>} : memref<64x768xf32, #tpu.memory_space<vmem>>, vector<16xf32>,
        %get3A_202 = arith.index_cast %scan3A_42 : i32 to index
        %get3A_203 = arith.constant 256 : index
        %get3A_204 = tpu.vector_load %arg7[%get3A_202, %get3A_203] {strides = array<i32>} : memref<64x768xf32, #tpu.memory_space<vmem>>, vector<16xf32>,
        %get3A_205 = arith.index_cast %scan3A_42 : i32 to index
        %get3A_206 = arith.constant 256 : index
        %get3A_207 = tpu.vector_load %arg8[%get3A_205, %get3A_206] {strides = array<i32>} : memref<64x768xf32, #tpu.memory_space<vmem>>, vector<16xf32>,
        %add3A_208 = arith.addf %get3A_204, %get3A_207 : vector<16xf32>
        %swap3A_209 = arith.index_cast %scan3A_42 : i32 to index
        %swap3A_210 = arith.constant 256 : index
        %swap3A_211 = tpu.vector_load %arg7[%swap3A_209, %swap3A_210] {strides = array<i32>} : memref<64x768xf32, #tpu.memory_space<vmem>>, vector<16xf32>,
        tpu.vector_store %arg7[%swap3A_209, %swap3A_210], %add3A_208 {strides = array<i32>} : memref<64x768xf32, #tpu.memory_space<vmem>>, vector<16xf32>,
        %get3A_212 = arith.index_cast %scan3A_42 : i32 to index
        %get3A_213 = arith.constant 272 : index
        %get3A_214 = tpu.vector_load %arg7[%get3A_212, %get3A_213] {strides = array<i32>} : memref<64x768xf32, #tpu.memory_space<vmem>>, vector<16xf32>,
        %get3A_215 = arith.index_cast %scan3A_42 : i32 to index
        %get3A_216 = arith.constant 272 : index
        %get3A_217 = tpu.vector_load %arg8[%get3A_215, %get3A_216] {strides = array<i32>} : memref<64x768xf32, #tpu.memory_space<vmem>>, vector<16xf32>,
        %add3A_218 = arith.addf %get3A_214, %get3A_217 : vector<16xf32>
        %swap3A_219 = arith.index_cast %scan3A_42 : i32 to index
        %swap3A_220 = arith.constant 272 : index
        %swap3A_221 = tpu.vector_load %arg7[%swap3A_219, %swap3A_220] {strides = array<i32>} : memref<64x768xf32, #tpu.memory_space<vmem>>, vector<16xf32>,
        tpu.vector_store %arg7[%swap3A_219, %swap3A_220], %add3A_218 {strides = array<i32>} : memref<64x768xf32, #tpu.memory_space<vmem>>, vector<16xf32>,
        %get3A_222 = arith.index_cast %scan3A_42 : i32 to index
        %get3A_223 = arith.constant 288 : index
        %get3A_224 = tpu.vector_load %arg7[%get3A_222, %get3A_223] {strides = array<i32>} : memref<64x768xf32, #tpu.memory_space<vmem>>, vector<16xf32>,
        %get3A_225 = arith.index_cast %scan3A_42 : i32 to index
        %get3A_226 = arith.constant 288 : index
        %get3A_227 = tpu.vector_load %arg8[%get3A_225, %get3A_226] {strides = array<i32>} : memref<64x768xf32, #tpu.memory_space<vmem>>, vector<16xf32>,
        %add3A_228 = arith.addf %get3A_224, %get3A_227 : vector<16xf32>
        %swap3A_229 = arith.index_cast %scan3A_42 : i32 to index
        %swap3A_230 = arith.constant 288 : index
        %swap3A_231 = tpu.vector_load %arg7[%swap3A_229, %swap3A_230] {strides = array<i32>} : memref<64x768xf32, #tpu.memory_space<vmem>>, vector<16xf32>,
        tpu.vector_store %arg7[%swap3A_229, %swap3A_230], %add3A_228 {strides = array<i32>} : memref<64x768xf32, #tpu.memory_space<vmem>>, vector<16xf32>,
        %get3A_232 = arith.index_cast %scan3A_42 : i32 to index
        %get3A_233 = arith.constant 304 : index
        %get3A_234 = tpu.vector_load %arg7[%get3A_232, %get3A_233] {strides = array<i32>} : memref<64x768xf32, #tpu.memory_space<vmem>>, vector<16xf32>,
        %get3A_235 = arith.index_cast %scan3A_42 : i32 to index
        %get3A_236 = arith.constant 304 : index
        %get3A_237 = tpu.vector_load %arg8[%get3A_235, %get3A_236] {strides = array<i32>} : memref<64x768xf32, #tpu.memory_space<vmem>>, vector<16xf32>,
        %add3A_238 = arith.addf %get3A_234, %get3A_237 : vector<16xf32>
        %swap3A_239 = arith.index_cast %scan3A_42 : i32 to index
        %swap3A_240 = arith.constant 304 : index
        %swap3A_241 = tpu.vector_load %arg7[%swap3A_239, %swap3A_240] {strides = array<i32>} : memref<64x768xf32, #tpu.memory_space<vmem>>, vector<16xf32>,
        tpu.vector_store %arg7[%swap3A_239, %swap3A_240], %add3A_238 {strides = array<i32>} : memref<64x768xf32, #tpu.memory_space<vmem>>, vector<16xf32>,
        %get3A_242 = arith.index_cast %scan3A_42 : i32 to index
        %get3A_243 = arith.constant 320 : index
        %get3A_244 = tpu.vector_load %arg7[%get3A_242, %get3A_243] {strides = array<i32>} : memref<64x768xf32, #tpu.memory_space<vmem>>, vector<16xf32>,
        %get3A_245 = arith.index_cast %scan3A_42 : i32 to index
        %get3A_246 = arith.constant 320 : index
        %get3A_247 = tpu.vector_load %arg8[%get3A_245, %get3A_246] {strides = array<i32>} : memref<64x768xf32, #tpu.memory_space<vmem>>, vector<16xf32>,
        %add3A_248 = arith.addf %get3A_244, %get3A_247 : vector<16xf32>
        %swap3A_249 = arith.index_cast %scan3A_42 : i32 to index
        %swap3A_250 = arith.constant 320 : index
        %swap3A_251 = tpu.vector_load %arg7[%swap3A_249, %swap3A_250] {strides = array<i32>} : memref<64x768xf32, #tpu.memory_space<vmem>>, vector<16xf32>,
        tpu.vector_store %arg7[%swap3A_249, %swap3A_250], %add3A_248 {strides = array<i32>} : memref<64x768xf32, #tpu.memory_space<vmem>>, vector<16xf32>,
        %get3A_252 = arith.index_cast %scan3A_42 : i32 to index
        %get3A_253 = arith.constant 336 : index
        %get3A_254 = tpu.vector_load %arg7[%get3A_252, %get3A_253] {strides = array<i32>} : memref<64x768xf32, #tpu.memory_space<vmem>>, vector<16xf32>,
        %get3A_255 = arith.index_cast %scan3A_42 : i32 to index
        %get3A_256 = arith.constant 336 : index
        %get3A_257 = tpu.vector_load %arg8[%get3A_255, %get3A_256] {strides = array<i32>} : memref<64x768xf32, #tpu.memory_space<vmem>>, vector<16xf32>,
        %add3A_258 = arith.addf %get3A_254, %get3A_257 : vector<16xf32>
        %swap3A_259 = arith.index_cast %scan3A_42 : i32 to index
        %swap3A_260 = arith.constant 336 : index
        %swap3A_261 = tpu.vector_load %arg7[%swap3A_259, %swap3A_260] {strides = array<i32>} : memref<64x768xf32, #tpu.memory_space<vmem>>, vector<16xf32>,
        tpu.vector_store %arg7[%swap3A_259, %swap3A_260], %add3A_258 {strides = array<i32>} : memref<64x768xf32, #tpu.memory_space<vmem>>, vector<16xf32>,
        %get3A_262 = arith.index_cast %scan3A_42 : i32 to index
        %get3A_263 = arith.constant 352 : index
        %get3A_264 = tpu.vector_load %arg7[%get3A_262, %get3A_263] {strides = array<i32>} : memref<64x768xf32, #tpu.memory_space<vmem>>, vector<16xf32>,
        %get3A_265 = arith.index_cast %scan3A_42 : i32 to index
        %get3A_266 = arith.constant 352 : index
        %get3A_267 = tpu.vector_load %arg8[%get3A_265, %get3A_266] {strides = array<i32>} : memref<64x768xf32, #tpu.memory_space<vmem>>, vector<16xf32>,
        %add3A_268 = arith.addf %get3A_264, %get3A_267 : vector<16xf32>
        %swap3A_269 = arith.index_cast %scan3A_42 : i32 to index
        %swap3A_270 = arith.constant 352 : index
        %swap3A_271 = tpu.vector_load %arg7[%swap3A_269, %swap3A_270] {strides = array<i32>} : memref<64x768xf32, #tpu.memory_space<vmem>>, vector<16xf32>,
        tpu.vector_store %arg7[%swap3A_269, %swap3A_270], %add3A_268 {strides = array<i32>} : memref<64x768xf32, #tpu.memory_space<vmem>>, vector<16xf32>,
        %get3A_272 = arith.index_cast %scan3A_42 : i32 to index
        %get3A_273 = arith.constant 368 : index
        %get3A_274 = tpu.vector_load %arg7[%get3A_272, %get3A_273] {strides = array<i32>} : memref<64x768xf32, #tpu.memory_space<vmem>>, vector<16xf32>,
        %get3A_275 = arith.index_cast %scan3A_42 : i32 to index
        %get3A_276 = arith.constant 368 : index
        %get3A_277 = tpu.vector_load %arg8[%get3A_275, %get3A_276] {strides = array<i32>} : memref<64x768xf32, #tpu.memory_space<vmem>>, vector<16xf32>,
        %add3A_278 = arith.addf %get3A_274, %get3A_277 : vector<16xf32>
        %swap3A_279 = arith.index_cast %scan3A_42 : i32 to index
        %swap3A_280 = arith.constant 368 : index
        %swap3A_281 = tpu.vector_load %arg7[%swap3A_279, %swap3A_280] {strides = array<i32>} : memref<64x768xf32, #tpu.memory_space<vmem>>, vector<16xf32>,
        tpu.vector_store %arg7[%swap3A_279, %swap3A_280], %add3A_278 {strides = array<i32>} : memref<64x768xf32, #tpu.memory_space<vmem>>, vector<16xf32>,
        %get3A_282 = arith.index_cast %scan3A_42 : i32 to index
        %get3A_283 = arith.constant 384 : index
        %get3A_284 = tpu.vector_load %arg7[%get3A_282, %get3A_283] {strides = array<i32>} : memref<64x768xf32, #tpu.memory_space<vmem>>, vector<16xf32>,
        %get3A_285 = arith.index_cast %scan3A_42 : i32 to index
        %get3A_286 = arith.constant 384 : index
        %get3A_287 = tpu.vector_load %arg8[%get3A_285, %get3A_286] {strides = array<i32>} : memref<64x768xf32, #tpu.memory_space<vmem>>, vector<16xf32>,
        %add3A_288 = arith.addf %get3A_284, %get3A_287 : vector<16xf32>
        %swap3A_289 = arith.index_cast %scan3A_42 : i32 to index
        %swap3A_290 = arith.constant 384 : index
        %swap3A_291 = tpu.vector_load %arg7[%swap3A_289, %swap3A_290] {strides = array<i32>} : memref<64x768xf32, #tpu.memory_space<vmem>>, vector<16xf32>,
        tpu.vector_store %arg7[%swap3A_289, %swap3A_290], %add3A_288 {strides = array<i32>} : memref<64x768xf32, #tpu.memory_space<vmem>>, vector<16xf32>,
        %get3A_292 = arith.index_cast %scan3A_42 : i32 to index
        %get3A_293 = arith.constant 400 : index
        %get3A_294 = tpu.vector_load %arg7[%get3A_292, %get3A_293] {strides = array<i32>} : memref<64x768xf32, #tpu.memory_space<vmem>>, vector<16xf32>,
        %get3A_295 = arith.index_cast %scan3A_42 : i32 to index
        %get3A_296 = arith.constant 400 : index
        %get3A_297 = tpu.vector_load %arg8[%get3A_295, %get3A_296] {strides = array<i32>} : memref<64x768xf32, #tpu.memory_space<vmem>>, vector<16xf32>,
        %add3A_298 = arith.addf %get3A_294, %get3A_297 : vector<16xf32>
        %swap3A_299 = arith.index_cast %scan3A_42 : i32 to index
        %swap3A_300 = arith.constant 400 : index
        %swap3A_301 = tpu.vector_load %arg7[%swap3A_299, %swap3A_300] {strides = array<i32>} : memref<64x768xf32, #tpu.memory_space<vmem>>, vector<16xf32>,
        tpu.vector_store %arg7[%swap3A_299, %swap3A_300], %add3A_298 {strides = array<i32>} : memref<64x768xf32, #tpu.memory_space<vmem>>, vector<16xf32>,
        %get3A_302 = arith.index_cast %scan3A_42 : i32 to index
        %get3A_303 = arith.constant 416 : index
        %get3A_304 = tpu.vector_load %arg7[%get3A_302, %get3A_303] {strides = array<i32>} : memref<64x768xf32, #tpu.memory_space<vmem>>, vector<16xf32>,
        %get3A_305 = arith.index_cast %scan3A_42 : i32 to index
        %get3A_306 = arith.constant 416 : index
        %get3A_307 = tpu.vector_load %arg8[%get3A_305, %get3A_306] {strides = array<i32>} : memref<64x768xf32, #tpu.memory_space<vmem>>, vector<16xf32>,
        %add3A_308 = arith.addf %get3A_304, %get3A_307 : vector<16xf32>
        %swap3A_309 = arith.index_cast %scan3A_42 : i32 to index
        %swap3A_310 = arith.constant 416 : index
        %swap3A_311 = tpu.vector_load %arg7[%swap3A_309, %swap3A_310] {strides = array<i32>} : memref<64x768xf32, #tpu.memory_space<vmem>>, vector<16xf32>,
        tpu.vector_store %arg7[%swap3A_309, %swap3A_310], %add3A_308 {strides = array<i32>} : memref<64x768xf32, #tpu.memory_space<vmem>>, vector<16xf32>,
        %get3A_312 = arith.index_cast %scan3A_42 : i32 to index
        %get3A_313 = arith.constant 432 : index
        %get3A_314 = tpu.vector_load %arg7[%get3A_312, %get3A_313] {strides = array<i32>} : memref<64x768xf32, #tpu.memory_space<vmem>>, vector<16xf32>,
        %get3A_315 = arith.index_cast %scan3A_42 : i32 to index
        %get3A_316 = arith.constant 432 : index
        %get3A_317 = tpu.vector_load %arg8[%get3A_315, %get3A_316] {strides = array<i32>} : memref<64x768xf32, #tpu.memory_space<vmem>>, vector<16xf32>,
        %add3A_318 = arith.addf %get3A_314, %get3A_317 : vector<16xf32>
        %swap3A_319 = arith.index_cast %scan3A_42 : i32 to index
        %swap3A_320 = arith.constant 432 : index
        %swap3A_321 = tpu.vector_load %arg7[%swap3A_319, %swap3A_320] {strides = array<i32>} : memref<64x768xf32, #tpu.memory_space<vmem>>, vector<16xf32>,
        tpu.vector_store %arg7[%swap3A_319, %swap3A_320], %add3A_318 {strides = array<i32>} : memref<64x768xf32, #tpu.memory_space<vmem>>, vector<16xf32>,
        %get3A_322 = arith.index_cast %scan3A_42 : i32 to index
        %get3A_323 = arith.constant 448 : index
        %get3A_324 = tpu.vector_load %arg7[%get3A_322, %get3A_323] {strides = array<i32>} : memref<64x768xf32, #tpu.memory_space<vmem>>, vector<16xf32>,
        %get3A_325 = arith.index_cast %scan3A_42 : i32 to index
        %get3A_326 = arith.constant 448 : index
        %get3A_327 = tpu.vector_load %arg8[%get3A_325, %get3A_326] {strides = array<i32>} : memref<64x768xf32, #tpu.memory_space<vmem>>, vector<16xf32>,
        %add3A_328 = arith.addf %get3A_324, %get3A_327 : vector<16xf32>
        %swap3A_329 = arith.index_cast %scan3A_42 : i32 to index
        %swap3A_330 = arith.constant 448 : index
        %swap3A_331 = tpu.vector_load %arg7[%swap3A_329, %swap3A_330] {strides = array<i32>} : memref<64x768xf32, #tpu.memory_space<vmem>>, vector<16xf32>,
        tpu.vector_store %arg7[%swap3A_329, %swap3A_330], %add3A_328 {strides = array<i32>} : memref<64x768xf32, #tpu.memory_space<vmem>>, vector<16xf32>,
        %get3A_332 = arith.index_cast %scan3A_42 : i32 to index
        %get3A_333 = arith.constant 464 : index
        %get3A_334 = tpu.vector_load %arg7[%get3A_332, %get3A_333] {strides = array<i32>} : memref<64x768xf32, #tpu.memory_space<vmem>>, vector<16xf32>,
        %get3A_335 = arith.index_cast %scan3A_42 : i32 to index
        %get3A_336 = arith.constant 464 : index
        %get3A_337 = tpu.vector_load %arg8[%get3A_335, %get3A_336] {strides = array<i32>} : memref<64x768xf32, #tpu.memory_space<vmem>>, vector<16xf32>,
        %add3A_338 = arith.addf %get3A_334, %get3A_337 : vector<16xf32>
        %swap3A_339 = arith.index_cast %scan3A_42 : i32 to index
        %swap3A_340 = arith.constant 464 : index
        %swap3A_341 = tpu.vector_load %arg7[%swap3A_339, %swap3A_340] {strides = array<i32>} : memref<64x768xf32, #tpu.memory_space<vmem>>, vector<16xf32>,
        tpu.vector_store %arg7[%swap3A_339, %swap3A_340], %add3A_338 {strides = array<i32>} : memref<64x768xf32, #tpu.memory_space<vmem>>, vector<16xf32>,
        %get3A_342 = arith.index_cast %scan3A_42 : i32 to index
        %get3A_343 = arith.constant 480 : index
        %get3A_344 = tpu.vector_load %arg7[%get3A_342, %get3A_343] {strides = array<i32>} : memref<64x768xf32, #tpu.memory_space<vmem>>, vector<16xf32>,
        %get3A_345 = arith.index_cast %scan3A_42 : i32 to index
        %get3A_346 = arith.constant 480 : index
        %get3A_347 = tpu.vector_load %arg8[%get3A_345, %get3A_346] {strides = array<i32>} : memref<64x768xf32, #tpu.memory_space<vmem>>, vector<16xf32>,
        %add3A_348 = arith.addf %get3A_344, %get3A_347 : vector<16xf32>
        %swap3A_349 = arith.index_cast %scan3A_42 : i32 to index
        %swap3A_350 = arith.constant 480 : index
        %swap3A_351 = tpu.vector_load %arg7[%swap3A_349, %swap3A_350] {strides = array<i32>} : memref<64x768xf32, #tpu.memory_space<vmem>>, vector<16xf32>,
        tpu.vector_store %arg7[%swap3A_349, %swap3A_350], %add3A_348 {strides = array<i32>} : memref<64x768xf32, #tpu.memory_space<vmem>>, vector<16xf32>,
        %get3A_352 = arith.index_cast %scan3A_42 : i32 to index
        %get3A_353 = arith.constant 496 : index
        %get3A_354 = tpu.vector_load %arg7[%get3A_352, %get3A_353] {strides = array<i32>} : memref<64x768xf32, #tpu.memory_space<vmem>>, vector<16xf32>,
        %get3A_355 = arith.index_cast %scan3A_42 : i32 to index
        %get3A_356 = arith.constant 496 : index
        %get3A_357 = tpu.vector_load %arg8[%get3A_355, %get3A_356] {strides = array<i32>} : memref<64x768xf32, #tpu.memory_space<vmem>>, vector<16xf32>,
        %add3A_358 = arith.addf %get3A_354, %get3A_357 : vector<16xf32>
        %swap3A_359 = arith.index_cast %scan3A_42 : i32 to index
        %swap3A_360 = arith.constant 496 : index
        %swap3A_361 = tpu.vector_load %arg7[%swap3A_359, %swap3A_360] {strides = array<i32>} : memref<64x768xf32, #tpu.memory_space<vmem>>, vector<16xf32>,
        tpu.vector_store %arg7[%swap3A_359, %swap3A_360], %add3A_358 {strides = array<i32>} : memref<64x768xf32, #tpu.memory_space<vmem>>, vector<16xf32>,
        %get3A_362 = arith.index_cast %scan3A_42 : i32 to index
        %get3A_363 = arith.constant 512 : index
        %get3A_364 = tpu.vector_load %arg7[%get3A_362, %get3A_363] {strides = array<i32>} : memref<64x768xf32, #tpu.memory_space<vmem>>, vector<16xf32>,
        %get3A_365 = arith.index_cast %scan3A_42 : i32 to index
        %get3A_366 = arith.constant 512 : index
        %get3A_367 = tpu.vector_load %arg8[%get3A_365, %get3A_366] {strides = array<i32>} : memref<64x768xf32, #tpu.memory_space<vmem>>, vector<16xf32>,
        %add3A_368 = arith.addf %get3A_364, %get3A_367 : vector<16xf32>
        %swap3A_369 = arith.index_cast %scan3A_42 : i32 to index
        %swap3A_370 = arith.constant 512 : index
        %swap3A_371 = tpu.vector_load %arg7[%swap3A_369, %swap3A_370] {strides = array<i32>} : memref<64x768xf32, #tpu.memory_space<vmem>>, vector<16xf32>,
        tpu.vector_store %arg7[%swap3A_369, %swap3A_370], %add3A_368 {strides = array<i32>} : memref<64x768xf32, #tpu.memory_space<vmem>>, vector<16xf32>,
        %get3A_372 = arith.index_cast %scan3A_42 : i32 to index
        %get3A_373 = arith.constant 528 : index
        %get3A_374 = tpu.vector_load %arg7[%get3A_372, %get3A_373] {strides = array<i32>} : memref<64x768xf32, #tpu.memory_space<vmem>>, vector<16xf32>,
        %get3A_375 = arith.index_cast %scan3A_42 : i32 to index
        %get3A_376 = arith.constant 528 : index
        %get3A_377 = tpu.vector_load %arg8[%get3A_375, %get3A_376] {strides = array<i32>} : memref<64x768xf32, #tpu.memory_space<vmem>>, vector<16xf32>,
        %add3A_378 = arith.addf %get3A_374, %get3A_377 : vector<16xf32>
        %swap3A_379 = arith.index_cast %scan3A_42 : i32 to index
        %swap3A_380 = arith.constant 528 : index
        %swap3A_381 = tpu.vector_load %arg7[%swap3A_379, %swap3A_380] {strides = array<i32>} : memref<64x768xf32, #tpu.memory_space<vmem>>, vector<16xf32>,
        tpu.vector_store %arg7[%swap3A_379, %swap3A_380], %add3A_378 {strides = array<i32>} : memref<64x768xf32, #tpu.memory_space<vmem>>, vector<16xf32>,
        %get3A_382 = arith.index_cast %scan3A_42 : i32 to index
        %get3A_383 = arith.constant 544 : index
        %get3A_384 = tpu.vector_load %arg7[%get3A_382, %get3A_383] {strides = array<i32>} : memref<64x768xf32, #tpu.memory_space<vmem>>, vector<16xf32>,
        %get3A_385 = arith.index_cast %scan3A_42 : i32 to index
        %get3A_386 = arith.constant 544 : index
        %get3A_387 = tpu.vector_load %arg8[%get3A_385, %get3A_386] {strides = array<i32>} : memref<64x768xf32, #tpu.memory_space<vmem>>, vector<16xf32>,
        %add3A_388 = arith.addf %get3A_384, %get3A_387 : vector<16xf32>
        %swap3A_389 = arith.index_cast %scan3A_42 : i32 to index
        %swap3A_390 = arith.constant 544 : index
        %swap3A_391 = tpu.vector_load %arg7[%swap3A_389, %swap3A_390] {strides = array<i32>} : memref<64x768xf32, #tpu.memory_space<vmem>>, vector<16xf32>,
        tpu.vector_store %arg7[%swap3A_389, %swap3A_390], %add3A_388 {strides = array<i32>} : memref<64x768xf32, #tpu.memory_space<vmem>>, vector<16xf32>,
        %get3A_392 = arith.index_cast %scan3A_42 : i32 to index
        %get3A_393 = arith.constant 560 : index
        %get3A_394 = tpu.vector_load %arg7[%get3A_392, %get3A_393] {strides = array<i32>} : memref<64x768xf32, #tpu.memory_space<vmem>>, vector<16xf32>,
        %get3A_395 = arith.index_cast %scan3A_42 : i32 to index
        %get3A_396 = arith.constant 560 : index
        %get3A_397 = tpu.vector_load %arg8[%get3A_395, %get3A_396] {strides = array<i32>} : memref<64x768xf32, #tpu.memory_space<vmem>>, vector<16xf32>,
        %add3A_398 = arith.addf %get3A_394, %get3A_397 : vector<16xf32>
        %swap3A_399 = arith.index_cast %scan3A_42 : i32 to index
        %swap3A_400 = arith.constant 560 : index
        %swap3A_401 = tpu.vector_load %arg7[%swap3A_399, %swap3A_400] {strides = array<i32>} : memref<64x768xf32, #tpu.memory_space<vmem>>, vector<16xf32>,
        tpu.vector_store %arg7[%swap3A_399, %swap3A_400], %add3A_398 {strides = array<i32>} : memref<64x768xf32, #tpu.memory_space<vmem>>, vector<16xf32>,
        %get3A_402 = arith.index_cast %scan3A_42 : i32 to index
        %get3A_403 = arith.constant 576 : index
        %get3A_404 = tpu.vector_load %arg7[%get3A_402, %get3A_403] {strides = array<i32>} : memref<64x768xf32, #tpu.memory_space<vmem>>, vector<16xf32>,
        %get3A_405 = arith.index_cast %scan3A_42 : i32 to index
        %get3A_406 = arith.constant 576 : index
        %get3A_407 = tpu.vector_load %arg8[%get3A_405, %get3A_406] {strides = array<i32>} : memref<64x768xf32, #tpu.memory_space<vmem>>, vector<16xf32>,
        %add3A_408 = arith.addf %get3A_404, %get3A_407 : vector<16xf32>
        %swap3A_409 = arith.index_cast %scan3A_42 : i32 to index
        %swap3A_410 = arith.constant 576 : index
        %swap3A_411 = tpu.vector_load %arg7[%swap3A_409, %swap3A_410] {strides = array<i32>} : memref<64x768xf32, #tpu.memory_space<vmem>>, vector<16xf32>,
        tpu.vector_store %arg7[%swap3A_409, %swap3A_410], %add3A_408 {strides = array<i32>} : memref<64x768xf32, #tpu.memory_space<vmem>>, vector<16xf32>,
        %get3A_412 = arith.index_cast %scan3A_42 : i32 to index
        %get3A_413 = arith.constant 592 : index
        %get3A_414 = tpu.vector_load %arg7[%get3A_412, %get3A_413] {strides = array<i32>} : memref<64x768xf32, #tpu.memory_space<vmem>>, vector<16xf32>,
        %get3A_415 = arith.index_cast %scan3A_42 : i32 to index
        %get3A_416 = arith.constant 592 : index
        %get3A_417 = tpu.vector_load %arg8[%get3A_415, %get3A_416] {strides = array<i32>} : memref<64x768xf32, #tpu.memory_space<vmem>>, vector<16xf32>,
        %add3A_418 = arith.addf %get3A_414, %get3A_417 : vector<16xf32>
        %swap3A_419 = arith.index_cast %scan3A_42 : i32 to index
        %swap3A_420 = arith.constant 592 : index
        %swap3A_421 = tpu.vector_load %arg7[%swap3A_419, %swap3A_420] {strides = array<i32>} : memref<64x768xf32, #tpu.memory_space<vmem>>, vector<16xf32>,
        tpu.vector_store %arg7[%swap3A_419, %swap3A_420], %add3A_418 {strides = array<i32>} : memref<64x768xf32, #tpu.memory_space<vmem>>, vector<16xf32>,
        %get3A_422 = arith.index_cast %scan3A_42 : i32 to index
        %get3A_423 = arith.constant 608 : index
        %get3A_424 = tpu.vector_load %arg7[%get3A_422, %get3A_423] {strides = array<i32>} : memref<64x768xf32, #tpu.memory_space<vmem>>, vector<16xf32>,
        %get3A_425 = arith.index_cast %scan3A_42 : i32 to index
        %get3A_426 = arith.constant 608 : index
        %get3A_427 = tpu.vector_load %arg8[%get3A_425, %get3A_426] {strides = array<i32>} : memref<64x768xf32, #tpu.memory_space<vmem>>, vector<16xf32>,
        %add3A_428 = arith.addf %get3A_424, %get3A_427 : vector<16xf32>
        %swap3A_429 = arith.index_cast %scan3A_42 : i32 to index
        %swap3A_430 = arith.constant 608 : index
        %swap3A_431 = tpu.vector_load %arg7[%swap3A_429, %swap3A_430] {strides = array<i32>} : memref<64x768xf32, #tpu.memory_space<vmem>>, vector<16xf32>,
        tpu.vector_store %arg7[%swap3A_429, %swap3A_430], %add3A_428 {strides = array<i32>} : memref<64x768xf32, #tpu.memory_space<vmem>>, vector<16xf32>,
        %get3A_432 = arith.index_cast %scan3A_42 : i32 to index
        %get3A_433 = arith.constant 624 : index
        %get3A_434 = tpu.vector_load %arg7[%get3A_432, %get3A_433] {strides = array<i32>} : memref<64x768xf32, #tpu.memory_space<vmem>>, vector<16xf32>,
        %get3A_435 = arith.index_cast %scan3A_42 : i32 to index
        %get3A_436 = arith.constant 624 : index
        %get3A_437 = tpu.vector_load %arg8[%get3A_435, %get3A_436] {strides = array<i32>} : memref<64x768xf32, #tpu.memory_space<vmem>>, vector<16xf32>,
        %add3A_438 = arith.addf %get3A_434, %get3A_437 : vector<16xf32>
        %swap3A_439 = arith.index_cast %scan3A_42 : i32 to index
        %swap3A_440 = arith.constant 624 : index
        %swap3A_441 = tpu.vector_load %arg7[%swap3A_439, %swap3A_440] {strides = array<i32>} : memref<64x768xf32, #tpu.memory_space<vmem>>, vector<16xf32>,
        tpu.vector_store %arg7[%swap3A_439, %swap3A_440], %add3A_438 {strides = array<i32>} : memref<64x768xf32, #tpu.memory_space<vmem>>, vector<16xf32>,
        %get3A_442 = arith.index_cast %scan3A_42 : i32 to index
        %get3A_443 = arith.constant 640 : index
        %get3A_444 = tpu.vector_load %arg7[%get3A_442, %get3A_443] {strides = array<i32>} : memref<64x768xf32, #tpu.memory_space<vmem>>, vector<16xf32>,
        %get3A_445 = arith.index_cast %scan3A_42 : i32 to index
        %get3A_446 = arith.constant 640 : index
        %get3A_447 = tpu.vector_load %arg8[%get3A_445, %get3A_446] {strides = array<i32>} : memref<64x768xf32, #tpu.memory_space<vmem>>, vector<16xf32>,
        %add3A_448 = arith.addf %get3A_444, %get3A_447 : vector<16xf32>
        %swap3A_449 = arith.index_cast %scan3A_42 : i32 to index
        %swap3A_450 = arith.constant 640 : index
        %swap3A_451 = tpu.vector_load %arg7[%swap3A_449, %swap3A_450] {strides = array<i32>} : memref<64x768xf32, #tpu.memory_space<vmem>>, vector<16xf32>,
        tpu.vector_store %arg7[%swap3A_449, %swap3A_450], %add3A_448 {strides = array<i32>} : memref<64x768xf32, #tpu.memory_space<vmem>>, vector<16xf32>,
        %get3A_452 = arith.index_cast %scan3A_42 : i32 to index
        %get3A_453 = arith.constant 656 : index
        %get3A_454 = tpu.vector_load %arg7[%get3A_452, %get3A_453] {strides = array<i32>} : memref<64x768xf32, #tpu.memory_space<vmem>>, vector<16xf32>,
        %get3A_455 = arith.index_cast %scan3A_42 : i32 to index
        %get3A_456 = arith.constant 656 : index
        %get3A_457 = tpu.vector_load %arg8[%get3A_455, %get3A_456] {strides = array<i32>} : memref<64x768xf32, #tpu.memory_space<vmem>>, vector<16xf32>,
        %add3A_458 = arith.addf %get3A_454, %get3A_457 : vector<16xf32>
        %swap3A_459 = arith.index_cast %scan3A_42 : i32 to index
        %swap3A_460 = arith.constant 656 : index
        %swap3A_461 = tpu.vector_load %arg7[%swap3A_459, %swap3A_460] {strides = array<i32>} : memref<64x768xf32, #tpu.memory_space<vmem>>, vector<16xf32>,
        tpu.vector_store %arg7[%swap3A_459, %swap3A_460], %add3A_458 {strides = array<i32>} : memref<64x768xf32, #tpu.memory_space<vmem>>, vector<16xf32>,
        %get3A_462 = arith.index_cast %scan3A_42 : i32 to index
        %get3A_463 = arith.constant 672 : index
        %get3A_464 = tpu.vector_load %arg7[%get3A_462, %get3A_463] {strides = array<i32>} : memref<64x768xf32, #tpu.memory_space<vmem>>, vector<16xf32>,
        %get3A_465 = arith.index_cast %scan3A_42 : i32 to index
        %get3A_466 = arith.constant 672 : index
        %get3A_467 = tpu.vector_load %arg8[%get3A_465, %get3A_466] {strides = array<i32>} : memref<64x768xf32, #tpu.memory_space<vmem>>, vector<16xf32>,
        %add3A_468 = arith.addf %get3A_464, %get3A_467 : vector<16xf32>
        %swap3A_469 = arith.index_cast %scan3A_42 : i32 to index
        %swap3A_470 = arith.constant 672 : index
        %swap3A_471 = tpu.vector_load %arg7[%swap3A_469, %swap3A_470] {strides = array<i32>} : memref<64x768xf32, #tpu.memory_space<vmem>>, vector<16xf32>,
        tpu.vector_store %arg7[%swap3A_469, %swap3A_470], %add3A_468 {strides = array<i32>} : memref<64x768xf32, #tpu.memory_space<vmem>>, vector<16xf32>,
        %get3A_472 = arith.index_cast %scan3A_42 : i32 to index
        %get3A_473 = arith.constant 688 : index
        %get3A_474 = tpu.vector_load %arg7[%get3A_472, %get3A_473] {strides = array<i32>} : memref<64x768xf32, #tpu.memory_space<vmem>>, vector<16xf32>,
        %get3A_475 = arith.index_cast %scan3A_42 : i32 to index
        %get3A_476 = arith.constant 688 : index
        %get3A_477 = tpu.vector_load %arg8[%get3A_475, %get3A_476] {strides = array<i32>} : memref<64x768xf32, #tpu.memory_space<vmem>>, vector<16xf32>,
        %add3A_478 = arith.addf %get3A_474, %get3A_477 : vector<16xf32>
        %swap3A_479 = arith.index_cast %scan3A_42 : i32 to index
        %swap3A_480 = arith.constant 688 : index
        %swap3A_481 = tpu.vector_load %arg7[%swap3A_479, %swap3A_480] {strides = array<i32>} : memref<64x768xf32, #tpu.memory_space<vmem>>, vector<16xf32>,
        tpu.vector_store %arg7[%swap3A_479, %swap3A_480], %add3A_478 {strides = array<i32>} : memref<64x768xf32, #tpu.memory_space<vmem>>, vector<16xf32>,
        %get3A_482 = arith.index_cast %scan3A_42 : i32 to index
        %get3A_483 = arith.constant 704 : index
        %get3A_484 = tpu.vector_load %arg7[%get3A_482, %get3A_483] {strides = array<i32>} : memref<64x768xf32, #tpu.memory_space<vmem>>, vector<16xf32>,
        %get3A_485 = arith.index_cast %scan3A_42 : i32 to index
        %get3A_486 = arith.constant 704 : index
        %get3A_487 = tpu.vector_load %arg8[%get3A_485, %get3A_486] {strides = array<i32>} : memref<64x768xf32, #tpu.memory_space<vmem>>, vector<16xf32>,
        %add3A_488 = arith.addf %get3A_484, %get3A_487 : vector<16xf32>
        %swap3A_489 = arith.index_cast %scan3A_42 : i32 to index
        %swap3A_490 = arith.constant 704 : index
        %swap3A_491 = tpu.vector_load %arg7[%swap3A_489, %swap3A_490] {strides = array<i32>} : memref<64x768xf32, #tpu.memory_space<vmem>>, vector<16xf32>,
        tpu.vector_store %arg7[%swap3A_489, %swap3A_490], %add3A_488 {strides = array<i32>} : memref<64x768xf32, #tpu.memory_space<vmem>>, vector<16xf32>,
        %get3A_492 = arith.index_cast %scan3A_42 : i32 to index
        %get3A_493 = arith.constant 720 : index
        %get3A_494 = tpu.vector_load %arg7[%get3A_492, %get3A_493] {strides = array<i32>} : memref<64x768xf32, #tpu.memory_space<vmem>>, vector<16xf32>,
        %get3A_495 = arith.index_cast %scan3A_42 : i32 to index
        %get3A_496 = arith.constant 720 : index
        %get3A_497 = tpu.vector_load %arg8[%get3A_495, %get3A_496] {strides = array<i32>} : memref<64x768xf32, #tpu.memory_space<vmem>>, vector<16xf32>,
        %add3A_498 = arith.addf %get3A_494, %get3A_497 : vector<16xf32>
        %swap3A_499 = arith.index_cast %scan3A_42 : i32 to index
        %swap3A_500 = arith.constant 720 : index
        %swap3A_501 = tpu.vector_load %arg7[%swap3A_499, %swap3A_500] {strides = array<i32>} : memref<64x768xf32, #tpu.memory_space<vmem>>, vector<16xf32>,
        tpu.vector_store %arg7[%swap3A_499, %swap3A_500], %add3A_498 {strides = array<i32>} : memref<64x768xf32, #tpu.memory_space<vmem>>, vector<16xf32>,
        %get3A_502 = arith.index_cast %scan3A_42 : i32 to index
        %get3A_503 = arith.constant 736 : index
        %get3A_504 = tpu.vector_load %arg7[%get3A_502, %get3A_503] {strides = array<i32>} : memref<64x768xf32, #tpu.memory_space<vmem>>, vector<16xf32>,
        %get3A_505 = arith.index_cast %scan3A_42 : i32 to index
        %get3A_506 = arith.constant 736 : index
        %get3A_507 = tpu.vector_load %arg8[%get3A_505, %get3A_506] {strides = array<i32>} : memref<64x768xf32, #tpu.memory_space<vmem>>, vector<16xf32>,
        %add3A_508 = arith.addf %get3A_504, %get3A_507 : vector<16xf32>
        %swap3A_509 = arith.index_cast %scan3A_42 : i32 to index
        %swap3A_510 = arith.constant 736 : index
        %swap3A_511 = tpu.vector_load %arg7[%swap3A_509, %swap3A_510] {strides = array<i32>} : memref<64x768xf32, #tpu.memory_space<vmem>>, vector<16xf32>,
        tpu.vector_store %arg7[%swap3A_509, %swap3A_510], %add3A_508 {strides = array<i32>} : memref<64x768xf32, #tpu.memory_space<vmem>>, vector<16xf32>,
        %get3A_512 = arith.index_cast %scan3A_42 : i32 to index
        %get3A_513 = arith.constant 752 : index
        %get3A_514 = tpu.vector_load %arg7[%get3A_512, %get3A_513] {strides = array<i32>} : memref<64x768xf32, #tpu.memory_space<vmem>>, vector<16xf32>,
        %get3A_515 = arith.index_cast %scan3A_42 : i32 to index
        %get3A_516 = arith.constant 752 : index
        %get3A_517 = tpu.vector_load %arg8[%get3A_515, %get3A_516] {strides = array<i32>} : memref<64x768xf32, #tpu.memory_space<vmem>>, vector<16xf32>,
        %add3A_518 = arith.addf %get3A_514, %get3A_517 : vector<16xf32>
        %swap3A_519 = arith.index_cast %scan3A_42 : i32 to index
        %swap3A_520 = arith.constant 752 : index
        %swap3A_521 = tpu.vector_load %arg7[%swap3A_519, %swap3A_520] {strides = array<i32>} : memref<64x768xf32, #tpu.memory_space<vmem>>, vector<16xf32>,
        tpu.vector_store %arg7[%swap3A_519, %swap3A_520], %add3A_518 {strides = array<i32>} : memref<64x768xf32, #tpu.memory_space<vmem>>, vector<16xf32>,
        %scan3A_522 = arith.constant 0 : i32
        scf.yield %scan3A_522 : i32
      }
      %scan3A_37 = arith.constant 64 : i32
      %mul3A_38 = arith.constant 64 : i32
      %mul3A_39 = arith.muli %scan3A_11, %mul3A_38 : i32
      %add3A_40 = arith.addi %mul3A_2, %mul3A_39 : i32
      "tpu.region"() ({
        %run_scoped3A = tpu.sem_alloc : memref<!tpu.dma_semaphore, #tpu.memory_space<semaphore_mem>>
        %dma_start3A_42 = arith.constant 0 : i32
        %dma_start3A_43 = tpu.memref_slice %arg4[%add3A_40, %dma_start3A_42] : memref<8192x768xf32, #tpu.memory_space<hbm>> -> memref<64x768xf32, #tpu.memory_space<hbm>>
        %dma_start3A_44 = arith.constant 0 : i32
        %dma_start3A_45 = tpu.memref_slice %arg4[%add3A_40, %dma_start3A_44] : memref<8192x768xf32, #tpu.memory_space<hbm>> -> memref<64x768xf32, #tpu.memory_space<hbm>>
        tpu.enqueue_dma source(%arg7 : memref<64x768xf32, #tpu.memory_space<vmem>>) target(%dma_start3A_45 : memref<64x768xf32, #tpu.memory_space<hbm>>) target_semaphore(%run_scoped3A : memref<!tpu.dma_semaphore, #tpu.memory_space<semaphore_mem>>)
        %dma_wait3A_46 = arith.constant 0 : i32
        %dma_wait3A_47 = tpu.memref_slice %arg4[%add3A_40, %dma_wait3A_46] : memref<8192x768xf32, #tpu.memory_space<hbm>> -> memref<64x768xf32, #tpu.memory_space<hbm>>
        %dma_wait3A_48 = arith.constant 0 : i32
        %dma_wait3A_49 = tpu.memref_slice %arg4[%add3A_40, %dma_wait3A_48] : memref<8192x768xf32, #tpu.memory_space<hbm>> -> memref<64x768xf32, #tpu.memory_space<hbm>>
        tpu.wait_dma2 semaphore(%run_scoped3A : memref<!tpu.dma_semaphore, #tpu.memory_space<semaphore_mem>>) src(%arg7 : memref<64x768xf32, #tpu.memory_space<vmem>>) dst(%dma_wait3A_49 : memref<64x768xf32, #tpu.memory_space<hbm>>)
        tpu.yield
      }) : () -> ()
      %scan3A_41 = arith.constant 0 : i32
      scf.yield %scan3A_41 : i32
    }
    %scan3A_10 = arith.constant 4 : i32
    return
  }
}

#map = affine_map<(d0, d1) -> (0, 0)>
#map1 = affine_map<(d0, d1) -> (0)>
module attributes {stable_mosaic.version = 14 : i64} {
  func.func @gather_rows(%arg0: i32, %arg1: i32, %arg2: memref<8192x768xf32, #tpu.memory_space<hbm>>, %arg3: memref<20480xi32, #tpu.memory_space<hbm>>, %arg4: memref<20480x768xf32, #tpu.memory_space<hbm>>, %arg5: memref<640xi32, #tpu.memory_space<vmem>>, %arg6: memref<80x768xf32, #tpu.memory_space<vmem>>, %arg7: memref<80x768xf32, #tpu.memory_space<vmem>>, %arg8: memref<!tpu.dma_semaphore, #tpu.memory_space<semaphore_mem>>, %arg9: memref<!tpu.dma_semaphore, #tpu.memory_space<semaphore_mem>>) attributes {dimension_semantics = [#tpu.dimension_semantics<core_parallel>, #tpu.dimension_semantics<subcore_parallel>], iteration_bounds = array<i64: 2, 16>, scalar_prefetch = 0 : i64, scratch_operands = 5 : i64, tpu.core_type = #tpu.core_type<sc_vector_subcore>, window_params = [{transform_indices = #map}, {transform_indices = #map1}, {transform_indices = #map}]} {
    %mul3A = arith.constant 2 : i32
    %mul3A_0 = arith.muli %arg1, %mul3A : i32
    %add3A = arith.addi %mul3A_0, %arg0 : i32
    %mul3A_1 = arith.constant 640 : i32
    %mul3A_2 = arith.muli %add3A, %mul3A_1 : i32
    "tpu.region"() ({
      %run_scoped3A = tpu.sem_alloc : memref<!tpu.dma_semaphore, #tpu.memory_space<semaphore_mem>>
      %dma_start3A = tpu.memref_slice %arg3[%mul3A_2] : memref<20480xi32, #tpu.memory_space<hbm>> -> memref<640xi32, #tpu.memory_space<hbm>>
      %dma_start3A_9 = tpu.memref_slice %arg3[%mul3A_2] : memref<20480xi32, #tpu.memory_space<hbm>> -> memref<640xi32, #tpu.memory_space<hbm>>
      tpu.enqueue_dma source(%dma_start3A_9 : memref<640xi32, #tpu.memory_space<hbm>>) target(%arg5 : memref<640xi32, #tpu.memory_space<vmem>>) target_semaphore(%run_scoped3A : memref<!tpu.dma_semaphore, #tpu.memory_space<semaphore_mem>>)
      %dma_wait3A = tpu.memref_slice %arg3[%mul3A_2] : memref<20480xi32, #tpu.memory_space<hbm>> -> memref<640xi32, #tpu.memory_space<hbm>>
      %dma_wait3A_10 = tpu.memref_slice %arg3[%mul3A_2] : memref<20480xi32, #tpu.memory_space<hbm>> -> memref<640xi32, #tpu.memory_space<hbm>>
      tpu.wait_dma2 semaphore(%run_scoped3A : memref<!tpu.dma_semaphore, #tpu.memory_space<semaphore_mem>>) src(%dma_wait3A_10 : memref<640xi32, #tpu.memory_space<hbm>>) dst(%arg5 : memref<640xi32, #tpu.memory_space<vmem>>)
      tpu.yield
    }) : () -> ()
    %scan3A = arith.constant 0 : i32
    %scan3A_3 = arith.constant 0 : i32
    %scan3A_4 = arith.constant 4 : i32
    %scan3A_5 = arith.addi %scan3A_3, %scan3A_4 : i32
    %scan3A_6 = arith.constant 1 : i32
    %scan3A_7 = scf.for %scan3A_9 = %scan3A_3 to %scan3A_5 step %scan3A_6 iter_args(%scan3A_10 = %scan3A) -> (i32)  : i32 {
      %mul3A_11 = arith.constant 2 : i32
      %mul3A_12 = arith.muli %mul3A_11, %scan3A_9 : i32
      %mul3A_13 = arith.constant 80 : i32
      %mul3A_14 = arith.muli %mul3A_12, %mul3A_13 : i32
      %dma_start3A = tpu.memref_slice %arg5[%mul3A_14] : memref<640xi32, #tpu.memory_space<vmem>> -> memref<80xi32, #tpu.memory_space<vmem>>
      %dma_start3A_15 = arith.constant 0 : i32
      %dma_start3A_16 = arith.constant 0 : i32
      %dma_start3A_17 = tpu.memref_slice %arg2[%dma_start3A_15, %dma_start3A_16] : memref<8192x768xf32, #tpu.memory_space<hbm>> -> memref<8192x768xf32, #tpu.memory_space<hbm>>
      tpu.enqueue_indirect_dma source(%dma_start3A_17 : memref<8192x768xf32, #tpu.memory_space<hbm>>) target(%arg6 : memref<80x768xf32, #tpu.memory_space<vmem>>) offsets(%dma_start3A : memref<80xi32, #tpu.memory_space<vmem>>) semaphore(%arg8 : memref<!tpu.dma_semaphore, #tpu.memory_space<semaphore_mem>>)
      %mul3A_18 = arith.constant 2 : i32
      %mul3A_19 = arith.muli %mul3A_18, %scan3A_9 : i32
      %add3A_20 = arith.constant 1 : i32
      %add3A_21 = arith.addi %mul3A_19, %add3A_20 : i32
      %mul3A_22 = arith.constant 80 : i32
      %mul3A_23 = arith.muli %add3A_21, %mul3A_22 : i32
      %dma_start3A_24 = tpu.memref_slice %arg5[%mul3A_23] : memref<640xi32, #tpu.memory_space<vmem>> -> memref<80xi32, #tpu.memory_space<vmem>>
      %dma_start3A_25 = arith.constant 0 : i32
      %dma_start3A_26 = arith.constant 0 : i32
      %dma_start3A_27 = tpu.memref_slice %arg2[%dma_start3A_25, %dma_start3A_26] : memref<8192x768xf32, #tpu.memory_space<hbm>> -> memref<8192x768xf32, #tpu.memory_space<hbm>>
      tpu.enqueue_indirect_dma source(%dma_start3A_27 : memref<8192x768xf32, #tpu.memory_space<hbm>>) target(%arg7 : memref<80x768xf32, #tpu.memory_space<vmem>>) offsets(%dma_start3A_24 : memref<80xi32, #tpu.memory_space<vmem>>) semaphore(%arg9 : memref<!tpu.dma_semaphore, #tpu.memory_space<semaphore_mem>>)
      %dma_wait3A = tpu.memref_slice %arg5[%mul3A_14] : memref<640xi32, #tpu.memory_space<vmem>> -> memref<80xi32, #tpu.memory_space<vmem>>
      %dma_wait3A_28 = arith.constant 0 : i32
      %dma_wait3A_29 = arith.constant 0 : i32
      %dma_wait3A_30 = tpu.memref_slice %arg2[%dma_wait3A_28, %dma_wait3A_29] : memref<8192x768xf32, #tpu.memory_space<hbm>> -> memref<8192x768xf32, #tpu.memory_space<hbm>>
      tpu.wait_indirect_dma semaphore(%arg8 : memref<!tpu.dma_semaphore, #tpu.memory_space<semaphore_mem>>) src(%dma_wait3A_30 : memref<8192x768xf32, #tpu.memory_space<hbm>>) dst(%arg6 : memref<80x768xf32, #tpu.memory_space<vmem>>)
      %dma_wait3A_31 = tpu.memref_slice %arg5[%mul3A_23] : memref<640xi32, #tpu.memory_space<vmem>> -> memref<80xi32, #tpu.memory_space<vmem>>
      %dma_wait3A_32 = arith.constant 0 : i32
      %dma_wait3A_33 = arith.constant 0 : i32
      %dma_wait3A_34 = tpu.memref_slice %arg2[%dma_wait3A_32, %dma_wait3A_33] : memref<8192x768xf32, #tpu.memory_space<hbm>> -> memref<8192x768xf32, #tpu.memory_space<hbm>>
      tpu.wait_indirect_dma semaphore(%arg9 : memref<!tpu.dma_semaphore, #tpu.memory_space<semaphore_mem>>) src(%dma_wait3A_34 : memref<8192x768xf32, #tpu.memory_space<hbm>>) dst(%arg7 : memref<80x768xf32, #tpu.memory_space<vmem>>)
      %mul3A_35 = arith.constant 2 : i32
      %mul3A_36 = arith.muli %mul3A_35, %scan3A_9 : i32
      %mul3A_37 = arith.constant 80 : i32
      %mul3A_38 = arith.muli %mul3A_36, %mul3A_37 : i32
      %add3A_39 = arith.addi %mul3A_2, %mul3A_38 : i32
      "tpu.region"() ({
        %run_scoped3A = tpu.sem_alloc : memref<!tpu.dma_semaphore, #tpu.memory_space<semaphore_mem>>
        %dma_start3A_48 = arith.constant 0 : i32
        %dma_start3A_49 = tpu.memref_slice %arg4[%add3A_39, %dma_start3A_48] : memref<20480x768xf32, #tpu.memory_space<hbm>> -> memref<80x768xf32, #tpu.memory_space<hbm>>
        %dma_start3A_50 = arith.constant 0 : i32
        %dma_start3A_51 = tpu.memref_slice %arg4[%add3A_39, %dma_start3A_50] : memref<20480x768xf32, #tpu.memory_space<hbm>> -> memref<80x768xf32, #tpu.memory_space<hbm>>
        tpu.enqueue_dma source(%arg6 : memref<80x768xf32, #tpu.memory_space<vmem>>) target(%dma_start3A_51 : memref<80x768xf32, #tpu.memory_space<hbm>>) target_semaphore(%run_scoped3A : memref<!tpu.dma_semaphore, #tpu.memory_space<semaphore_mem>>)
        %dma_wait3A_52 = arith.constant 0 : i32
        %dma_wait3A_53 = tpu.memref_slice %arg4[%add3A_39, %dma_wait3A_52] : memref<20480x768xf32, #tpu.memory_space<hbm>> -> memref<80x768xf32, #tpu.memory_space<hbm>>
        %dma_wait3A_54 = arith.constant 0 : i32
        %dma_wait3A_55 = tpu.memref_slice %arg4[%add3A_39, %dma_wait3A_54] : memref<20480x768xf32, #tpu.memory_space<hbm>> -> memref<80x768xf32, #tpu.memory_space<hbm>>
        tpu.wait_dma2 semaphore(%run_scoped3A : memref<!tpu.dma_semaphore, #tpu.memory_space<semaphore_mem>>) src(%arg6 : memref<80x768xf32, #tpu.memory_space<vmem>>) dst(%dma_wait3A_55 : memref<80x768xf32, #tpu.memory_space<hbm>>)
        tpu.yield
      }) : () -> ()
      %mul3A_40 = arith.constant 2 : i32
      %mul3A_41 = arith.muli %mul3A_40, %scan3A_9 : i32
      %add3A_42 = arith.constant 1 : i32
      %add3A_43 = arith.addi %mul3A_41, %add3A_42 : i32
      %mul3A_44 = arith.constant 80 : i32
      %mul3A_45 = arith.muli %add3A_43, %mul3A_44 : i32
      %add3A_46 = arith.addi %mul3A_2, %mul3A_45 : i32
      "tpu.region"() ({
        %run_scoped3A = tpu.sem_alloc : memref<!tpu.dma_semaphore, #tpu.memory_space<semaphore_mem>>
        %dma_start3A_48 = arith.constant 0 : i32
        %dma_start3A_49 = tpu.memref_slice %arg4[%add3A_46, %dma_start3A_48] : memref<20480x768xf32, #tpu.memory_space<hbm>> -> memref<80x768xf32, #tpu.memory_space<hbm>>
        %dma_start3A_50 = arith.constant 0 : i32
        %dma_start3A_51 = tpu.memref_slice %arg4[%add3A_46, %dma_start3A_50] : memref<20480x768xf32, #tpu.memory_space<hbm>> -> memref<80x768xf32, #tpu.memory_space<hbm>>
        tpu.enqueue_dma source(%arg7 : memref<80x768xf32, #tpu.memory_space<vmem>>) target(%dma_start3A_51 : memref<80x768xf32, #tpu.memory_space<hbm>>) target_semaphore(%run_scoped3A : memref<!tpu.dma_semaphore, #tpu.memory_space<semaphore_mem>>)
        %dma_wait3A_52 = arith.constant 0 : i32
        %dma_wait3A_53 = tpu.memref_slice %arg4[%add3A_46, %dma_wait3A_52] : memref<20480x768xf32, #tpu.memory_space<hbm>> -> memref<80x768xf32, #tpu.memory_space<hbm>>
        %dma_wait3A_54 = arith.constant 0 : i32
        %dma_wait3A_55 = tpu.memref_slice %arg4[%add3A_46, %dma_wait3A_54] : memref<20480x768xf32, #tpu.memory_space<hbm>> -> memref<80x768xf32, #tpu.memory_space<hbm>>
        tpu.wait_dma2 semaphore(%run_scoped3A : memref<!tpu.dma_semaphore, #tpu.memory_space<semaphore_mem>>) src(%arg7 : memref<80x768xf32, #tpu.memory_space<vmem>>) dst(%dma_wait3A_55 : memref<80x768xf32, #tpu.memory_space<hbm>>)
        tpu.yield
      }) : () -> ()
      %scan3A_47 = arith.constant 0 : i32
      scf.yield %scan3A_47 : i32
    }
    %scan3A_8 = arith.constant 4 : i32
    return
  }
}

module attributes {stable_mosaic.version = 14 : i64} {
  func.func @_gate_rank_body(%arg0: i32, %arg1: memref<512x768xf32, #tpu.memory_space<vmem>>, %arg2: memref<768x8xf32, #tpu.memory_space<vmem>>, %arg3: memref<1x8xf32, #tpu.memory_space<vmem>>, %arg4: memref<512x512xf32, #tpu.memory_space<vmem>>, %arg5: memref<512x1xi32, #tpu.memory_space<vmem>>, %arg6: memref<512x1xi32, #tpu.memory_space<vmem>>, %arg7: memref<512x1xf32, #tpu.memory_space<vmem>>, %arg8: memref<512x1xf32, #tpu.memory_space<vmem>>, %arg9: memref<512x1xi32, #tpu.memory_space<vmem>>, %arg10: memref<512x1xi32, #tpu.memory_space<vmem>>, %arg11: memref<8x8xi32, #tpu.memory_space<vmem>>, %arg12: memref<48x1xi32, #tpu.memory_space<vmem>>, %arg13: memref<1x8xf32, #tpu.memory_space<vmem>>, %arg14: memref<8192x8xf32, #tpu.memory_space<vmem>>) attributes {dimension_semantics = [#tpu.dimension_semantics<arbitrary>], iteration_bounds = array<i64: 32>, scalar_prefetch = 0 : i64, scratch_operands = 2 : i64, tpu.core_type = #tpu.core_type<tc>, window_params = [{transform_indices = @transform_0, window_bounds = array<i64: 512, 768>}, {pipeline_mode = #tpu.pipeline_mode<synchronous>, transform_indices = @transform_1, window_bounds = array<i64: 768, 8>}, {pipeline_mode = #tpu.pipeline_mode<synchronous>, transform_indices = @transform_2, window_bounds = array<i64: 1, 8>}, {pipeline_mode = #tpu.pipeline_mode<synchronous>, transform_indices = @transform_3, window_bounds = array<i64: 512, 512>}, {transform_indices = @transform_4, window_bounds = array<i64: 512, 1>}, {transform_indices = @transform_5, window_bounds = array<i64: 512, 1>}, {transform_indices = @transform_6, window_bounds = array<i64: 512, 1>}, {transform_indices = @transform_7, window_bounds = array<i64: 512, 1>}, {transform_indices = @transform_8, window_bounds = array<i64: 512, 1>}, {transform_indices = @transform_9, window_bounds = array<i64: 512, 1>}, {pipeline_mode = #tpu.pipeline_mode<synchronous>, transform_indices = @transform_10, window_bounds = array<i64: 8, 8>}, {pipeline_mode = #tpu.pipeline_mode<synchronous>, transform_indices = @transform_11, window_bounds = array<i64: 48, 1>}]} {
    %eq3A = arith.constant 0 : i32
    %eq3A_0 = arith.cmpi eq, %arg0, %eq3A : i32
    %convert_element_type3A = arith.extui %eq3A_0 : i1 to i32
    %cond3A = arith.constant 0 : i32
    %cond3A_1 = arith.cmpi ne, %convert_element_type3A, %cond3A : i32
    scf.if %cond3A_1 {
      %broadcast_in_dim3A = arith.constant 0.000000e+00 : f32
      %broadcast_in_dim3A_10 = vector.broadcast %broadcast_in_dim3A : f32 to vector<1x8xf32>
      %swap3A = arith.constant 0 : index
      %swap3A_11 = arith.constant 0 : index
      %swap3A_12 = vector.load %arg13[%swap3A, %swap3A_11] : memref<1x8xf32, #tpu.memory_space<vmem>>, vector<1x8xf32>
      tpu.vector_store %arg13[%swap3A, %swap3A_11], %broadcast_in_dim3A_10 {strides = array<i32>} : memref<1x8xf32, #tpu.memory_space<vmem>>, vector<1x8xf32>,
    } else {
    }
    %lt3A = arith.constant 16 : i32
    %lt3A_2 = arith.cmpi slt, %arg0, %lt3A : i32
    %convert_element_type3A_3 = arith.extui %lt3A_2 : i1 to i32
    %cond3A_4 = arith.constant 0 : i32
    %cond3A_5 = arith.cmpi ne, %convert_element_type3A_3, %cond3A_4 : i32
    scf.if %cond3A_5 {
      %get3A = arith.constant 0 : index
      %get3A_10 = arith.constant 0 : index
      %get3A_11 = vector.load %arg1[%get3A, %get3A_10] : memref<512x768xf32, #tpu.memory_space<vmem>>, vector<512x768xf32>
      %get3A_12 = arith.constant 0 : index
      %get3A_13 = arith.constant 0 : index
      %get3A_14 = vector.load %arg2[%get3A_12, %get3A_13] : memref<768x8xf32, #tpu.memory_space<vmem>>, vector<768x8xf32>
      %dot_general3A = arith.constant dense<0.000000e+00> : vector<512x8xf32>
      %dot_general3A_15 = tpu.matmul %get3A_11, %get3A_14, %dot_general3A {dimension_numbers = #tpu.dot_dimension_numbers<[1], [0], [0], [1], [0, 0, 1, 1], [], []>, transpose_lhs_hint = false} : vector<512x768xf32>, vector<768x8xf32>, vector<512x8xf32> -> vector<512x8xf32>
      %get3A_16 = arith.constant 0 : index
      %get3A_17 = arith.constant 0 : index
      %get3A_18 = vector.load %arg3[%get3A_16, %get3A_17] : memref<1x8xf32, #tpu.memory_space<vmem>>, vector<1x8xf32>
      %add3A = vector.broadcast %get3A_18 : vector<1x8xf32> to vector<512x8xf32>
      %add3A_19 = arith.addf %dot_general3A_15, %add3A : vector<512x8xf32>
      %iota3A = tpu.iota {dimensions = array<i32: 1>} : vector<512x8xi32>
      %argmax3A = tpu.reduce_index %add3A_19 {axis = 1 : i32, kind = #tpu.reduction_kind<arg_max>} : vector<512x8xf32> -> vector<512xi32>
      %broadcast_in_dim3A = vector.shape_cast %argmax3A : vector<512xi32> to vector<512x1xi32>
      %reduce_max3A = arith.constant dense<0xFF800000> : vector<512xf32>
      %reduce_max3A_20 = vector.multi_reduction <maximumf>, %add3A_19, %reduce_max3A [1] : vector<512x8xf32> to vector<512xf32>
      %broadcast_in_dim3A_21 = vector.shape_cast %reduce_max3A_20 : vector<512xf32> to vector<512x1xf32>
      %eq3A_22 = vector.broadcast %broadcast_in_dim3A : vector<512x1xi32> to vector<512x8xi32>
      %eq3A_23 = arith.cmpi eq, %iota3A, %eq3A_22 : vector<512x8xi32>
      %jit3A = arith.constant 0xFF800000 : f32
      %broadcast_in_dim3A_24 = vector.broadcast %jit3A : f32 to vector<512x8xf32>
      %select_n3A = arith.select %eq3A_23, %broadcast_in_dim3A_24, %add3A_19 : vector<512x8xi1>, vector<512x8xf32>
      %argmax3A_25 = tpu.reduce_index %select_n3A {axis = 1 : i32, kind = #tpu.reduction_kind<arg_max>} : vector<512x8xf32> -> vector<512xi32>
      %broadcast_in_dim3A_26 = vector.shape_cast %argmax3A_25 : vector<512xi32> to vector<512x1xi32>
      %reduce_max3A_27 = arith.constant dense<0xFF800000> : vector<512xf32>
      %reduce_max3A_28 = vector.multi_reduction <maximumf>, %select_n3A, %reduce_max3A_27 [1] : vector<512x8xf32> to vector<512xf32>
      %broadcast_in_dim3A_29 = vector.shape_cast %reduce_max3A_28 : vector<512xf32> to vector<512x1xf32>
      %sub3A = arith.subf %broadcast_in_dim3A_29, %broadcast_in_dim3A_21 : vector<512x1xf32>
      %exp3A = math.exp %sub3A : vector<512x1xf32>
      %add3A_30 = arith.constant 1.000000e+00 : f32
      %add3A_31 = vector.broadcast %add3A_30 : f32 to vector<512x1xf32>
      %add3A_32 = arith.addf %add3A_31, %exp3A : vector<512x1xf32>
      %div3A = arith.constant 1.000000e+00 : f32
      %div3A_33 = vector.broadcast %div3A : f32 to vector<512x1xf32>
      %div3A_34 = arith.divf %div3A_33, %add3A_32 : vector<512x1xf32>
      %swap3A = arith.constant 0 : index
      %swap3A_35 = arith.constant 0 : index
      %swap3A_36 = vector.load %arg5[%swap3A, %swap3A_35] : memref<512x1xi32, #tpu.memory_space<vmem>>, vector<512x1xi32>
      tpu.vector_store %arg5[%swap3A, %swap3A_35], %broadcast_in_dim3A {strides = array<i32>} : memref<512x1xi32, #tpu.memory_space<vmem>>, vector<512x1xi32>,
      %swap3A_37 = arith.constant 0 : index
      %swap3A_38 = arith.constant 0 : index
      %swap3A_39 = vector.load %arg6[%swap3A_37, %swap3A_38] : memref<512x1xi32, #tpu.memory_space<vmem>>, vector<512x1xi32>
      tpu.vector_store %arg6[%swap3A_37, %swap3A_38], %broadcast_in_dim3A_26 {strides = array<i32>} : memref<512x1xi32, #tpu.memory_space<vmem>>, vector<512x1xi32>,
      %swap3A_40 = arith.constant 0 : index
      %swap3A_41 = arith.constant 0 : index
      %swap3A_42 = vector.load %arg7[%swap3A_40, %swap3A_41] : memref<512x1xf32, #tpu.memory_space<vmem>>, vector<512x1xf32>
      tpu.vector_store %arg7[%swap3A_40, %swap3A_41], %div3A_34 {strides = array<i32>} : memref<512x1xf32, #tpu.memory_space<vmem>>, vector<512x1xf32>,
      %sub3A_43 = arith.constant 1.000000e+00 : f32
      %sub3A_44 = vector.broadcast %sub3A_43 : f32 to vector<512x1xf32>
      %sub3A_45 = arith.subf %sub3A_44, %div3A_34 : vector<512x1xf32>
      %swap3A_46 = arith.constant 0 : index
      %swap3A_47 = arith.constant 0 : index
      %swap3A_48 = vector.load %arg8[%swap3A_46, %swap3A_47] : memref<512x1xf32, #tpu.memory_space<vmem>>, vector<512x1xf32>
      tpu.vector_store %arg8[%swap3A_46, %swap3A_47], %sub3A_45 {strides = array<i32>} : memref<512x1xf32, #tpu.memory_space<vmem>>, vector<512x1xf32>,
      %eq3A_49 = vector.broadcast %broadcast_in_dim3A : vector<512x1xi32> to vector<512x8xi32>
      %eq3A_50 = arith.cmpi eq, %iota3A, %eq3A_49 : vector<512x8xi32>
      %convert_element_type3A_51 = arith.extui %eq3A_50 : vector<512x8xi1> to vector<512x8xi32>
      %convert_element_type3A_52 = arith.sitofp %convert_element_type3A_51 : vector<512x8xi32> to vector<512x8xf32>
      %eq3A_53 = vector.broadcast %broadcast_in_dim3A_26 : vector<512x1xi32> to vector<512x8xi32>
      %eq3A_54 = arith.cmpi eq, %iota3A, %eq3A_53 : vector<512x8xi32>
      %convert_element_type3A_55 = arith.extui %eq3A_54 : vector<512x8xi1> to vector<512x8xi32>
      %convert_element_type3A_56 = arith.sitofp %convert_element_type3A_55 : vector<512x8xi32> to vector<512x8xf32>
      %mul3A = arith.constant 512 : i32
      %mul3A_57 = arith.muli %arg0, %mul3A : i32
      %swap3A_58 = arith.index_cast %mul3A_57 : i32 to index
      %swap3A_59 = arith.constant 0 : index
      %swap3A_60 = vector.load %arg14[%swap3A_58, %swap3A_59] : memref<8192x8xf32, #tpu.memory_space<vmem>>, vector<512x8xf32>
      tpu.vector_store %arg14[%swap3A_58, %swap3A_59], %convert_element_type3A_56 {strides = array<i32>} : memref<8192x8xf32, #tpu.memory_space<vmem>>, vector<512x8xf32>,
      %get3A_61 = arith.constant 0 : index
      %get3A_62 = arith.constant 0 : index
      %get3A_63 = vector.load %arg4[%get3A_61, %get3A_62] : memref<512x512xf32, #tpu.memory_space<vmem>>, vector<512x512xf32>
      %dot_general3A_64 = arith.constant dense<0.000000e+00> : vector<512x8xf32>
      %dot_general3A_65 = tpu.matmul %get3A_63, %convert_element_type3A_52, %dot_general3A_64 {dimension_numbers = #tpu.dot_dimension_numbers<[1], [0], [0], [1], [0, 0, 1, 1], [], []>, transpose_lhs_hint = false} : vector<512x512xf32>, vector<512x8xf32>, vector<512x8xf32> -> vector<512x8xf32>
      %get3A_66 = arith.constant 0 : index
      %get3A_67 = arith.constant 0 : index
      %get3A_68 = vector.load %arg13[%get3A_66, %get3A_67] : memref<1x8xf32, #tpu.memory_space<vmem>>, vector<1x8xf32>
      %add3A_69 = vector.broadcast %get3A_68 : vector<1x8xf32> to vector<512x8xf32>
      %add3A_70 = arith.addf %dot_general3A_65, %add3A_69 : vector<512x8xf32>
      %mul3A_71 = arith.mulf %add3A_70, %convert_element_type3A_52 : vector<512x8xf32>
      %reduce_sum3A = arith.constant dense<0.000000e+00> : vector<512xf32>
      %reduce_sum3A_72 = vector.multi_reduction <add>, %mul3A_71, %reduce_sum3A [1] : vector<512x8xf32> to vector<512xf32>
      %broadcast_in_dim3A_73 = vector.shape_cast %reduce_sum3A_72 : vector<512xf32> to vector<512x1xf32>
      %sub3A_74 = arith.constant 1.000000e+00 : f32
      %sub3A_75 = vector.broadcast %sub3A_74 : f32 to vector<512x1xf32>
      %sub3A_76 = arith.subf %broadcast_in_dim3A_73, %sub3A_75 : vector<512x1xf32>
      %convert_element_type3A_77 = arith.fptosi %sub3A_76 : vector<512x1xf32> to vector<512x1xi32>
      %swap3A_78 = arith.constant 0 : index
      %swap3A_79 = arith.constant 0 : index
      %swap3A_80 = vector.load %arg9[%swap3A_78, %swap3A_79] : memref<512x1xi32, #tpu.memory_space<vmem>>, vector<512x1xi32>
      tpu.vector_store %arg9[%swap3A_78, %swap3A_79], %convert_element_type3A_77 {strides = array<i32>} : memref<512x1xi32, #tpu.memory_space<vmem>>, vector<512x1xi32>,
      %slice3A = vector.extract_strided_slice %add3A_70 {offsets = [511, 0], sizes = [1, 8], strides = [1, 1]} : vector<512x8xf32> to vector<1x8xf32>
      %swap3A_81 = arith.constant 0 : index
      %swap3A_82 = arith.constant 0 : index
      %swap3A_83 = vector.load %arg13[%swap3A_81, %swap3A_82] : memref<1x8xf32, #tpu.memory_space<vmem>>, vector<1x8xf32>
      tpu.vector_store %arg13[%swap3A_81, %swap3A_82], %slice3A {strides = array<i32>} : memref<1x8xf32, #tpu.memory_space<vmem>>, vector<1x8xf32>,
    } else {
    }
    %ge3A = arith.constant 16 : i32
    %ge3A_6 = arith.cmpi sge, %arg0, %ge3A : i32
    %convert_element_type3A_7 = arith.extui %ge3A_6 : i1 to i32
    %cond3A_8 = arith.constant 0 : i32
    %cond3A_9 = arith.cmpi ne, %convert_element_type3A_7, %cond3A_8 : i32
    scf.if %cond3A_9 {
      %sub3A = arith.constant 16 : i32
      %sub3A_10 = arith.subi %arg0, %sub3A : i32
      %mul3A = arith.constant 512 : i32
      %mul3A_11 = arith.muli %sub3A_10, %mul3A : i32
      %get3A = arith.index_cast %mul3A_11 : i32 to index
      %get3A_12 = arith.constant 0 : index
      %get3A_13 = vector.load %arg14[%get3A, %get3A_12] : memref<8192x8xf32, #tpu.memory_space<vmem>>, vector<512x8xf32>
      %get3A_14 = arith.constant 0 : index
      %get3A_15 = arith.constant 0 : index
      %get3A_16 = vector.load %arg4[%get3A_14, %get3A_15] : memref<512x512xf32, #tpu.memory_space<vmem>>, vector<512x512xf32>
      %dot_general3A = arith.constant dense<0.000000e+00> : vector<512x8xf32>
      %dot_general3A_17 = tpu.matmul %get3A_16, %get3A_13, %dot_general3A {dimension_numbers = #tpu.dot_dimension_numbers<[1], [0], [0], [1], [0, 0, 1, 1], [], []>, transpose_lhs_hint = false} : vector<512x512xf32>, vector<512x8xf32>, vector<512x8xf32> -> vector<512x8xf32>
      %get3A_18 = arith.constant 0 : index
      %get3A_19 = arith.constant 0 : index
      %get3A_20 = vector.load %arg13[%get3A_18, %get3A_19] : memref<1x8xf32, #tpu.memory_space<vmem>>, vector<1x8xf32>
      %add3A = vector.broadcast %get3A_20 : vector<1x8xf32> to vector<512x8xf32>
      %add3A_21 = arith.addf %dot_general3A_17, %add3A : vector<512x8xf32>
      %mul3A_22 = arith.mulf %add3A_21, %get3A_13 : vector<512x8xf32>
      %reduce_sum3A = arith.constant dense<0.000000e+00> : vector<512xf32>
      %reduce_sum3A_23 = vector.multi_reduction <add>, %mul3A_22, %reduce_sum3A [1] : vector<512x8xf32> to vector<512xf32>
      %broadcast_in_dim3A = vector.shape_cast %reduce_sum3A_23 : vector<512xf32> to vector<512x1xf32>
      %sub3A_24 = arith.constant 1.000000e+00 : f32
      %sub3A_25 = vector.broadcast %sub3A_24 : f32 to vector<512x1xf32>
      %sub3A_26 = arith.subf %broadcast_in_dim3A, %sub3A_25 : vector<512x1xf32>
      %convert_element_type3A_27 = arith.fptosi %sub3A_26 : vector<512x1xf32> to vector<512x1xi32>
      %swap3A = arith.constant 0 : index
      %swap3A_28 = arith.constant 0 : index
      %swap3A_29 = vector.load %arg10[%swap3A, %swap3A_28] : memref<512x1xi32, #tpu.memory_space<vmem>>, vector<512x1xi32>
      tpu.vector_store %arg10[%swap3A, %swap3A_28], %convert_element_type3A_27 {strides = array<i32>} : memref<512x1xi32, #tpu.memory_space<vmem>>, vector<512x1xi32>,
      %slice3A = vector.extract_strided_slice %add3A_21 {offsets = [511, 0], sizes = [1, 8], strides = [1, 1]} : vector<512x8xf32> to vector<1x8xf32>
      %swap3A_30 = arith.constant 0 : index
      %swap3A_31 = arith.constant 0 : index
      %swap3A_32 = vector.load %arg13[%swap3A_30, %swap3A_31] : memref<1x8xf32, #tpu.memory_space<vmem>>, vector<1x8xf32>
      tpu.vector_store %arg13[%swap3A_30, %swap3A_31], %slice3A {strides = array<i32>} : memref<1x8xf32, #tpu.memory_space<vmem>>, vector<1x8xf32>,
      %add3A_33 = arith.constant 5.110000e+02 : f32
      %add3A_34 = vector.broadcast %add3A_33 : f32 to vector<1x8xf32>
      %add3A_35 = arith.addf %slice3A, %add3A_34 : vector<1x8xf32>
      %div3A = arith.constant 5.120000e+02 : f32
      %div3A_36 = vector.broadcast %div3A : f32 to vector<1x8xf32>
      %div3A_37 = arith.divf %add3A_35, %div3A_36 : vector<1x8xf32>
      %floor3A = math.floor %div3A_37 : vector<1x8xf32>
      %mul3A_38 = arith.constant 5.120000e+02 : f32
      %mul3A_39 = vector.broadcast %mul3A_38 : f32 to vector<1x8xf32>
      %mul3A_40 = arith.mulf %floor3A, %mul3A_39 : vector<1x8xf32>
      %iota3A = tpu.iota {dimensions = array<i32: 0>} : vector<8x8xi32>
      %iota3A_41 = tpu.iota {dimensions = array<i32: 1>} : vector<8x8xi32>
      %le3A = arith.cmpi sle, %iota3A, %iota3A_41 : vector<8x8xi32>
      %convert_element_type3A_42 = arith.extui %le3A : vector<8x8xi1> to vector<8x8xi32>
      %convert_element_type3A_43 = arith.sitofp %convert_element_type3A_42 : vector<8x8xi32> to vector<8x8xf32>
      %dot_general3A_44 = arith.constant dense<0.000000e+00> : vector<1x8xf32>
      %dot_general3A_45 = tpu.matmul %mul3A_40, %convert_element_type3A_43, %dot_general3A_44 {dimension_numbers = #tpu.dot_dimension_numbers<[1], [0], [0], [1], [0, 0, 1, 1], [], []>, transpose_lhs_hint = false} : vector<1x8xf32>, vector<8x8xf32>, vector<1x8xf32> -> vector<1x8xf32>
      %sub3A_46 = arith.subf %dot_general3A_45, %mul3A_40 : vector<1x8xf32>
      %broadcast_in_dim3A_47 = vector.shape_cast %sub3A_46 : vector<1x8xf32> to vector<1x8xf32>
      %broadcast_in_dim3A_48 = vector.broadcast %broadcast_in_dim3A_47 : vector<1x8xf32> to vector<8x8xf32>
      %convert_element_type3A_49 = arith.fptosi %broadcast_in_dim3A_48 : vector<8x8xf32> to vector<8x8xi32>
      %swap3A_50 = arith.constant 0 : index
      %swap3A_51 = arith.constant 0 : index
      %swap3A_52 = vector.load %arg11[%swap3A_50, %swap3A_51] : memref<8x8xi32, #tpu.memory_space<vmem>>, vector<8x8xi32>
      tpu.vector_store %arg11[%swap3A_50, %swap3A_51], %convert_element_type3A_49 {strides = array<i32>} : memref<8x8xi32, #tpu.memory_space<vmem>>, vector<8x8xi32>,
      %iota3A_53 = tpu.iota {dimensions = array<i32: 0>} : vector<48x8xi32>
      %mul3A_54 = arith.constant 512 : i32
      %mul3A_55 = vector.broadcast %mul3A_54 : i32 to vector<48x8xi32>
      %mul3A_56 = arith.muli %iota3A_53, %mul3A_55 : vector<48x8xi32>
      %convert_element_type3A_57 = arith.sitofp %mul3A_56 : vector<48x8xi32> to vector<48x8xf32>
      %ge3A_58 = vector.broadcast %dot_general3A_45 : vector<1x8xf32> to vector<48x8xf32>
      %ge3A_59 = arith.cmpf oge, %convert_element_type3A_57, %ge3A_58 : vector<48x8xf32>
      %convert_element_type3A_60 = arith.extui %ge3A_59 : vector<48x8xi1> to vector<48x8xi32>
      %convert_element_type3A_61 = arith.sitofp %convert_element_type3A_60 : vector<48x8xi32> to vector<48x8xf32>
      %reduce_sum3A_62 = arith.constant dense<0.000000e+00> : vector<48xf32>
      %reduce_sum3A_63 = vector.multi_reduction <add>, %convert_element_type3A_61, %reduce_sum3A_62 [1] : vector<48x8xf32> to vector<48xf32>
      %broadcast_in_dim3A_64 = vector.shape_cast %reduce_sum3A_63 : vector<48xf32> to vector<48x1xf32>
      %convert_element_type3A_65 = arith.fptosi %broadcast_in_dim3A_64 : vector<48x1xf32> to vector<48x1xi32>
      %min3A = arith.constant 7 : i32
      %min3A_66 = vector.broadcast %min3A : i32 to vector<48x1xi32>
      %min3A_67 = arith.minsi %convert_element_type3A_65, %min3A_66 : vector<48x1xi32>
      %swap3A_68 = arith.constant 0 : index
      %swap3A_69 = arith.constant 0 : index
      %swap3A_70 = vector.load %arg12[%swap3A_68, %swap3A_69] : memref<48x1xi32, #tpu.memory_space<vmem>>, vector<48x1xi32>
      tpu.vector_store %arg12[%swap3A_68, %swap3A_69], %min3A_67 {strides = array<i32>} : memref<48x1xi32, #tpu.memory_space<vmem>>, vector<48x1xi32>,
    } else {
    }
    return
  }
  func.func @transform_0(%arg0: i32) -> (i32, i32) {
    %min3A = arith.constant 15 : i32
    %min3A_0 = arith.minsi %arg0, %min3A : i32
    %c0_i32 = arith.constant 0 : i32
    %c0_i32_1 = arith.constant 0 : i32
    return %min3A_0, %c0_i32 : i32, i32
  }
  func.func @transform_1(%arg0: i32) -> (i32, i32) {
    %c0_i32 = arith.constant 0 : i32
    %c0_i32_0 = arith.constant 0 : i32
    %c0_i32_1 = arith.constant 0 : i32
    return %c0_i32, %c0_i32_0 : i32, i32
  }
  func.func @transform_2(%arg0: i32) -> (i32, i32) {
    %c0_i32 = arith.constant 0 : i32
    %c0_i32_0 = arith.constant 0 : i32
    %c0_i32_1 = arith.constant 0 : i32
    return %c0_i32, %c0_i32_0 : i32, i32
  }
  func.func @transform_3(%arg0: i32) -> (i32, i32) {
    %c0_i32 = arith.constant 0 : i32
    %c0_i32_0 = arith.constant 0 : i32
    %c0_i32_1 = arith.constant 0 : i32
    return %c0_i32, %c0_i32_0 : i32, i32
  }
  func.func @transform_4(%arg0: i32) -> (i32, i32) {
    %min3A = arith.constant 15 : i32
    %min3A_0 = arith.minsi %arg0, %min3A : i32
    %c0_i32 = arith.constant 0 : i32
    %c0_i32_1 = arith.constant 0 : i32
    return %min3A_0, %c0_i32 : i32, i32
  }
  func.func @transform_5(%arg0: i32) -> (i32, i32) {
    %min3A = arith.constant 15 : i32
    %min3A_0 = arith.minsi %arg0, %min3A : i32
    %c0_i32 = arith.constant 0 : i32
    %c0_i32_1 = arith.constant 0 : i32
    return %min3A_0, %c0_i32 : i32, i32
  }
  func.func @transform_6(%arg0: i32) -> (i32, i32) {
    %min3A = arith.constant 15 : i32
    %min3A_0 = arith.minsi %arg0, %min3A : i32
    %c0_i32 = arith.constant 0 : i32
    %c0_i32_1 = arith.constant 0 : i32
    return %min3A_0, %c0_i32 : i32, i32
  }
  func.func @transform_7(%arg0: i32) -> (i32, i32) {
    %min3A = arith.constant 15 : i32
    %min3A_0 = arith.minsi %arg0, %min3A : i32
    %c0_i32 = arith.constant 0 : i32
    %c0_i32_1 = arith.constant 0 : i32
    return %min3A_0, %c0_i32 : i32, i32
  }
  func.func @transform_8(%arg0: i32) -> (i32, i32) {
    %min3A = arith.constant 15 : i32
    %min3A_0 = arith.minsi %arg0, %min3A : i32
    %c0_i32 = arith.constant 0 : i32
    %c0_i32_1 = arith.constant 0 : i32
    return %min3A_0, %c0_i32 : i32, i32
  }
  func.func @transform_9(%arg0: i32) -> (i32, i32) {
    %sub3A = arith.constant 16 : i32
    %sub3A_0 = arith.subi %arg0, %sub3A : i32
    %max3A = arith.constant 0 : i32
    %max3A_1 = arith.maxsi %sub3A_0, %max3A : i32
    %c0_i32 = arith.constant 0 : i32
    %c0_i32_2 = arith.constant 0 : i32
    return %max3A_1, %c0_i32 : i32, i32
  }
  func.func @transform_10(%arg0: i32) -> (i32, i32) {
    %c0_i32 = arith.constant 0 : i32
    %c0_i32_0 = arith.constant 0 : i32
    %c0_i32_1 = arith.constant 0 : i32
    return %c0_i32, %c0_i32_0 : i32, i32
  }
  func.func @transform_11(%arg0: i32) -> (i32, i32) {
    %c0_i32 = arith.constant 0 : i32
    %c0_i32_0 = arith.constant 0 : i32
    %c0_i32_1 = arith.constant 0 : i32
    return %c0_i32, %c0_i32_0 : i32, i32
  }
}

module attributes {stable_mosaic.version = 14 : i64} {
  func.func @_ffn_body(%arg0: i32, %arg1: memref<48xi32, #tpu.memory_space<smem>>, %arg2: memref<512x768xf32, #tpu.memory_space<vmem>>, %arg3: memref<1x768x768xf32, #tpu.memory_space<vmem>>, %arg4: memref<1x1x768xf32, #tpu.memory_space<vmem>>, %arg5: memref<1x768x768xf32, #tpu.memory_space<vmem>>, %arg6: memref<1x1x768xf32, #tpu.memory_space<vmem>>, %arg7: memref<512x1xf32, #tpu.memory_space<vmem>>, %arg8: memref<512x768xf32, #tpu.memory_space<vmem>>) attributes {dimension_semantics = [#tpu.dimension_semantics<arbitrary>], iteration_bounds = array<i64: 40>, scalar_prefetch = 1 : i64, scratch_operands = 0 : i64, tpu.core_type = #tpu.core_type<tc>, window_params = [{transform_indices = @transform_0, window_bounds = array<i64: 512, 768>}, {transform_indices = @transform_1, window_bounds = array<i64: 1, 768, 768>}, {transform_indices = @transform_2, window_bounds = array<i64: 1, 1, 768>}, {transform_indices = @transform_3, window_bounds = array<i64: 1, 768, 768>}, {transform_indices = @transform_4, window_bounds = array<i64: 1, 1, 768>}, {transform_indices = @transform_5, window_bounds = array<i64: 512, 1>}, {transform_indices = @transform_6, window_bounds = array<i64: 512, 768>}]} {
    %get3A = arith.constant 0 : index
    %get3A_0 = arith.constant 0 : index
    %get3A_1 = vector.load %arg2[%get3A, %get3A_0] : memref<512x768xf32, #tpu.memory_space<vmem>>, vector<512x768xf32>
    %get3A_2 = arith.constant 0 : index
    %get3A_3 = arith.constant 0 : index
    %get3A_4 = arith.constant 0 : index
    %get3A_5 = vector.load %arg3[%get3A_2, %get3A_3, %get3A_4] : memref<1x768x768xf32, #tpu.memory_space<vmem>>, vector<1x768x768xf32>
    %get3A_6 = vector.shape_cast %get3A_5 : vector<1x768x768xf32> to vector<768x768xf32>
    %dot_general3A = arith.constant dense<0.000000e+00> : vector<512x768xf32>
    %dot_general3A_7 = tpu.matmul %get3A_1, %get3A_6, %dot_general3A {dimension_numbers = #tpu.dot_dimension_numbers<[1], [0], [0], [1], [0, 0, 1, 1], [], []>, transpose_lhs_hint = false} : vector<512x768xf32>, vector<768x768xf32>, vector<512x768xf32> -> vector<512x768xf32>
    %get3A_8 = arith.constant 0 : index
    %get3A_9 = arith.constant 0 : index
    %get3A_10 = arith.constant 0 : index
    %get3A_11 = vector.load %arg4[%get3A_8, %get3A_9, %get3A_10] : memref<1x1x768xf32, #tpu.memory_space<vmem>>, vector<1x1x768xf32>
    %get3A_12 = vector.shape_cast %get3A_11 : vector<1x1x768xf32> to vector<1x768xf32>
    %add3A = vector.broadcast %get3A_12 : vector<1x768xf32> to vector<512x768xf32>
    %add3A_13 = arith.addf %dot_general3A_7, %add3A : vector<512x768xf32>
    %neg3A = arith.constant 0.000000e+00 : f32
    %neg3A_14 = vector.broadcast %neg3A : f32 to vector<512x768xf32>
    %neg3A_15 = arith.subf %neg3A_14, %add3A_13 : vector<512x768xf32>
    %exp3A = math.exp %neg3A_15 : vector<512x768xf32>
    %add3A_16 = arith.constant 1.000000e+00 : f32
    %add3A_17 = vector.broadcast %add3A_16 : f32 to vector<512x768xf32>
    %add3A_18 = arith.addf %add3A_17, %exp3A : vector<512x768xf32>
    %div3A = arith.constant 1.000000e+00 : f32
    %div3A_19 = vector.broadcast %div3A : f32 to vector<512x768xf32>
    %div3A_20 = arith.divf %div3A_19, %add3A_18 : vector<512x768xf32>
    %mul3A = arith.mulf %add3A_13, %div3A_20 : vector<512x768xf32>
    %get3A_21 = arith.constant 0 : index
    %get3A_22 = arith.constant 0 : index
    %get3A_23 = arith.constant 0 : index
    %get3A_24 = vector.load %arg5[%get3A_21, %get3A_22, %get3A_23] : memref<1x768x768xf32, #tpu.memory_space<vmem>>, vector<1x768x768xf32>
    %get3A_25 = vector.shape_cast %get3A_24 : vector<1x768x768xf32> to vector<768x768xf32>
    %dot_general3A_26 = arith.constant dense<0.000000e+00> : vector<512x768xf32>
    %dot_general3A_27 = tpu.matmul %mul3A, %get3A_25, %dot_general3A_26 {dimension_numbers = #tpu.dot_dimension_numbers<[1], [0], [0], [1], [0, 0, 1, 1], [], []>, transpose_lhs_hint = false} : vector<512x768xf32>, vector<768x768xf32>, vector<512x768xf32> -> vector<512x768xf32>
    %get3A_28 = arith.constant 0 : index
    %get3A_29 = arith.constant 0 : index
    %get3A_30 = arith.constant 0 : index
    %get3A_31 = vector.load %arg6[%get3A_28, %get3A_29, %get3A_30] : memref<1x1x768xf32, #tpu.memory_space<vmem>>, vector<1x1x768xf32>
    %get3A_32 = vector.shape_cast %get3A_31 : vector<1x1x768xf32> to vector<1x768xf32>
    %add3A_33 = vector.broadcast %get3A_32 : vector<1x768xf32> to vector<512x768xf32>
    %add3A_34 = arith.addf %dot_general3A_27, %add3A_33 : vector<512x768xf32>
    %get3A_35 = arith.constant 0 : index
    %get3A_36 = arith.constant 0 : index
    %get3A_37 = vector.load %arg7[%get3A_35, %get3A_36] : memref<512x1xf32, #tpu.memory_space<vmem>>, vector<512x1xf32>
    %mul3A_38 = vector.broadcast %get3A_37 : vector<512x1xf32> to vector<512x768xf32>
    %mul3A_39 = arith.mulf %add3A_34, %mul3A_38 : vector<512x768xf32>
    %swap3A = arith.constant 0 : index
    %swap3A_40 = arith.constant 0 : index
    %swap3A_41 = vector.load %arg8[%swap3A, %swap3A_40] : memref<512x768xf32, #tpu.memory_space<vmem>>, vector<512x768xf32>
    tpu.vector_store %arg8[%swap3A, %swap3A_40], %mul3A_39 {strides = array<i32>} : memref<512x768xf32, #tpu.memory_space<vmem>>, vector<512x768xf32>,
    return
  }
  func.func @transform_0(%arg0: i32, %arg1: memref<48xi32, #tpu.memory_space<smem>>) -> (i32, i32) {
    %c0_i32 = arith.constant 0 : i32
    %c0_i32_0 = arith.constant 0 : i32
    return %arg0, %c0_i32 : i32, i32
  }
  func.func @transform_1(%arg0: i32, %arg1: memref<48xi32, #tpu.memory_space<smem>>) -> (i32, i32, i32) {
    %get3A = arith.index_cast %arg0 : i32 to index
    %get3A_0 = memref.load %arg1[%get3A] : memref<48xi32, #tpu.memory_space<smem>>
    %c0_i32 = arith.constant 0 : i32
    %c0_i32_1 = arith.constant 0 : i32
    %c0_i32_2 = arith.constant 0 : i32
    return %get3A_0, %c0_i32, %c0_i32_1 : i32, i32, i32
  }
  func.func @transform_2(%arg0: i32, %arg1: memref<48xi32, #tpu.memory_space<smem>>) -> (i32, i32, i32) {
    %get3A = arith.index_cast %arg0 : i32 to index
    %get3A_0 = memref.load %arg1[%get3A] : memref<48xi32, #tpu.memory_space<smem>>
    %c0_i32 = arith.constant 0 : i32
    %c0_i32_1 = arith.constant 0 : i32
    %c0_i32_2 = arith.constant 0 : i32
    return %get3A_0, %c0_i32, %c0_i32_1 : i32, i32, i32
  }
  func.func @transform_3(%arg0: i32, %arg1: memref<48xi32, #tpu.memory_space<smem>>) -> (i32, i32, i32) {
    %get3A = arith.index_cast %arg0 : i32 to index
    %get3A_0 = memref.load %arg1[%get3A] : memref<48xi32, #tpu.memory_space<smem>>
    %c0_i32 = arith.constant 0 : i32
    %c0_i32_1 = arith.constant 0 : i32
    %c0_i32_2 = arith.constant 0 : i32
    return %get3A_0, %c0_i32, %c0_i32_1 : i32, i32, i32
  }
  func.func @transform_4(%arg0: i32, %arg1: memref<48xi32, #tpu.memory_space<smem>>) -> (i32, i32, i32) {
    %get3A = arith.index_cast %arg0 : i32 to index
    %get3A_0 = memref.load %arg1[%get3A] : memref<48xi32, #tpu.memory_space<smem>>
    %c0_i32 = arith.constant 0 : i32
    %c0_i32_1 = arith.constant 0 : i32
    %c0_i32_2 = arith.constant 0 : i32
    return %get3A_0, %c0_i32, %c0_i32_1 : i32, i32, i32
  }
  func.func @transform_5(%arg0: i32, %arg1: memref<48xi32, #tpu.memory_space<smem>>) -> (i32, i32) {
    %c0_i32 = arith.constant 0 : i32
    %c0_i32_0 = arith.constant 0 : i32
    return %arg0, %c0_i32 : i32, i32
  }
  func.func @transform_6(%arg0: i32, %arg1: memref<48xi32, #tpu.memory_space<smem>>) -> (i32, i32) {
    %c0_i32 = arith.constant 0 : i32
    %c0_i32_0 = arith.constant 0 : i32
    return %arg0, %c0_i32 : i32, i32
  }
}

</mosaic_0001>

<sc_bundles>
// kernel: kernel.10.cloned.1.call-start
scs
__scs_entry_jumppad:
0x0: {  	(pc) =	sbr.rel $0x88, $3  }
0x1: {  	(tag) =	ssettag $0x0;
	lr =	simm.s32 $0x1  }
0x2: {  	[smem:$0x3F9A] =	sst lr;
	_ =	strace $0xD0000000  }
0x3: {  	_ = 	snop  }
0x4: {  	_ = 	snop  }
0x5: {  	_ = 	snop  }
0x6: {  	_ = 	snop  }
0x7: {  	_ = 	snop  }
__scs_overlays_trampoline_lowered:
0x8: {  	[smem:$0x3FA9] =	sst s0  }
0x9: {  	[smem:$0x3FAA] =	sst s1  }
0xa: {  	[smem:$0x3FAB] =	sst s2  }
0xb: {  	[smem:$0x3FAC] =	sst s3  }
0xc: {  	[smem:$0x3FAD] =	sst s4  }
0xd: {  	[smem:$0x3FAE] =	sst s5  }
0xe: {  	[smem:$0x3FAF] =	sst s6  }
0xf: {  	[smem:$0x3FB0] =	sst s7  }
0x10: {  	[smem:$0x3FB1] =	sst s8  }
0x11: {  	[smem:$0x3FB2] =	sst s9;
	s0 =	simm.s32 @!p0 $0x0  }
0x12: {  	s1 =	sld [smem:$0x3F98];
	s0 =	simm.s32 @p0 $0x1  }
0x13: {  	[smem:$0x3FB3] =	sst s0;
	s0 =	simm.s32 @!p1 $0x0  }
0x14: {  	s2 =	sld [smem:$0x3F97];
	s0 =	simm.s32 @p1 $0x1  }
0x15: {  	[smem:$0x3FB4] =	sst s0;
	s0 =	simm.s32 @!p2 $0x0  }
0x16: {  	s3 =	sld [smem:$0x3FDB];
	s0 =	simm.s32 @p2 $0x1  }
0x17: {  	s4 =	simm.s32 $0x1BF5;
	[smem:$0x3FB6] =	sst s0  }
0x18: {  	s0 =	sld [smem:$0x3F99];
	_ =	swait.ge [sflag:s4], $0x0  }
0x19: {  	s7 =	sld [smem:$0x3F9A]  }
0x1a: {  	s8 =	sadd.s32 $0xFFFFE003, lr  }
0x1b: {  	s9 =	sadd.s32 $0xFFFFFEF7, lr;
	s5 =	simm.s32 $0xFFFFFFFF;
	p2 =	slt.u32 s8, $0xFFFFF086  }
0x1c: {  	p1 =	slt.u32 s9, $0xF7A;
	s5 =	simm.s32 @!p2 $0x0  }
0x1d: {  	s5 =	simm.s32 @p1 $0x1;
	p0 =	seq.s32 s7, s2  }
0x1e: {  	s7 =	smul.u32 @!p0 $0xF7A, s2;
	p2 =	seq.s32 @!p0 s5, $0x0  }
0x1f: {  	s9 =	smul.u32 $0xF7A, s1;
	s8 =	simm.s32 @!p0 $0x1BF5;
	p2 =	por !p2, p0  }
0x20: {  	[sflag:s8] =	ssyncset.s32 @!p0 $0xFFFFF086;
	s6 =	sadd.s32 @!p0 s3, s7;
	s7 =	simm.s32 @!p0 $0x108  }
0x21: {  	s3 =	sadd.s32 s3, s9;
	s6 =	sadd.s32 @!p0 $0x88, s6;
	s7 =	simm.s32 @p2 $0x1082  }
0x22: {  	[simem:s7], [sflag:s8] =	dma.local @!p0 [hbm:s6], $0xF7A  }
0x23: {  	s9 =	sor.u32 $0xD0000000, s2;
	s6 =	simm.s32 $0x108;
	_ =	swait.ge @!p0 [sflag:s8], $0x0  }
0x24: {  	s3 =	sadd.s32 $0x88, s3;
	s6 =	simm.s32 @!p1 $0x1082;
	[sflag:s4] =	ssyncset.s32 $0xFFFFF086  }
0x25: {  	[simem:s6], [sflag:s4] =	dma.local [hbm:s3], $0xF7A  }
0x26: {  	[smem:$0x3F9A] =	sst s1;
	(tag) =	ssettag s2;
	_ =	strace s9  }
0x27: {  	s1 =	sld [smem:$0x3FAA]  }
0x28: {  	s2 =	sld [smem:$0x3FAB]  }
0x29: {  	s4 =	sld [smem:$0x3FAD]  }
0x2a: {  	p0 =	seq.s32 s5, $0x0;
	s5 =	sld [smem:$0x3FAE]  }
0x2b: {  	s6 =	sld [smem:$0x3FAF]  }
0x2c: {  	s7 =	sld [smem:$0x3FB0]  }
0x2d: {  	s3 =	simm.s32 $0x108;
	s8 =	sld [smem:$0x3FB1]  }
0x2e: {  	s3 =	simm.s32 @!p0 $0x1082;
	s9 =	sld [smem:$0x3FB2]  }
0x2f: {  	lr =	sadd.s32 s0, s3;
	s0 =	sld [smem:$0x3FA9]  }
0x30: {  	s3 =	sld [smem:$0x3FAC]  }
0x31: {  	[smem:$0x3FB5] =	sst s10  }
0x32: {  	s10 =	sld [smem:$0x3FB3];
	_ =	sdelay $0x3  }
0x33: {  	p0 =	seq.s32 s10, $0x1;
	s10 =	sld [smem:$0x3FB5];
	_ =	sdelay $0x3  }
0x34: {  	[smem:$0x3FB5] =	sst s10  }
0x35: {  	s10 =	sld [smem:$0x3FB4];
	_ =	sdelay $0x3  }
0x36: {  	p1 =	seq.s32 s10, $0x1;
	s10 =	sld [smem:$0x3FB5];
	_ =	sdelay $0x3  }
0x37: {  	[smem:$0x3FB5] =	sst s10  }
0x38: {  	s10 =	sld [smem:$0x3FB6]  }
0x39: {  	_ = 	snop;
	(pc) =	sbr.ind lr, $3  }
0x3a: {  	_ = 	snop  }
0x3b: {  	_ = 	snop  }
0x3c: {  	p2 =	seq.s32 s10, $0x1;
	s10 =	sld [smem:$0x3FB5]  }
0x3d: {  	_ =	shalt  }
0x3e: {  	_ =	shalt  }
0x3f: {  	_ =	shalt  }
0x40: {  	_ =	shalt  }
0x41: {  	_ =	shalt  }
0x42: {  	_ =	shalt  }
0x43: {  	_ =	shalt  }
0x44: {  	_ =	shalt  }
0x45: {  	_ =	shalt  }
0x46: {  	_ =	shalt  }
0x47: {  	_ =	shalt  }
0x48: {  	_ =	shalt  }
0x49: {  	_ =	shalt  }
0x4a: {  	_ =	shalt  }
0x4b: {  	_ =	shalt  }
0x4c: {  	_ =	shalt  }
0x4d: {  	_ =	shalt  }
0x4e: {  	_ =	shalt  }
0x4f: {  	_ =	shalt  }
0x50: {  	_ =	shalt  }
0x51: {  	_ =	shalt  }
0x52: {  	_ =	shalt  }
0x53: {  	_ =	shalt  }
0x54: {  	_ =	shalt  }
0x55: {  	_ =	shalt  }
0x56: {  	_ =	shalt  }
0x57: {  	_ =	shalt  }
0x58: {  	_ =	shalt  }
0x59: {  	_ =	shalt  }
0x5a: {  	_ =	shalt  }
0x5b: {  	_ =	shalt  }
0x5c: {  	_ =	shalt  }
0x5d: {  	_ =	shalt  }
0x5e: {  	_ =	shalt  }
0x5f: {  	_ =	shalt  }
0x60: {  	_ =	shalt  }
0x61: {  	_ =	shalt  }
0x62: {  	_ =	shalt  }
0x63: {  	_ =	shalt  }
0x64: {  	_ =	shalt  }
0x65: {  	_ =	shalt  }
0x66: {  	_ =	shalt  }
0x67: {  	_ =	shalt  }
0x68: {  	_ =	shalt  }
0x69: {  	_ =	shalt  }
0x6a: {  	_ =	shalt  }
0x6b: {  	_ =	shalt  }
0x6c: {  	_ =	shalt  }
0x6d: {  	_ =	shalt  }
0x6e: {  	_ =	shalt  }
0x6f: {  	_ =	shalt  }
0x70: {  	_ =	shalt  }
0x71: {  	_ =	shalt  }
0x72: {  	_ =	shalt  }
0x73: {  	_ =	shalt  }
0x74: {  	_ =	shalt  }
0x75: {  	_ =	shalt  }
0x76: {  	_ =	shalt  }
0x77: {  	_ =	shalt  }
0x78: {  	_ =	shalt  }
0x79: {  	_ =	shalt  }
0x7a: {  	_ =	shalt  }
0x7b: {  	_ =	shalt  }
0x7c: {  	_ =	shalt  }
0x7d: {  	_ =	shalt  }
0x7e: {  	_ =	shalt  }
0x7f: {  	_ =	shalt  }
0x80: {  	_ =	shalt  }
0x81: {  	_ =	shalt  }
0x82: {  	_ =	shalt  }
0x83: {  	_ =	shalt  }
0x84: {  	_ =	shalt  }
0x85: {  	_ =	shalt  }
0x86: {  	_ =	shalt  }
0x87: {  	_ =	shalt  }
.Lfunc_end0:
.L_simem_size_0:
called_computation.1_lowered:
.L_overlay_start_0:
0x88: {  	s2 =	sld [smem:$0x3FD9]  }
0x89: {  	s3 =	sld [smem:$0x3FFE];
	_ =	sdelay $0x1  }
0x8a: {  	s1 =	srdreg.scid  }
0x8b: {  	s0 =	sand.u32 $0x1, s1  }
0x8c: {  	s17 =	sshll.u32 s0, $0xA;
	s2 =	sadd.s32 s3, s2  }
0x8d: {  	s2 =	sadd.s32 s2, s17  }
0x8e: {  	[smem:$0x3FC1] =	sst s2  }
0x8f: {  	_ = 	snop  }
0x90: {  	s2 =	sld [smem:$0x3FC9]  }
0x91: {  	s18 =	sld [smem:$0x3FD0];
	(tm) =	ssettm $0x1  }
0x92: {  	s4 =	sld [smem:$0x3FFB];
	_ =	sdelay $0x3  }
0x93: {  	_ =	strace s4  }
0x94: {  	s4 =	sld [smem:$0x3FFC];
	_ =	sdelay $0x3  }
0x95: {  	_ =	strace s4  }
0x96: {  	s4 =	sld [smem:$0x3FFD];
	_ =	sdelay $0x3  }
0x97: {  	_ =	strace s4  }
0x98: {  	_ =	strace $0x8FFFFFFF  }
0x99: {  	s19 =	sld [smem:$0x3FDB];
	_ =	sdelay $0x1  }
0x9a: {  	s5 =	simm.s32 $_scs_section_size  }
0x9b: {  	s6 =	simm.s32 $_size__tile_overlayer_lowered;
	s7 =	simm.s32 $_tile_overlayer_lowered  }
0x9c: {  	s22 =	simm.s32 $0x1BFF;
	s21 =	sshll.u32 s7, $0x1;
	s4 =	sadd.s32 s5, s19  }
0x9d: {  	s8 =	simm.s32 $0x0;
	s20 =	sshll.u32 s6, $0x1;
	s6 =	sadd.s32 s21, s4  }
0x9e: {  	[timem:s8], [sflag:s22] =	dma.local [hbm:s6], s20  }
0x9f: {  	_ =	swait.ge [sflag:s22], s20  }
0xa0: {  	s5 =	ssub.s32 $0x0, s20;
	[sflag:s22] =	ssyncset.done $0x0  }
0xa1: {  	[sflag:s22] =	ssyncadd.s32 s5;
	_ =	sdelay $0x1  }
0xa2: {  	s23 =	simm.s32 $0x1B8B  }
0xa3: {  	_ =	swait.ge [sflag:s23], $0x1  }
0xa4: {  	[sflag:s23] =	ssyncset.done $0x0  }
0xa5: {  	s25 =	simm.s32 $0x1B8E;
	s24 =	sld [smem:$0x3FFE];
	[sflag:s23] =	ssyncadd.s32 $0xFFFFFFFF  }
0xa6: {  	s26 =	simm.s32 $execute0_lowered;
	[smem:$0x3FD2] =	sst s25  }
0xa7: {  	s6 =	sshll.u32 s26, $0x1;
	_ =	strace $0x80000049;
	[dreg:$0x1] =	wrdreg $0xFFFFFFFF  }
0xa8: {  	s28 =	simm.s32 $_size_execute0_lowered;
	s4 =	sadd.s32 s4, s6;
	[dreg:$0x0] =	wrdreg $0x0  }
0xa9: {  	s6 =	sshll.u32 s28, $0x1;
	[dreg:$0x2] =	wrdreg s4  }
0xaa: {  	[dreg:$0x3] =	wrdreg s6  }
0xab: {  	[dreg:$0x4] =	wrdreg $0xC0  }
0xac: {  	_ =	task [dreg:s8], $0x5FFFF  }
0xad: {  	[dreg:$0x1] =	wrdreg $0xFFFFFFFF  }
0xae: {  	[dreg:$0x0] =	wrdreg $0x60  }
0xaf: {  	[dreg:$0x2] =	wrdreg s2  }
0xb0: {  	[dreg:$0x3] =	wrdreg s18  }
0xb1: {  	[dreg:$0x4] =	wrdreg s24  }
0xb2: {  	[dreg:$0x5] =	wrdreg $0x9  }
0xb3: {  	_ =	task.clear_ibuf [dreg:s8], $0x6FFFF;
	_ =	strace $0x90000049  }
0xb4: {  	s29 =	simm.s32 $0x9;
	_ =	strace $0x8000004B  }
0xb5: {  	_ =	swait.ge [sflag:s29], $0x1  }
0xb6: {  	[sflag:s29] =	ssyncadd.s32 $0xFFFFFFFF  }
0xb7: {  	_ =	strace $0x9000004B  }
0xb8: {  	_ =	sfence  }
0xb9: {  	s30 =	sld [smem:$0x0];
	_ =	sdelay $0x2  }
0xba: {  	s31 =	sshll.u32 s1, $0xD;
	s1 =	sshrl.u32 s1, $0x2  }
0xbb: {  	s3 =	sand.u32 $0x4000, s31;
	s1 =	sadd.s32 s1, s30  }
0xbc: {  	s0 =	sor.u32 s3, s0;
	s1 =	sshll.u32 s1, $0x11  }
0xbd: {  	s0 =	sor.u32 s1, s0  }
0xbe: {  	s0 =	sadd.s32 $0x8F2B, s0  }
0xbf: {  	[sflag:s0] =	ssyncadd.remote.s32 $0x1  }
0xc0: {  	_ =	sfence.sel $0xFFFF  }
0xc1: {  	[dreg:$0x0] =	wrdreg $0xFFFFFFFF;
	(pc) =	sbr.abs _section_cstart, $3  }
0xc2: {  	[dreg:$0x1] =	wrdreg $0xFFFFFFFF  }
0xc3: {  	_ =	task.clear_ibuf [dreg:s8], $0x2FFFF;
	_ =	strace $0x9FFFFFFF  }
0xc4: {  	(tm) =	ssettm $0x7FFFFFFF  }
0xc5: {  	_ =	shalt  }
tec
execute0_lowered:
.L_overlay_start_1:
0x0: {  	(tag) =	ssettag $0x1  }
0x1: {  	s1 =	srdreg.scid;
	s0 =	stileid.u32  }
0x2: {  	s4 =	sand.u32 $0x1, s1;
	s3 =	smul.u32 $0x500, s0  }
0x3: {  	s5 =	smul.u32 $0x280, s4;
	_ =	sdelay $0x1  }
0x4: {  	s2 =	rddreg [dreg:$0x0];
	s5 =	sadd.s32 s5, s3  }
0x5: {  	s6 =	rddreg [dreg:$0x2];
	s3 =	sor.u32 $0x50, s5  }
0x6: {  	s1 =	rddreg [dreg:$0x1];
	s7 =	sshrl.u32 s3, $0x3;
	s3 =	simm.s32 $0x0  }
0x7: {  	s31 =	simm.s32 $0xA80;
	[smem:$0x7FF] =	sst s3  }
0x8: {  	s8 =	simm.s32 $0x2280;
	_ =	strace $0x8000004A;
	[dreg:$0x6] =	wrdreg s31  }
0x9: {  	s9 =	simm.s32 $0x2A80;
	[dreg:$0x9] =	wrdreg s8  }
0xa: {  	s10 =	simm.s32 $0x3280;
	[dreg:$0xa] =	wrdreg s9  }
0xb: {  	s11 =	simm.s32 $0x3A80;
	[dreg:$0xb] =	wrdreg s10  }
0xc: {  	s12 =	simm.s32 $0x4280;
	[dreg:$0xc] =	wrdreg s11  }
0xd: {  	s13 =	simm.s32 $0x4A80;
	[dreg:$0xd] =	wrdreg s12  }
0xe: {  	s14 =	simm.s32 $0x5280;
	[dreg:$0xe] =	wrdreg s13  }
0xf: {  	s15 =	simm.s32 $0x5A80;
	[dreg:$0xf] =	wrdreg s14  }
0x10: {  	s16 =	simm.s32 $0x6280;
	[dreg:$0x10] =	wrdreg s15  }
0x11: {  	s17 =	simm.s32 $0x6A80;
	[dreg:$0x11] =	wrdreg s16  }
0x12: {  	s18 =	simm.s32 $0x7280;
	[dreg:$0x12] =	wrdreg s17  }
0x13: {  	s19 =	simm.s32 $0x7A80;
	[dreg:$0x13] =	wrdreg s18  }
0x14: {  	s20 =	simm.s32 $0x8280;
	[dreg:$0x14] =	wrdreg s19  }
0x15: {  	s21 =	simm.s32 $0x8A80;
	[dreg:$0x15] =	wrdreg s20  }
0x16: {  	s22 =	simm.s32 $0x9280;
	[dreg:$0x16] =	wrdreg s21  }
0x17: {  	s23 =	simm.s32 $0x9A80;
	[dreg:$0x17] =	wrdreg s22  }
0x18: {  	s24 =	simm.s32 $0xA280;
	s5 =	sshrl.u32 s5, $0x3;
	[dreg:$0x18] =	wrdreg s23  }
0x19: {  	s25 =	simm.s32 $0xAA80;
	s5 =	smul.u32 $0x300, s5;
	[dreg:$0x19] =	wrdreg s24  }
0x1a: {  	s26 =	simm.s32 $0xB280;
	s6 =	sadd.s32 $0x4400, s6;
	[dreg:$0x1a] =	wrdreg s25  }
0x1b: {  	s5 =	sadd.s32 s5, s6;
	[dreg:$0x1b] =	wrdreg s26  }
0x1c: {  	s31 =	simm.s32 $0xBA80;
	[dreg:$0x5] =	wrdreg s5  }
0x1d: {  	s8 =	simm.s32 $0xD280;
	[dreg:$0x1c] =	wrdreg s31  }
0x1e: {  	s9 =	simm.s32 $0xDA80;
	[dreg:$0x1f] =	wrdreg s8  }
0x1f: {  	s10 =	simm.s32 $0xE280;
	[smem:$0x7ED] =	sst s9  }
0x20: {  	s11 =	simm.s32 $0xEA80;
	[smem:$0x7EE] =	sst s10  }
0x21: {  	s13 =	simm.s32 $0xFA80;
	[smem:$0x7EF] =	sst s11  }
0x22: {  	s15 =	simm.s32 $0x10280;
	[smem:$0x7F0] =	sst s13  }
0x23: {  	s16 =	simm.s32 $0x10A80;
	[smem:$0x7F1] =	sst s15  }
0x24: {  	s28 =	simm.s32 $0x1;
	s17 =	simm.s32 $0x11280;
	[smem:$0x7F2] =	sst s16  }
0x25: {  	s29 =	simm.s32 $0x2;
	s18 =	simm.s32 $0x11A80;
	[smem:$0x7F3] =	sst s17  }
0x26: {  	s30 =	simm.s32 $0x0;
	s19 =	simm.s32 $0x12280;
	[smem:$0x7F4] =	sst s18  }
0x27: {  	s7 =	smul.u32 $0x300, s7;
	s20 =	simm.s32 $0x12A80;
	[smem:$0x7F5] =	sst s19  }
0x28: {  	s12 =	ssub.s32 $0x2, s4;
	s22 =	simm.s32 $0x13280;
	[smem:$0x7F7] =	sst s20  }
0x29: {  	s23 =	simm.s32 $0x13A80;
	s24 =	simm.s32 $0x14280;
	[smem:$0x7F8] =	sst s22  }
0x2a: {  	s25 =	simm.s32 $0x14A80;
	s26 =	simm.s32 $0x15280;
	[smem:$0x7F9] =	sst s23  }
0x2b: {  	s7 =	sadd.s32 s7, s6;
	s6 =	simm.s32 $0x1280;
	[smem:$0x7FA] =	sst s24  }
0x2c: {  	s14 =	sshrl.u32 s12, $0x1;
	s8 =	sshll.u32 s0, $0x1;
	[smem:$0x7FB] =	sst s25  }
0x2d: {  	s5 =	sadd.s32 $0x100, s2;
	s9 =	simm.s32 $0x280;
	[smem:$0x7FC] =	sst s26  }
0x2e: {  	s31 =	simm.s32 $0x15A80;
	s10 =	simm.s32 $0xF280;
	s11 =	simm.s32 $0x16280  }
0x2f: {  	s13 =	simm.s32 $0x17280;
	s15 =	simm.s32 $0x18280;
	s16 =	simm.s32 $0x18A80  }
0x30: {  	s17 =	simm.s32 $0x19280;
	s18 =	simm.s32 $0x19A80;
	s19 =	simm.s32 $0x1A280  }
0x31: {  	s20 =	simm.s32 $0x1AA80;
	s22 =	simm.s32 $0x1BA80;
	s23 =	simm.s32 $0x1C280  }
0x32: {  	s24 =	simm.s32 $0x1CA80;
	s25 =	simm.s32 $0x1D280;
	[dreg:$0x4] =	wrdreg s7  }
0x33: {  	s26 =	simm.s32 $0x1DA80;
	[dreg:$0x7] =	wrdreg s6;
	s7 =	simm.s32 $0x1A80  }
0x34: {  	s6 =	simm.s32 $0xC280;
	s4 =	sor.u32 s4, s8;
	[smem:$0x7FD] =	sst s31  }
0x35: {  	s8 =	simm.s32 $0x3;
	[dreg:$0x8] =	wrdreg s7;
	s4 =	smul.u32 $0x280, s4  }
0x36: {  	[dreg:$0x1d] =	wrdreg s6;
	s7 =	simm.s32 $0xCA80;
	s6 =	sadd.s32 $0x200, s2  }
0x37: {  	v2 =	vlaneseq.u32;
	[dreg:$0x1e] =	wrdreg s7;
	s7 =	ssub.s32 s12, s14;
	s4 =	sshrl.u32 s4, $0x3  }
0x38: {  	vm0 =	vmmov $0xffff;
	v1 =	vshrl.u32 v2, $0x3;
	s12 =	simm.s32 $0x16A80;
	s14 =	simm.s32 $0x17A80;
	s21 =	sadd.s32 s1, s4  }
0x39: {  	v0 =	vand.u32 $0x7, v2;
	v2 =	vor.u32 $0x8, v2;
	v1 =	vmul.u32 $0x8, v1;
	s7 =	smax.u32 s7, $0x1;
	[smem:$0x7F6] =	sst s21;
	s21 =	simm.s32 $0x1B280  }
.LBB2_1:
0x3a: {  	s0 =	sld [smem:$0x7F6];
	_ =	sdelay $0x2  }
0x3b: {  	[tilespmem:s3], [sflag:$0x3] =	stream.linear.gather [hbm4b:s0+s3], $0x280, $0x38;
	[tilespmem:$0x1E280] =	vst v63  }
0x3c: {  	_ =	swait.ge [sflag:s8], $0x280  }
0x3d: {  	[sflag:s8] =	ssyncset.done $0x0  }
0x3e: {  	s31 =	simm.s32 $0x50;
	s1 =	simm.s32 $0x0;
	[sflag:s8] =	ssyncadd.s32 $0xFFFFFD80  }
.LBB2_2:
0x3f: {  	v3 =	vld [tilespmem:s31+$0xFFFFFFB0];
	_ =	sdelay $0x4  }
0x40: {  	v4 =	vshrl.u32 v3, $0x3  }
0x41: {  	v4 =	vmul.u32 $0x30, v4  }
0x42: {  	v3 =	vand.u32 $0x7, v3  }
0x43: {  	v3 =	vor.u32 v3, v4  }
0x44: {  	v4 =	vperm.xlane v3, v0;
	_ =	sdelay $0x1  }
0x45: {  	v4 =	vadd.s32 v1, v4;
	_ =	sdelay $0x3  }
0x46: {  	v3 =	vperm.xlane v3, v2  }
0x47: {  	[tilespmem:s9], [sflag:$0x1] =	stream.indirect_vreg.gather [hbm4b:s2+s3], $0x80, v4, vm0, $0xb8;
	[tilespmem:$0x1E280] =	vst v63  }
0x48: {  	s0 =	rddreg [dreg:$0x6];
	v3 =	vadd.s32 v1, v3  }
0x49: {  	[tilespmem:s0], [sflag:$0x1] =	stream.indirect_vreg.gather [hbm4b:s5+s3], $0x80, v4, vm0, $0xb8;
	[tilespmem:$0x1E280] =	vst v63  }
0x4a: {  	s4 =	rddreg [dreg:$0x7]  }
0x4b: {  	[tilespmem:s4], [sflag:$0x1] =	stream.indirect_vreg.gather [hbm4b:s6+s3], $0x80, v4, vm0, $0xb8;
	[tilespmem:$0x1E280] =	vst v63  }
0x4c: {  	s0 =	rddreg [dreg:$0x8]  }
0x4d: {  	[tilespmem:s0], [sflag:$0x1] =	stream.indirect_vreg.gather [hbm4b:s2+s3], $0x80, v3, vm0, $0xb8;
	[tilespmem:$0x1E280] =	vst v63  }
0x4e: {  	s4 =	rddreg [dreg:$0x9]  }
0x4f: {  	[tilespmem:s4], [sflag:$0x1] =	stream.indirect_vreg.gather [hbm4b:s5+s3], $0x80, v3, vm0, $0xb8;
	[tilespmem:$0x1E280] =	vst v63  }
0x50: {  	s0 =	rddreg [dreg:$0xa]  }
0x51: {  	[tilespmem:s0], [sflag:$0x1] =	stream.indirect_vreg.gather [hbm4b:s6+s3], $0x80, v3, vm0, $0xb8;
	[tilespmem:$0x1E280] =	vst v63  }
0x52: {  	v3 =	vld [tilespmem:s31+$0xFFFFFFC0];
	_ =	sdelay $0x4  }
0x53: {  	v55 =	vshrl.u32 v3, $0x3  }
0x54: {  	v4 =	vmul.u32 $0x30, v55  }
0x55: {  	v3 =	vand.u32 $0x7, v3  }
0x56: {  	v3 =	vor.u32 v3, v4  }
0x57: {  	v4 =	vperm.xlane v3, v0;
	_ =	sdelay $0x1  }
0x58: {  	v4 =	vadd.s32 v1, v4;
	_ =	sdelay $0x3  }
0x59: {  	s0 =	rddreg [dreg:$0xb];
	v3 =	vperm.xlane v3, v2  }
0x5a: {  	[tilespmem:s0], [sflag:$0x1] =	stream.indirect_vreg.gather [hbm4b:s2+s3], $0x80, v4, vm0, $0xb8;
	[tilespmem:$0x1E280] =	vst v63  }
0x5b: {  	s4 =	rddreg [dreg:$0xc];
	v3 =	vadd.s32 v1, v3  }
0x5c: {  	[tilespmem:s4], [sflag:$0x1] =	stream.indirect_vreg.gather [hbm4b:s5+s3], $0x80, v4, vm0, $0xb8;
	[tilespmem:$0x1E280] =	vst v63  }
0x5d: {  	s0 =	rddreg [dreg:$0xd]  }
0x5e: {  	[tilespmem:s0], [sflag:$0x1] =	stream.indirect_vreg.gather [hbm4b:s6+s3], $0x80, v4, vm0, $0xb8;
	[tilespmem:$0x1E280] =	vst v63  }
0x5f: {  	s4 =	rddreg [dreg:$0xe]  }
0x60: {  	[tilespmem:s4], [sflag:$0x1] =	stream.indirect_vreg.gather [hbm4b:s2+s3], $0x80, v3, vm0, $0xb8;
	[tilespmem:$0x1E280] =	vst v63  }
0x61: {  	s0 =	rddreg [dreg:$0xf]  }
0x62: {  	[tilespmem:s0], [sflag:$0x1] =	stream.indirect_vreg.gather [hbm4b:s5+s3], $0x80, v3, vm0, $0xb8;
	[tilespmem:$0x1E280] =	vst v63  }
0x63: {  	s4 =	rddreg [dreg:$0x10]  }
0x64: {  	[tilespmem:s4], [sflag:$0x1] =	stream.indirect_vreg.gather [hbm4b:s6+s3], $0x80, v3, vm0, $0xb8;
	[tilespmem:$0x1E280] =	vst v63  }
0x65: {  	v3 =	vld [tilespmem:s31+$0xFFFFFFD0];
	_ =	sdelay $0x4  }
0x66: {  	v56 =	vshrl.u32 v3, $0x3  }
0x67: {  	v4 =	vmul.u32 $0x30, v56  }
0x68: {  	v3 =	vand.u32 $0x7, v3  }
0x69: {  	v3 =	vor.u32 v3, v4  }
0x6a: {  	v4 =	vperm.xlane v3, v0;
	_ =	sdelay $0x1  }
0x6b: {  	v4 =	vadd.s32 v1, v4;
	_ =	sdelay $0x3  }
0x6c: {  	s0 =	rddreg [dreg:$0x11];
	v3 =	vperm.xlane v3, v2  }
0x6d: {  	[tilespmem:s0], [sflag:$0x1] =	stream.indirect_vreg.gather [hbm4b:s2+s3], $0x80, v4, vm0, $0xb8;
	[tilespmem:$0x1E280] =	vst v63  }
0x6e: {  	s4 =	rddreg [dreg:$0x12];
	v3 =	vadd.s32 v1, v3  }
0x6f: {  	[tilespmem:s4], [sflag:$0x1] =	stream.indirect_vreg.gather [hbm4b:s5+s3], $0x80, v4, vm0, $0xb8;
	[tilespmem:$0x1E280] =	vst v63  }
0x70: {  	s0 =	rddreg [dreg:$0x13]  }
0x71: {  	[tilespmem:s0], [sflag:$0x1] =	stream.indirect_vreg.gather [hbm4b:s6+s3], $0x80, v4, vm0, $0xb8;
	[tilespmem:$0x1E280] =	vst v63  }
0x72: {  	s4 =	rddreg [dreg:$0x14]  }
0x73: {  	[tilespmem:s4], [sflag:$0x1] =	stream.indirect_vreg.gather [hbm4b:s2+s3], $0x80, v3, vm0, $0xb8;
	[tilespmem:$0x1E280] =	vst v63  }
0x74: {  	s0 =	rddreg [dreg:$0x15]  }
0x75: {  	[tilespmem:s0], [sflag:$0x1] =	stream.indirect_vreg.gather [hbm4b:s5+s3], $0x80, v3, vm0, $0xb8;
	[tilespmem:$0x1E280] =	vst v63  }
0x76: {  	s4 =	rddreg [dreg:$0x16]  }
0x77: {  	[tilespmem:s4], [sflag:$0x1] =	stream.indirect_vreg.gather [hbm4b:s6+s3], $0x80, v3, vm0, $0xb8;
	[tilespmem:$0x1E280] =	vst v63  }
0x78: {  	v3 =	vld [tilespmem:s31+$0xFFFFFFE0];
	_ =	sdelay $0x4  }
0x79: {  	v57 =	vshrl.u32 v3, $0x3  }
0x7a: {  	v4 =	vmul.u32 $0x30, v57  }
0x7b: {  	v3 =	vand.u32 $0x7, v3  }
0x7c: {  	v3 =	vor.u32 v3, v4  }
0x7d: {  	v4 =	vperm.xlane v3, v0;
	_ =	sdelay $0x1  }
0x7e: {  	v4 =	vadd.s32 v1, v4;
	_ =	sdelay $0x3  }
0x7f: {  	s0 =	rddreg [dreg:$0x17];
	v3 =	vperm.xlane v3, v2  }
0x80: {  	[tilespmem:s0], [sflag:$0x1] =	stream.indirect_vreg.gather [hbm4b:s2+s3], $0x80, v4, vm0, $0xb8;
	[tilespmem:$0x1E280] =	vst v63  }
0x81: {  	s4 =	rddreg [dreg:$0x18];
	v3 =	vadd.s32 v1, v3  }
0x82: {  	[tilespmem:s4], [sflag:$0x1] =	stream.indirect_vreg.gather [hbm4b:s5+s3], $0x80, v4, vm0, $0xb8;
	[tilespmem:$0x1E280] =	vst v63  }
0x83: {  	s0 =	rddreg [dreg:$0x19]  }
0x84: {  	[tilespmem:s0], [sflag:$0x1] =	stream.indirect_vreg.gather [hbm4b:s6+s3], $0x80, v4, vm0, $0xb8;
	[tilespmem:$0x1E280] =	vst v63  }
0x85: {  	s4 =	rddreg [dreg:$0x1a]  }
0x86: {  	[tilespmem:s4], [sflag:$0x1] =	stream.indirect_vreg.gather [hbm4b:s2+s3], $0x80, v3, vm0, $0xb8;
	[tilespmem:$0x1E280] =	vst v63  }
0x87: {  	s0 =	rddreg [dreg:$0x1b]  }
0x88: {  	[tilespmem:s0], [sflag:$0x1] =	stream.indirect_vreg.gather [hbm4b:s5+s3], $0x80, v3, vm0, $0xb8;
	[tilespmem:$0x1E280] =	vst v63  }
0x89: {  	s4 =	rddreg [dreg:$0x1c]  }
0x8a: {  	[tilespmem:s4], [sflag:$0x1] =	stream.indirect_vreg.gather [hbm4b:s6+s3], $0x80, v3, vm0, $0xb8;
	[tilespmem:$0x1E280] =	vst v63  }
0x8b: {  	v3 =	vld [tilespmem:s31+$0xFFFFFFF0];
	_ =	sdelay $0x4  }
0x8c: {  	v58 =	vshrl.u32 v3, $0x3  }
0x8d: {  	v4 =	vmul.u32 $0x30, v58  }
0x8e: {  	v3 =	vand.u32 $0x7, v3  }
0x8f: {  	v3 =	vor.u32 v3, v4  }
0x90: {  	v4 =	vperm.xlane v3, v0;
	_ =	sdelay $0x1  }
0x91: {  	v4 =	vadd.s32 v1, v4;
	_ =	sdelay $0x2  }
0x92: {  	s0 =	rddreg [dreg:$0x1d]  }
0x93: {  	s4 =	rddreg [dreg:$0x1e];
	v3 =	vperm.xlane v3, v2  }
0x94: {  	[tilespmem:s0], [sflag:$0x1] =	stream.indirect_vreg.gather [hbm4b:s2+s3], $0x80, v4, vm0, $0xb8;
	[tilespmem:$0x1E280] =	vst v63  }
0x95: {  	v3 =	vadd.s32 v1, v3;
	s0 =	rddreg [dreg:$0x1f]  }
0x96: {  	[tilespmem:s4], [sflag:$0x1] =	stream.indirect_vreg.gather [hbm4b:s5+s3], $0x80, v4, vm0, $0xb8;
	[tilespmem:$0x1E280] =	vst v63  }
0x97: {  	s4 =	sld [smem:$0x7ED]  }
0x98: {  	[tilespmem:s0], [sflag:$0x1] =	stream.indirect_vreg.gather [hbm4b:s6+s3], $0x80, v4, vm0, $0xb8;
	[tilespmem:$0x1E280] =	vst v63  }
0x99: {  	s0 =	sld [smem:$0x7EE]  }
0x9a: {  	[tilespmem:s4], [sflag:$0x1] =	stream.indirect_vreg.gather [hbm4b:s2+s3], $0x80, v3, vm0, $0xb8;
	[tilespmem:$0x1E280] =	vst v63  }
0x9b: {  	s4 =	sld [smem:$0x7EF]  }
0x9c: {  	[tilespmem:s0], [sflag:$0x1] =	stream.indirect_vreg.gather [hbm4b:s5+s3], $0x80, v3, vm0, $0xb8;
	[tilespmem:$0x1E280] =	vst v63  }
0x9d: {  	_ = 	snop  }
0x9e: {  	[tilespmem:s4], [sflag:$0x1] =	stream.indirect_vreg.gather [hbm4b:s6+s3], $0x80, v3, vm0, $0xb8;
	[tilespmem:$0x1E280] =	vst v63  }
0x9f: {  	v3 =	vld [tilespmem:s31+$0x0];
	_ =	sdelay $0x4  }
0xa0: {  	v59 =	vshrl.u32 v3, $0x3  }
0xa1: {  	v4 =	vmul.u32 $0x30, v59  }
0xa2: {  	v3 =	vand.u32 $0x7, v3  }
0xa3: {  	v3 =	vor.u32 v3, v4  }
0xa4: {  	v4 =	vperm.xlane v3, v0;
	_ =	sdelay $0x1  }
0xa5: {  	v4 =	vadd.s32 v1, v4;
	_ =	sdelay $0x3  }
0xa6: {  	s0 =	sld [smem:$0x7F0];
	v3 =	vperm.xlane v3, v2  }
0xa7: {  	[tilespmem:s10], [sflag:$0x2] =	stream.indirect_vreg.gather [hbm4b:s2+s3], $0x80, v4, vm0, $0xb8;
	[tilespmem:$0x1E280] =	vst v63  }
0xa8: {  	s4 =	sld [smem:$0x7F1];
	v3 =	vadd.s32 v1, v3  }
0xa9: {  	[tilespmem:s0], [sflag:$0x2] =	stream.indirect_vreg.gather [hbm4b:s5+s3], $0x80, v4, vm0, $0xb8;
	[tilespmem:$0x1E280] =	vst v63  }
0xaa: {  	s0 =	sld [smem:$0x7F2]  }
0xab: {  	[tilespmem:s4], [sflag:$0x2] =	stream.indirect_vreg.gather [hbm4b:s6+s3], $0x80, v4, vm0, $0xb8;
	[tilespmem:$0x1E280] =	vst v63  }
0xac: {  	s4 =	sld [smem:$0x7F3]  }
0xad: {  	[tilespmem:s0], [sflag:$0x2] =	stream.indirect_vreg.gather [hbm4b:s2+s3], $0x80, v3, vm0, $0xb8;
	[tilespmem:$0x1E280] =	vst v63  }
0xae: {  	s0 =	sld [smem:$0x7F4]  }
0xaf: {  	[tilespmem:s4], [sflag:$0x2] =	stream.indirect_vreg.gather [hbm4b:s5+s3], $0x80, v3, vm0, $0xb8;
	[tilespmem:$0x1E280] =	vst v63  }
0xb0: {  	_ = 	snop  }
0xb1: {  	[tilespmem:s0], [sflag:$0x2] =	stream.indirect_vreg.gather [hbm4b:s6+s3], $0x80, v3, vm0, $0xb8;
	[tilespmem:$0x1E280] =	vst v63  }
0xb2: {  	v3 =	vld [tilespmem:s31+$0x10];
	_ =	sdelay $0x4  }
0xb3: {  	v60 =	vshrl.u32 v3, $0x3  }
0xb4: {  	v4 =	vmul.u32 $0x30, v60  }
0xb5: {  	v3 =	vand.u32 $0x7, v3  }
0xb6: {  	v3 =	vor.u32 v3, v4  }
0xb7: {  	v4 =	vperm.xlane v3, v0;
	_ =	sdelay $0x1  }
0xb8: {  	v4 =	vadd.s32 v1, v4;
	_ =	sdelay $0x1  }
0xb9: {  	s0 =	sld [smem:$0x7F5];
	_ =	sdelay $0x1  }
0xba: {  	s4 =	sld [smem:$0x7F7];
	v3 =	vperm.xlane v3, v2  }
0xbb: {  	[tilespmem:s0], [sflag:$0x2] =	stream.indirect_vreg.gather [hbm4b:s2+s3], $0x80, v4, vm0, $0xb8;
	[tilespmem:$0x1E280] =	vst v63  }
0xbc: {  	v3 =	vadd.s32 v1, v3;
	s0 =	sld [smem:$0x7F8]  }
0xbd: {  	[tilespmem:s4], [sflag:$0x2] =	stream.indirect_vreg.gather [hbm4b:s5+s3], $0x80, v4, vm0, $0xb8;
	[tilespmem:$0x1E280] =	vst v63  }
0xbe: {  	s4 =	sld [smem:$0x7F9]  }
0xbf: {  	[tilespmem:s0], [sflag:$0x2] =	stream.indirect_vreg.gather [hbm4b:s6+s3], $0x80, v4, vm0, $0xb8;
	[tilespmem:$0x1E280] =	vst v63  }
0xc0: {  	s0 =	sld [smem:$0x7FA]  }
0xc1: {  	[tilespmem:s4], [sflag:$0x2] =	stream.indirect_vreg.gather [hbm4b:s2+s3], $0x80, v3, vm0, $0xb8;
	[tilespmem:$0x1E280] =	vst v63  }
0xc2: {  	s4 =	sld [smem:$0x7FB]  }
0xc3: {  	[tilespmem:s0], [sflag:$0x2] =	stream.indirect_vreg.gather [hbm4b:s5+s3], $0x80, v3, vm0, $0xb8;
	[tilespmem:$0x1E280] =	vst v63  }
0xc4: {  	_ = 	snop  }
0xc5: {  	[tilespmem:s4], [sflag:$0x2] =	stream.indirect_vreg.gather [hbm4b:s6+s3], $0x80, v3, vm0, $0xb8;
	[tilespmem:$0x1E280] =	vst v63  }
0xc6: {  	v3 =	vld [tilespmem:s31+$0x20];
	_ =	sdelay $0x4  }
0xc7: {  	v61 =	vshrl.u32 v3, $0x3  }
0xc8: {  	v4 =	vmul.u32 $0x30, v61  }
0xc9: {  	v3 =	vand.u32 $0x7, v3  }
0xca: {  	v3 =	vor.u32 v3, v4  }
0xcb: {  	v4 =	vperm.xlane v3, v0;
	_ =	sdelay $0x1  }
0xcc: {  	v4 =	vadd.s32 v1, v4;
	_ =	sdelay $0x1  }
0xcd: {  	s0 =	sld [smem:$0x7FC];
	_ =	sdelay $0x1  }
0xce: {  	s4 =	sld [smem:$0x7FD];
	v3 =	vperm.xlane v3, v2  }
0xcf: {  	[tilespmem:s0], [sflag:$0x2] =	stream.indirect_vreg.gather [hbm4b:s2+s3], $0x80, v4, vm0, $0xb8;
	[tilespmem:$0x1E280] =	vst v63  }
0xd0: {  	v3 =	vadd.s32 v1, v3  }
0xd1: {  	[tilespmem:s4], [sflag:$0x2] =	stream.indirect_vreg.gather [hbm4b:s5+s3], $0x80, v4, vm0, $0xb8;
	[tilespmem:$0x1E280] =	vst v63  }
0xd2: {  	_ = 	snop  }
0xd3: {  	[tilespmem:s11], [sflag:$0x2] =	stream.indirect_vreg.gather [hbm4b:s6+s3], $0x80, v4, vm0, $0xb8;
	[tilespmem:$0x1E280] =	vst v63  }
0xd4: {  	_ = 	snop  }
0xd5: {  	[tilespmem:s12], [sflag:$0x2] =	stream.indirect_vreg.gather [hbm4b:s2+s3], $0x80, v3, vm0, $0xb8;
	[tilespmem:$0x1E280] =	vst v63  }
0xd6: {  	_ = 	snop  }
0xd7: {  	[tilespmem:s13], [sflag:$0x2] =	stream.indirect_vreg.gather [hbm4b:s5+s3], $0x80, v3, vm0, $0xb8;
	[tilespmem:$0x1E280] =	vst v63  }
0xd8: {  	_ = 	snop  }
0xd9: {  	[tilespmem:s14], [sflag:$0x2] =	stream.indirect_vreg.gather [hbm4b:s6+s3], $0x80, v3, vm0, $0xb8;
	[tilespmem:$0x1E280] =	vst v63  }
0xda: {  	v3 =	vld [tilespmem:s31+$0x30];
	_ =	sdelay $0x4  }
0xdb: {  	v62 =	vshrl.u32 v3, $0x3  }
0xdc: {  	v4 =	vmul.u32 $0x30, v62  }
0xdd: {  	v3 =	vand.u32 $0x7, v3  }
0xde: {  	v3 =	vor.u32 v3, v4  }
0xdf: {  	v4 =	vperm.xlane v3, v0;
	_ =	sdelay $0x1  }
0xe0: {  	v4 =	vadd.s32 v1, v4;
	_ =	sdelay $0x3  }
0xe1: {  	v3 =	vperm.xlane v3, v2  }
0xe2: {  	[tilespmem:s15], [sflag:$0x2] =	stream.indirect_vreg.gather [hbm4b:s2+s3], $0x80, v4, vm0, $0xb8;
	[tilespmem:$0x1E280] =	vst v63  }
0xe3: {  	v3 =	vadd.s32 v1, v3  }
0xe4: {  	[tilespmem:s16], [sflag:$0x2] =	stream.indirect_vreg.gather [hbm4b:s5+s3], $0x80, v4, vm0, $0xb8;
	[tilespmem:$0x1E280] =	vst v63  }
0xe5: {  	_ = 	snop  }
0xe6: {  	[tilespmem:s17], [sflag:$0x2] =	stream.indirect_vreg.gather [hbm4b:s6+s3], $0x80, v4, vm0, $0xb8;
	[tilespmem:$0x1E280] =	vst v63  }
0xe7: {  	_ = 	snop  }
0xe8: {  	[tilespmem:s18], [sflag:$0x2] =	stream.indirect_vreg.gather [hbm4b:s2+s3], $0x80, v3, vm0, $0xb8;
	[tilespmem:$0x1E280] =	vst v63  }
0xe9: {  	_ = 	snop  }
0xea: {  	[tilespmem:s19], [sflag:$0x2] =	stream.indirect_vreg.gather [hbm4b:s5+s3], $0x80, v3, vm0, $0xb8;
	[tilespmem:$0x1E280] =	vst v63  }
0xeb: {  	_ = 	snop  }
0xec: {  	[tilespmem:s20], [sflag:$0x2] =	stream.indirect_vreg.gather [hbm4b:s6+s3], $0x80, v3, vm0, $0xb8;
	[tilespmem:$0x1E280] =	vst v63  }
0xed: {  	v3 =	vld [tilespmem:s31+$0x40];
	_ =	sdelay $0x4  }
0xee: {  	v63 =	vshrl.u32 v3, $0x3  }
0xef: {  	v4 =	vmul.u32 $0x30, v63  }
0xf0: {  	v3 =	vand.u32 $0x7, v3  }
0xf1: {  	v3 =	vor.u32 v3, v4  }
0xf2: {  	v4 =	vperm.xlane v3, v0;
	_ =	sdelay $0x1  }
0xf3: {  	v4 =	vadd.s32 v1, v4;
	_ =	sdelay $0x3  }
0xf4: {  	v3 =	vperm.xlane v3, v2  }
0xf5: {  	[tilespmem:s21], [sflag:$0x2] =	stream.indirect_vreg.gather [hbm4b:s2+s3], $0x80, v4, vm0, $0xb8;
	[tilespmem:$0x1E280] =	vst v63  }
0xf6: {  	v3 =	vadd.s32 v1, v3  }
0xf7: {  	[tilespmem:s22], [sflag:$0x2] =	stream.indirect_vreg.gather [hbm4b:s5+s3], $0x80, v4, vm0, $0xb8;
	[tilespmem:$0x1E280] =	vst v63  }
0xf8: {  	_ = 	snop  }
0xf9: {  	[tilespmem:s23], [sflag:$0x2] =	stream.indirect_vreg.gather [hbm4b:s6+s3], $0x80, v4, vm0, $0xb8;
	[tilespmem:$0x1E280] =	vst v63  }
0xfa: {  	_ = 	snop  }
0xfb: {  	[tilespmem:s24], [sflag:$0x2] =	stream.indirect_vreg.gather [hbm4b:s2+s3], $0x80, v3, vm0, $0xb8;
	[tilespmem:$0x1E280] =	vst v63  }
0xfc: {  	_ = 	snop  }
0xfd: {  	[tilespmem:s25], [sflag:$0x2] =	stream.indirect_vreg.gather [hbm4b:s5+s3], $0x80, v3, vm0, $0xb8;
	[tilespmem:$0x1E280] =	vst v63  }
0xfe: {  	_ = 	snop  }
0xff: {  	[tilespmem:s26], [sflag:$0x2] =	stream.indirect_vreg.gather [hbm4b:s6+s3], $0x80, v3, vm0, $0xb8;
	[tilespmem:$0x1E280] =	vst v63  }
0x100: {  	_ =	swait.ge [sflag:s28], $0xF000  }
0x101: {  	[sflag:s28] =	ssyncset.done $0x0  }
0x102: {  	[sflag:s28] =	ssyncadd.s32 $0xFFFF1000  }
0x103: {  	_ =	swait.ge [sflag:s29], $0xF000  }
0x104: {  	s4 =	rddreg [dreg:$0x5];
	[sflag:s29] =	ssyncset.done $0x0  }
0x105: {  	[sflag:s29] =	ssyncadd.s32 $0xFFFF1000;
	s0 =	sadd.s32 s1, s4  }
0x106: {  	[hbm4b:s0+s3] =	stream.linear.scatter [tilespmem:s9], [sflag:$0x3], $0xF000, $0x38;
	[tilespmem:$0x1E280] =	vst v63  }
0x107: {  	_ =	swait.ge [sflag:s8], $0xF000  }
0x108: {  	p0 =	sne.s32 s1, $0xB400;
	s4 =	rddreg [dreg:$0x4];
	[sflag:s8] =	ssyncset.done $0x0  }
.Ltmp0:
0x109: {  	[sflag:s8] =	ssyncadd.s32 $0xFFFF1000;
	s0 =	sadd.s32 s1, s4;
	(pc) =	sbr.rel @p0 .LBB2_2-.Ltmp0, $4  }
0x10a: {  	[hbm4b:s0+s3] =	stream.linear.scatter [tilespmem:s10], [sflag:$0x3], $0xF000, $0x38;
	[tilespmem:$0x1E280] =	vst v63  }
0x10b: {  	_ =	swait.ge [sflag:s8], $0xF000  }
0x10c: {  	[sflag:s8] =	ssyncset.done $0x0  }
0x10d: {  	s31 =	sadd.s32 $0xA0, s31;
	s1 =	sadd.s32 $0x3C00, s1;
	[sflag:s8] =	ssyncadd.s32 $0xFFFF1000  }
0x10e: {  	s30 =	sadd.s32 $0x1, s30  }
0x10f: {  	p0 =	sne.s32 s30, s7  }
.Ltmp1:
0x110: {  	_ = 	snop;
	(pc) =	sbr.rel @p0 .LBB2_1-.Ltmp1, $1  }
0x111: {  	_ =	sdelay $0x3  }
0x112: {  	_ =	sfence.sel $0x180000  }
0x113: {  	[bflag:$0x0] =	sbarrier.arrive $0xFFFF  }
0x114: {  	_ =	strace $0x9000004A  }
0x115: {  	s0 =	stileid.u32;
	[bflag:$0x2] =	sbarrier.arrive $0xFFFF  }
0x116: {  	p0 =	sne.s32 s0, $0x0;
	s0 =	rddreg [dreg:$0x3]  }
0x117: {  	s0 =	sadd.s32 @!p0 $0x100000, s0  }
0x118: {  	[sflag:s0] =	ssyncadd.tile.s32 @!p0 $0x1;
	_ =	shalt  }
.Lfunc_end2:
_tile_overlayer_lowered:
.L_overlay_start_2:
0x119: {  	(tag) =	ssettag $0x2  }
0x11a: {  	s0 =	rddreg [dreg:$0x0];
	s2 =	stileid.u32  }
0x11b: {  	s1 =	rddreg [dreg:$0x1];
	p0 =	sne.s32 s2, $0x0  }
0x11c: {  	s3 =	rddreg [dreg:$0x2];
	[bflag:$0x3] =	sbarrier.arrive $0xFFFF;
	s2 =	simm.s32 @!p0 $0x1C03  }
0x11d: {  	[timem:s3], [sflag:s2] =	dma.local @!p0 [hbm:s0], s1  }
0x11e: {  	s0 =	simm.s32 @!p0 $0x3  }
0x11f: {  	_ =	swait.ge @!p0 [sflag:s0], s1  }
0x120: {  	s1 =	ssub.s32 @!p0 $0x0, s1;
	[sflag:s0] =	ssyncset.done @!p0 $0x0  }
0x121: {  	[sflag:s0] =	ssyncadd.s32 @!p0 s1  }
0x122: {  	[bflag:$0x3] =	sbarrier.arrive $0xFFFF  }
0x123: {  	_ =	shalt  }

// kernel: kernel.13.cloned.1.call-start
scs
__scs_entry_jumppad:
0x0: {  	(pc) =	sbr.rel $0x88, $3  }
0x1: {  	(tag) =	ssettag $0x0;
	lr =	simm.s32 $0x1  }
0x2: {  	[smem:$0x3F9A] =	sst lr;
	_ =	strace $0xD0000000  }
0x3: {  	_ = 	snop  }
0x4: {  	_ = 	snop  }
0x5: {  	_ = 	snop  }
0x6: {  	_ = 	snop  }
0x7: {  	_ = 	snop  }
__scs_overlays_trampoline_lowered:
0x8: {  	[smem:$0x3FA9] =	sst s0  }
0x9: {  	[smem:$0x3FAA] =	sst s1  }
0xa: {  	[smem:$0x3FAB] =	sst s2  }
0xb: {  	[smem:$0x3FAC] =	sst s3  }
0xc: {  	[smem:$0x3FAD] =	sst s4  }
0xd: {  	[smem:$0x3FAE] =	sst s5  }
0xe: {  	[smem:$0x3FAF] =	sst s6  }
0xf: {  	[smem:$0x3FB0] =	sst s7  }
0x10: {  	[smem:$0x3FB1] =	sst s8  }
0x11: {  	[smem:$0x3FB2] =	sst s9;
	s0 =	simm.s32 @!p0 $0x0  }
0x12: {  	s1 =	sld [smem:$0x3F98];
	s0 =	simm.s32 @p0 $0x1  }
0x13: {  	[smem:$0x3FB3] =	sst s0;
	s0 =	simm.s32 @!p1 $0x0  }
0x14: {  	s2 =	sld [smem:$0x3F97];
	s0 =	simm.s32 @p1 $0x1  }
0x15: {  	[smem:$0x3FB4] =	sst s0;
	s0 =	simm.s32 @!p2 $0x0  }
0x16: {  	s3 =	sld [smem:$0x3FDB];
	s0 =	simm.s32 @p2 $0x1  }
0x17: {  	s4 =	simm.s32 $0x1BF5;
	[smem:$0x3FB6] =	sst s0  }
0x18: {  	s0 =	sld [smem:$0x3F99];
	_ =	swait.ge [sflag:s4], $0x0  }
0x19: {  	s7 =	sld [smem:$0x3F9A]  }
0x1a: {  	s8 =	sadd.s32 $0xFFFFE003, lr  }
0x1b: {  	s9 =	sadd.s32 $0xFFFFFEF7, lr;
	s5 =	simm.s32 $0xFFFFFFFF;
	p2 =	slt.u32 s8, $0xFFFFF086  }
0x1c: {  	p1 =	slt.u32 s9, $0xF7A;
	s5 =	simm.s32 @!p2 $0x0  }
0x1d: {  	s5 =	simm.s32 @p1 $0x1;
	p0 =	seq.s32 s7, s2  }
0x1e: {  	s7 =	smul.u32 @!p0 $0xF7A, s2;
	p2 =	seq.s32 @!p0 s5, $0x0  }
0x1f: {  	s9 =	smul.u32 $0xF7A, s1;
	s8 =	simm.s32 @!p0 $0x1BF5;
	p2 =	por !p2, p0  }
0x20: {  	[sflag:s8] =	ssyncset.s32 @!p0 $0xFFFFF086;
	s6 =	sadd.s32 @!p0 s3, s7;
	s7 =	simm.s32 @!p0 $0x108  }
0x21: {  	s3 =	sadd.s32 s3, s9;
	s6 =	sadd.s32 @!p0 $0x88, s6;
	s7 =	simm.s32 @p2 $0x1082  }
0x22: {  	[simem:s7], [sflag:s8] =	dma.local @!p0 [hbm:s6], $0xF7A  }
0x23: {  	s9 =	sor.u32 $0xD0000000, s2;
	s6 =	simm.s32 $0x108;
	_ =	swait.ge @!p0 [sflag:s8], $0x0  }
0x24: {  	s3 =	sadd.s32 $0x88, s3;
	s6 =	simm.s32 @!p1 $0x1082;
	[sflag:s4] =	ssyncset.s32 $0xFFFFF086  }
0x25: {  	[simem:s6], [sflag:s4] =	dma.local [hbm:s3], $0xF7A  }
0x26: {  	[smem:$0x3F9A] =	sst s1;
	(tag) =	ssettag s2;
	_ =	strace s9  }
0x27: {  	s1 =	sld [smem:$0x3FAA]  }
0x28: {  	s2 =	sld [smem:$0x3FAB]  }
0x29: {  	s4 =	sld [smem:$0x3FAD]  }
0x2a: {  	p0 =	seq.s32 s5, $0x0;
	s5 =	sld [smem:$0x3FAE]  }
0x2b: {  	s6 =	sld [smem:$0x3FAF]  }
0x2c: {  	s7 =	sld [smem:$0x3FB0]  }
0x2d: {  	s3 =	simm.s32 $0x108;
	s8 =	sld [smem:$0x3FB1]  }
0x2e: {  	s3 =	simm.s32 @!p0 $0x1082;
	s9 =	sld [smem:$0x3FB2]  }
0x2f: {  	lr =	sadd.s32 s0, s3;
	s0 =	sld [smem:$0x3FA9]  }
0x30: {  	s3 =	sld [smem:$0x3FAC]  }
0x31: {  	[smem:$0x3FB5] =	sst s10  }
0x32: {  	s10 =	sld [smem:$0x3FB3];
	_ =	sdelay $0x3  }
0x33: {  	p0 =	seq.s32 s10, $0x1;
	s10 =	sld [smem:$0x3FB5];
	_ =	sdelay $0x3  }
0x34: {  	[smem:$0x3FB5] =	sst s10  }
0x35: {  	s10 =	sld [smem:$0x3FB4];
	_ =	sdelay $0x3  }
0x36: {  	p1 =	seq.s32 s10, $0x1;
	s10 =	sld [smem:$0x3FB5];
	_ =	sdelay $0x3  }
0x37: {  	[smem:$0x3FB5] =	sst s10  }
0x38: {  	s10 =	sld [smem:$0x3FB6]  }
0x39: {  	_ = 	snop;
	(pc) =	sbr.ind lr, $3  }
0x3a: {  	_ = 	snop  }
0x3b: {  	_ = 	snop  }
0x3c: {  	p2 =	seq.s32 s10, $0x1;
	s10 =	sld [smem:$0x3FB5]  }
0x3d: {  	_ =	shalt  }
0x3e: {  	_ =	shalt  }
0x3f: {  	_ =	shalt  }
0x40: {  	_ =	shalt  }
0x41: {  	_ =	shalt  }
0x42: {  	_ =	shalt  }
0x43: {  	_ =	shalt  }
0x44: {  	_ =	shalt  }
0x45: {  	_ =	shalt  }
0x46: {  	_ =	shalt  }
0x47: {  	_ =	shalt  }
0x48: {  	_ =	shalt  }
0x49: {  	_ =	shalt  }
0x4a: {  	_ =	shalt  }
0x4b: {  	_ =	shalt  }
0x4c: {  	_ =	shalt  }
0x4d: {  	_ =	shalt  }
0x4e: {  	_ =	shalt  }
0x4f: {  	_ =	shalt  }
0x50: {  	_ =	shalt  }
0x51: {  	_ =	shalt  }
0x52: {  	_ =	shalt  }
0x53: {  	_ =	shalt  }
0x54: {  	_ =	shalt  }
0x55: {  	_ =	shalt  }
0x56: {  	_ =	shalt  }
0x57: {  	_ =	shalt  }
0x58: {  	_ =	shalt  }
0x59: {  	_ =	shalt  }
0x5a: {  	_ =	shalt  }
0x5b: {  	_ =	shalt  }
0x5c: {  	_ =	shalt  }
0x5d: {  	_ =	shalt  }
0x5e: {  	_ =	shalt  }
0x5f: {  	_ =	shalt  }
0x60: {  	_ =	shalt  }
0x61: {  	_ =	shalt  }
0x62: {  	_ =	shalt  }
0x63: {  	_ =	shalt  }
0x64: {  	_ =	shalt  }
0x65: {  	_ =	shalt  }
0x66: {  	_ =	shalt  }
0x67: {  	_ =	shalt  }
0x68: {  	_ =	shalt  }
0x69: {  	_ =	shalt  }
0x6a: {  	_ =	shalt  }
0x6b: {  	_ =	shalt  }
0x6c: {  	_ =	shalt  }
0x6d: {  	_ =	shalt  }
0x6e: {  	_ =	shalt  }
0x6f: {  	_ =	shalt  }
0x70: {  	_ =	shalt  }
0x71: {  	_ =	shalt  }
0x72: {  	_ =	shalt  }
0x73: {  	_ =	shalt  }
0x74: {  	_ =	shalt  }
0x75: {  	_ =	shalt  }
0x76: {  	_ =	shalt  }
0x77: {  	_ =	shalt  }
0x78: {  	_ =	shalt  }
0x79: {  	_ =	shalt  }
0x7a: {  	_ =	shalt  }
0x7b: {  	_ =	shalt  }
0x7c: {  	_ =	shalt  }
0x7d: {  	_ =	shalt  }
0x7e: {  	_ =	shalt  }
0x7f: {  	_ =	shalt  }
0x80: {  	_ =	shalt  }
0x81: {  	_ =	shalt  }
0x82: {  	_ =	shalt  }
0x83: {  	_ =	shalt  }
0x84: {  	_ =	shalt  }
0x85: {  	_ =	shalt  }
0x86: {  	_ =	shalt  }
0x87: {  	_ =	shalt  }
.Lfunc_end0:
.L_simem_size_0:
called_computation.2_lowered:
.L_overlay_start_0:
0x88: {  	s2 =	sld [smem:$0x3FD9]  }
0x89: {  	s3 =	sld [smem:$0x3FFE];
	_ =	sdelay $0x1  }
0x8a: {  	s1 =	srdreg.scid  }
0x8b: {  	s0 =	sand.u32 $0x1, s1  }
0x8c: {  	s17 =	sshll.u32 s0, $0xA;
	s2 =	sadd.s32 s3, s2  }
0x8d: {  	s2 =	sadd.s32 s2, s17  }
0x8e: {  	[smem:$0x3FC1] =	sst s2  }
0x8f: {  	_ = 	snop  }
0x90: {  	s2 =	sld [smem:$0x3FD0];
	(tm) =	ssettm $0x1  }
0x91: {  	s18 =	sld [smem:$0x3FFB];
	_ =	sdelay $0x3  }
0x92: {  	_ =	strace s18  }
0x93: {  	s3 =	sld [smem:$0x3FFC];
	_ =	sdelay $0x3  }
0x94: {  	_ =	strace s3  }
0x95: {  	s3 =	sld [smem:$0x3FFD];
	_ =	sdelay $0x3  }
0x96: {  	_ =	strace s3  }
0x97: {  	_ =	strace $0x8FFFFFFF  }
0x98: {  	s19 =	sld [smem:$0x3FDB];
	_ =	sdelay $0x1  }
0x99: {  	s4 =	simm.s32 $_scs_section_size  }
0x9a: {  	s5 =	simm.s32 $_size__tile_overlayer_lowered;
	s6 =	simm.s32 $_tile_overlayer_lowered  }
0x9b: {  	s22 =	simm.s32 $0x1BFF;
	s21 =	sshll.u32 s6, $0x1;
	s3 =	sadd.s32 s4, s19  }
0x9c: {  	s7 =	simm.s32 $0x0;
	s20 =	sshll.u32 s5, $0x1;
	s5 =	sadd.s32 s21, s3  }
0x9d: {  	[timem:s7], [sflag:s22] =	dma.local [hbm:s5], s20  }
0x9e: {  	_ =	swait.ge [sflag:s22], s20  }
0x9f: {  	s4 =	ssub.s32 $0x0, s20;
	[sflag:s22] =	ssyncset.done $0x0  }
0xa0: {  	[sflag:s22] =	ssyncadd.s32 s4;
	_ =	sdelay $0x1  }
0xa1: {  	s23 =	simm.s32 $0x1B8B  }
0xa2: {  	_ =	swait.ge [sflag:s23], $0x1  }
0xa3: {  	[sflag:s23] =	ssyncset.done $0x0  }
0xa4: {  	s25 =	simm.s32 $0x1B8E;
	s24 =	sld [smem:$0x3FFE];
	[sflag:s23] =	ssyncadd.s32 $0xFFFFFFFF  }
0xa5: {  	s26 =	simm.s32 $execute0_lowered;
	[smem:$0x3FD2] =	sst s25  }
0xa6: {  	s5 =	sshll.u32 s26, $0x1;
	_ =	strace $0x8000004C;
	[dreg:$0x1] =	wrdreg $0xFFFFFFFF  }
0xa7: {  	s28 =	simm.s32 $_size_execute0_lowered;
	s3 =	sadd.s32 s3, s5;
	[dreg:$0x0] =	wrdreg $0x0  }
0xa8: {  	s5 =	sshll.u32 s28, $0x1;
	[dreg:$0x2] =	wrdreg s3  }
0xa9: {  	[dreg:$0x3] =	wrdreg s5  }
0xaa: {  	[dreg:$0x4] =	wrdreg $0xC0  }
0xab: {  	_ =	task [dreg:s7], $0x5FFFF  }
0xac: {  	[dreg:$0x1] =	wrdreg $0xFFFFFFFF  }
0xad: {  	[dreg:$0x0] =	wrdreg $0x60  }
0xae: {  	[dreg:$0x2] =	wrdreg s24  }
0xaf: {  	[dreg:$0x3] =	wrdreg s2  }
0xb0: {  	[dreg:$0x4] =	wrdreg $0x9  }
0xb1: {  	_ =	task.clear_ibuf [dreg:s7], $0x5FFFF;
	_ =	strace $0x9000004C  }
0xb2: {  	s29 =	simm.s32 $0x9;
	_ =	strace $0x8000004E  }
0xb3: {  	_ =	swait.ge [sflag:s29], $0x1  }
0xb4: {  	[sflag:s29] =	ssyncadd.s32 $0xFFFFFFFF  }
0xb5: {  	_ =	strace $0x9000004E  }
0xb6: {  	_ =	sfence  }
0xb7: {  	s30 =	sld [smem:$0x0];
	_ =	sdelay $0x2  }
0xb8: {  	s31 =	sshll.u32 s1, $0xD;
	s1 =	sshrl.u32 s1, $0x2  }
0xb9: {  	s3 =	sand.u32 $0x4000, s31;
	s1 =	sadd.s32 s1, s30  }
0xba: {  	s0 =	sor.u32 s3, s0;
	s1 =	sshll.u32 s1, $0x11  }
0xbb: {  	s0 =	sor.u32 s1, s0  }
0xbc: {  	s0 =	sadd.s32 $0x8F2B, s0  }
0xbd: {  	[sflag:s0] =	ssyncadd.remote.s32 $0x1  }
0xbe: {  	_ =	sfence.sel $0xFFFF  }
0xbf: {  	[dreg:$0x0] =	wrdreg $0xFFFFFFFF;
	(pc) =	sbr.abs _section_cstart, $3  }
0xc0: {  	[dreg:$0x1] =	wrdreg $0xFFFFFFFF  }
0xc1: {  	_ =	task.clear_ibuf [dreg:s7], $0x2FFFF;
	_ =	strace $0x9FFFFFFF  }
0xc2: {  	(tm) =	ssettm $0x7FFFFFFF  }
0xc3: {  	_ =	shalt  }
tec
execute0_lowered:
.L_overlay_start_1:
0x0: {  	(tag) =	ssettag $0x1  }
0x1: {  	s0 =	rddreg [dreg:$0x0]  }
0x2: {  	s1 =	srdreg.scid;
	s2 =	stileid.u32  }
0x3: {  	s4 =	simm.s32 $0x0;
	s11 =	simm.s32 $0x3;
	s13 =	simm.s32 $0x200  }
0x4: {  	s22 =	simm.s32 $0x10A00;
	s23 =	simm.s32 $0x11200;
	s24 =	simm.s32 $0x11A00  }
0x5: {  	s28 =	simm.s32 $0x13200;
	s29 =	simm.s32 $0x13A00;
	s30 =	simm.s32 $0x14200  }
0x6: {  	s31 =	simm.s32 $0x14A00;
	s12 =	simm.s32 $0x16200;
	s7 =	simm.s32 $0x17200  }
0x7: {  	s10 =	simm.s32 $0x17A00;
	s14 =	simm.s32 $0x2;
	s15 =	simm.s32 $0x0  }
0x8: {  	s21 =	simm.s32 $0x0;
	s2 =	sshll.u32 s2, $0x9;
	[smem:$0x7FF] =	sst s4  }
0x9: {  	s1 =	sand.u32 $0x1, s1;
	s5 =	sadd.s32 $0x1E4400, s0;
	s8 =	sadd.s32 $0x1E4500, s0  }
0xa: {  	s9 =	sadd.s32 $0x1E4600, s0;
	s3 =	sshll.u32 s1, $0x8;
	s1 =	ssub.s32 $0x2, s1  }
0xb: {  	_ =	strace $0x8000004D;
	s4 =	sor.u32 s3, s2;
	s25 =	sshrl.u32 s1, $0x1  }
0xc: {  	s2 =	sshrl.u32 s4, $0x3;
	s1 =	ssub.s32 s1, s25;
	s25 =	simm.s32 $0x12200  }
0xd: {  	s2 =	sadd.s32 s2, s0;
	s26 =	smax.u32 s1, $0x1;
	s0 =	simm.s32 $0x15200  }
0xe: {  	v2 =	vlaneseq.u32;
	s1 =	simm.s32 $0x15A00;
	s6 =	sadd.s32 $0x3C00, s2;
	[dreg:$0x5] =	wrdreg s26  }
0xf: {  	vm0 =	vmmov $0xffff;
	v1 =	vshrl.u32 v2, $0x3;
	s2 =	sadd.s32 $0x4000, s2;
	s26 =	simm.s32 $0x12A00;
	[dreg:$0x3] =	wrdreg s6  }
0x10: {  	v0 =	vand.u32 $0x7, v2;
	v2 =	vor.u32 $0x8, v2;
	v1 =	vmul.u32 $0x8, v1;
	[dreg:$0x4] =	wrdreg s2;
	s6 =	simm.s32 $0x16A00;
	s2 =	simm.s32 $0x1  }
.LBB2_1:
0x11: {  	[dreg:$0x6] =	wrdreg s15  }
0x12: {  	s3 =	simm.s32 $0x0;
	s19 =	rddreg [dreg:$0x3]  }
0x13: {  	[tilespmem:s3], [sflag:$0x3] =	stream.linear.gather [hbm4b:s19+s3], $0x100, $0x38;
	[tilespmem:$0x18200] =	vst v63  }
0x14: {  	_ =	swait.ge [sflag:s11], $0x100  }
0x15: {  	[sflag:s11] =	ssyncset.done $0x0  }
0x16: {  	s16 =	simm.s32 $0x100;
	s20 =	rddreg [dreg:$0x4];
	[sflag:s11] =	ssyncadd.s32 $0xFFFFFF00  }
0x17: {  	[tilespmem:s16], [sflag:$0x3] =	stream.linear.gather [hbm4b:s20+s3], $0x100, $0x38;
	[tilespmem:$0x18200] =	vst v63  }
0x18: {  	_ =	swait.ge [sflag:s11], $0x100  }
0x19: {  	[sflag:s11] =	ssyncset.done $0x0  }
0x1a: {  	s3 =	simm.s32 $0x0;
	[sflag:s11] =	ssyncadd.s32 $0xFFFFFF00  }
.LBB2_2:
0x1b: {  	s15 =	sshll.u32 s3, $0x6  }
0x1c: {  	v3 =	vld [tilespmem:s15+$0x0];
	_ =	sdelay $0x4  }
0x1d: {  	v4 =	vshrl.u32 v3, $0x3  }
0x1e: {  	v4 =	vmul.u32 $0x30, v4  }
0x1f: {  	v3 =	vand.u32 $0x7, v3  }
0x20: {  	v3 =	vor.u32 v3, v4  }
0x21: {  	v4 =	vperm.xlane v3, v0;
	_ =	sdelay $0x1  }
0x22: {  	v4 =	vadd.s32 v1, v4;
	_ =	sdelay $0x3  }
0x23: {  	s16 =	simm.s32 $0x0;
	v3 =	vperm.xlane v3, v2  }
0x24: {  	[tilespmem:s13], [sflag:$0x1] =	stream.indirect_vreg.gather [hbm4b:s5+s16], $0x80, v4, vm0, $0xb8;
	[tilespmem:$0x18200] =	vst v63  }
0x25: {  	s17 =	simm.s32 $0xA00;
	v3 =	vadd.s32 v1, v3  }
0x26: {  	[tilespmem:s17], [sflag:$0x1] =	stream.indirect_vreg.gather [hbm4b:s8+s16], $0x80, v4, vm0, $0xb8;
	[tilespmem:$0x18200] =	vst v63  }
0x27: {  	s19 =	simm.s32 $0x1200  }
0x28: {  	[tilespmem:s19], [sflag:$0x1] =	stream.indirect_vreg.gather [hbm4b:s9+s16], $0x80, v4, vm0, $0xb8;
	[tilespmem:$0x18200] =	vst v63  }
0x29: {  	s20 =	simm.s32 $0x1A00  }
0x2a: {  	[tilespmem:s20], [sflag:$0x1] =	stream.indirect_vreg.gather [hbm4b:s5+s16], $0x80, v3, vm0, $0xb8;
	[tilespmem:$0x18200] =	vst v63  }
0x2b: {  	s18 =	simm.s32 $0x2200  }
0x2c: {  	[tilespmem:s18], [sflag:$0x1] =	stream.indirect_vreg.gather [hbm4b:s8+s16], $0x80, v3, vm0, $0xb8;
	[tilespmem:$0x18200] =	vst v63  }
0x2d: {  	s19 =	simm.s32 $0x2A00  }
0x2e: {  	[tilespmem:s19], [sflag:$0x1] =	stream.indirect_vreg.gather [hbm4b:s9+s16], $0x80, v3, vm0, $0xb8;
	[tilespmem:$0x18200] =	vst v63  }
0x2f: {  	v3 =	vld [tilespmem:s15+$0x10];
	_ =	sdelay $0x4  }
0x30: {  	v4 =	vshrl.u32 v3, $0x3  }
0x31: {  	v4 =	vmul.u32 $0x30, v4  }
0x32: {  	v3 =	vand.u32 $0x7, v3  }
0x33: {  	v3 =	vor.u32 v3, v4  }
0x34: {  	v4 =	vperm.xlane v3, v0;
	_ =	sdelay $0x1  }
0x35: {  	v4 =	vadd.s32 v1, v4;
	_ =	sdelay $0x3  }
0x36: {  	s20 =	simm.s32 $0x3200;
	v3 =	vperm.xlane v3, v2  }
0x37: {  	[tilespmem:s20], [sflag:$0x1] =	stream.indirect_vreg.gather [hbm4b:s5+s16], $0x80, v4, vm0, $0xb8;
	[tilespmem:$0x18200] =	vst v63  }
0x38: {  	s18 =	simm.s32 $0x3A00;
	v3 =	vadd.s32 v1, v3  }
0x39: {  	[tilespmem:s18], [sflag:$0x1] =	stream.indirect_vreg.gather [hbm4b:s8+s16], $0x80, v4, vm0, $0xb8;
	[tilespmem:$0x18200] =	vst v63  }
0x3a: {  	s19 =	simm.s32 $0x4200  }
0x3b: {  	[tilespmem:s19], [sflag:$0x1] =	stream.indirect_vreg.gather [hbm4b:s9+s16], $0x80, v4, vm0, $0xb8;
	[tilespmem:$0x18200] =	vst v63  }
0x3c: {  	s20 =	simm.s32 $0x4A00  }
0x3d: {  	[tilespmem:s20], [sflag:$0x1] =	stream.indirect_vreg.gather [hbm4b:s5+s16], $0x80, v3, vm0, $0xb8;
	[tilespmem:$0x18200] =	vst v63  }
0x3e: {  	s18 =	simm.s32 $0x5200  }
0x3f: {  	[tilespmem:s18], [sflag:$0x1] =	stream.indirect_vreg.gather [hbm4b:s8+s16], $0x80, v3, vm0, $0xb8;
	[tilespmem:$0x18200] =	vst v63  }
0x40: {  	s19 =	simm.s32 $0x5A00  }
0x41: {  	[tilespmem:s19], [sflag:$0x1] =	stream.indirect_vreg.gather [hbm4b:s9+s16], $0x80, v3, vm0, $0xb8;
	[tilespmem:$0x18200] =	vst v63  }
0x42: {  	v3 =	vld [tilespmem:s15+$0x20];
	_ =	sdelay $0x4  }
0x43: {  	v4 =	vshrl.u32 v3, $0x3  }
0x44: {  	v4 =	vmul.u32 $0x30, v4  }
0x45: {  	v3 =	vand.u32 $0x7, v3  }
0x46: {  	v3 =	vor.u32 v3, v4  }
0x47: {  	v4 =	vperm.xlane v3, v0;
	_ =	sdelay $0x1  }
0x48: {  	v4 =	vadd.s32 v1, v4;
	_ =	sdelay $0x3  }
0x49: {  	s20 =	simm.s32 $0x6200;
	v3 =	vperm.xlane v3, v2  }
0x4a: {  	[tilespmem:s20], [sflag:$0x1] =	stream.indirect_vreg.gather [hbm4b:s5+s16], $0x80, v4, vm0, $0xb8;
	[tilespmem:$0x18200] =	vst v63  }
0x4b: {  	s18 =	simm.s32 $0x6A00;
	v3 =	vadd.s32 v1, v3  }
0x4c: {  	[tilespmem:s18], [sflag:$0x1] =	stream.indirect_vreg.gather [hbm4b:s8+s16], $0x80, v4, vm0, $0xb8;
	[tilespmem:$0x18200] =	vst v63  }
0x4d: {  	s19 =	simm.s32 $0x7200  }
0x4e: {  	[tilespmem:s19], [sflag:$0x1] =	stream.indirect_vreg.gather [hbm4b:s9+s16], $0x80, v4, vm0, $0xb8;
	[tilespmem:$0x18200] =	vst v63  }
0x4f: {  	s20 =	simm.s32 $0x7A00  }
0x50: {  	[tilespmem:s20], [sflag:$0x1] =	stream.indirect_vreg.gather [hbm4b:s5+s16], $0x80, v3, vm0, $0xb8;
	[tilespmem:$0x18200] =	vst v63  }
0x51: {  	s18 =	simm.s32 $0x8200  }
0x52: {  	[tilespmem:s18], [sflag:$0x1] =	stream.indirect_vreg.gather [hbm4b:s8+s16], $0x80, v3, vm0, $0xb8;
	[tilespmem:$0x18200] =	vst v63  }
0x53: {  	s19 =	simm.s32 $0x8A00  }
0x54: {  	[tilespmem:s19], [sflag:$0x1] =	stream.indirect_vreg.gather [hbm4b:s9+s16], $0x80, v3, vm0, $0xb8;
	[tilespmem:$0x18200] =	vst v63  }
0x55: {  	v3 =	vld [tilespmem:s15+$0x30];
	_ =	sdelay $0x4  }
0x56: {  	v4 =	vshrl.u32 v3, $0x3  }
0x57: {  	v4 =	vmul.u32 $0x30, v4  }
0x58: {  	v3 =	vand.u32 $0x7, v3  }
0x59: {  	v3 =	vor.u32 v3, v4  }
0x5a: {  	v4 =	vperm.xlane v3, v0;
	_ =	sdelay $0x1  }
0x5b: {  	v4 =	vadd.s32 v1, v4;
	_ =	sdelay $0x3  }
0x5c: {  	s20 =	simm.s32 $0x9200;
	v3 =	vperm.xlane v3, v2  }
0x5d: {  	[tilespmem:s20], [sflag:$0x1] =	stream.indirect_vreg.gather [hbm4b:s5+s16], $0x80, v4, vm0, $0xb8;
	[tilespmem:$0x18200] =	vst v63  }
0x5e: {  	s18 =	simm.s32 $0x9A00;
	v3 =	vadd.s32 v1, v3  }
0x5f: {  	[tilespmem:s18], [sflag:$0x1] =	stream.indirect_vreg.gather [hbm4b:s8+s16], $0x80, v4, vm0, $0xb8;
	[tilespmem:$0x18200] =	vst v63  }
0x60: {  	s19 =	simm.s32 $0xA200  }
0x61: {  	[tilespmem:s19], [sflag:$0x1] =	stream.indirect_vreg.gather [hbm4b:s9+s16], $0x80, v4, vm0, $0xb8;
	[tilespmem:$0x18200] =	vst v63  }
0x62: {  	s20 =	simm.s32 $0xAA00  }
0x63: {  	[tilespmem:s20], [sflag:$0x1] =	stream.indirect_vreg.gather [hbm4b:s5+s16], $0x80, v3, vm0, $0xb8;
	[tilespmem:$0x18200] =	vst v63  }
0x64: {  	s18 =	simm.s32 $0xB200  }
0x65: {  	[tilespmem:s18], [sflag:$0x1] =	stream.indirect_vreg.gather [hbm4b:s8+s16], $0x80, v3, vm0, $0xb8;
	[tilespmem:$0x18200] =	vst v63  }
0x66: {  	s19 =	simm.s32 $0xBA00  }
0x67: {  	[tilespmem:s19], [sflag:$0x1] =	stream.indirect_vreg.gather [hbm4b:s9+s16], $0x80, v3, vm0, $0xb8;
	[tilespmem:$0x18200] =	vst v63  }
0x68: {  	v3 =	vld [tilespmem:s15+$0x100];
	_ =	sdelay $0x4  }
0x69: {  	v4 =	vshrl.u32 v3, $0x3  }
0x6a: {  	v4 =	vmul.u32 $0x30, v4  }
0x6b: {  	v3 =	vand.u32 $0x7, v3  }
0x6c: {  	v3 =	vor.u32 v3, v4  }
0x6d: {  	v4 =	vperm.xlane v3, v0;
	_ =	sdelay $0x1  }
0x6e: {  	v4 =	vadd.s32 v1, v4;
	_ =	sdelay $0x3  }
0x6f: {  	s20 =	simm.s32 $0xC200;
	v3 =	vperm.xlane v3, v2  }
0x70: {  	[tilespmem:s20], [sflag:$0x2] =	stream.indirect_vreg.gather [hbm4b:s5+s16], $0x80, v4, vm0, $0xb8;
	[tilespmem:$0x18200] =	vst v63  }
0x71: {  	s18 =	simm.s32 $0xCA00;
	v3 =	vadd.s32 v1, v3  }
0x72: {  	[tilespmem:s18], [sflag:$0x2] =	stream.indirect_vreg.gather [hbm4b:s8+s16], $0x80, v4, vm0, $0xb8;
	[tilespmem:$0x18200] =	vst v63  }
0x73: {  	s19 =	simm.s32 $0xD200  }
0x74: {  	[tilespmem:s19], [sflag:$0x2] =	stream.indirect_vreg.gather [hbm4b:s9+s16], $0x80, v4, vm0, $0xb8;
	[tilespmem:$0x18200] =	vst v63  }
0x75: {  	s20 =	simm.s32 $0xDA00  }
0x76: {  	[tilespmem:s20], [sflag:$0x2] =	stream.indirect_vreg.gather [hbm4b:s5+s16], $0x80, v3, vm0, $0xb8;
	[tilespmem:$0x18200] =	vst v63  }
0x77: {  	s18 =	simm.s32 $0xE200  }
0x78: {  	[tilespmem:s18], [sflag:$0x2] =	stream.indirect_vreg.gather [hbm4b:s8+s16], $0x80, v3, vm0, $0xb8;
	[tilespmem:$0x18200] =	vst v63  }
0x79: {  	s19 =	simm.s32 $0xEA00  }
0x7a: {  	[tilespmem:s19], [sflag:$0x2] =	stream.indirect_vreg.gather [hbm4b:s9+s16], $0x80, v3, vm0, $0xb8;
	[tilespmem:$0x18200] =	vst v63  }
0x7b: {  	v3 =	vld [tilespmem:s15+$0x110];
	_ =	sdelay $0x4  }
0x7c: {  	v4 =	vshrl.u32 v3, $0x3  }
0x7d: {  	v4 =	vmul.u32 $0x30, v4  }
0x7e: {  	v3 =	vand.u32 $0x7, v3  }
0x7f: {  	v3 =	vor.u32 v3, v4  }
0x80: {  	v4 =	vperm.xlane v3, v0;
	_ =	sdelay $0x1  }
0x81: {  	v4 =	vadd.s32 v1, v4;
	_ =	sdelay $0x3  }
0x82: {  	s20 =	simm.s32 $0xF200;
	v3 =	vperm.xlane v3, v2  }
0x83: {  	[tilespmem:s20], [sflag:$0x2] =	stream.indirect_vreg.gather [hbm4b:s5+s16], $0x80, v4, vm0, $0xb8;
	[tilespmem:$0x18200] =	vst v63  }
0x84: {  	s18 =	simm.s32 $0xFA00;
	v3 =	vadd.s32 v1, v3  }
0x85: {  	[tilespmem:s18], [sflag:$0x2] =	stream.indirect_vreg.gather [hbm4b:s8+s16], $0x80, v4, vm0, $0xb8;
	[tilespmem:$0x18200] =	vst v63  }
0x86: {  	s19 =	simm.s32 $0x10200  }
0x87: {  	[tilespmem:s19], [sflag:$0x2] =	stream.indirect_vreg.gather [hbm4b:s9+s16], $0x80, v4, vm0, $0xb8;
	[tilespmem:$0x18200] =	vst v63  }
0x88: {  	_ = 	snop  }
0x89: {  	[tilespmem:s22], [sflag:$0x2] =	stream.indirect_vreg.gather [hbm4b:s5+s16], $0x80, v3, vm0, $0xb8;
	[tilespmem:$0x18200] =	vst v63  }
0x8a: {  	_ = 	snop  }
0x8b: {  	[tilespmem:s23], [sflag:$0x2] =	stream.indirect_vreg.gather [hbm4b:s8+s16], $0x80, v3, vm0, $0xb8;
	[tilespmem:$0x18200] =	vst v63  }
0x8c: {  	_ = 	snop  }
0x8d: {  	[tilespmem:s24], [sflag:$0x2] =	stream.indirect_vreg.gather [hbm4b:s9+s16], $0x80, v3, vm0, $0xb8;
	[tilespmem:$0x18200] =	vst v63  }
0x8e: {  	v3 =	vld [tilespmem:s15+$0x120];
	_ =	sdelay $0x4  }
0x8f: {  	v4 =	vshrl.u32 v3, $0x3  }
0x90: {  	v4 =	vmul.u32 $0x30, v4  }
0x91: {  	v3 =	vand.u32 $0x7, v3  }
0x92: {  	v3 =	vor.u32 v3, v4  }
0x93: {  	v4 =	vperm.xlane v3, v0;
	_ =	sdelay $0x1  }
0x94: {  	v4 =	vadd.s32 v1, v4;
	_ =	sdelay $0x3  }
0x95: {  	v3 =	vperm.xlane v3, v2  }
0x96: {  	[tilespmem:s25], [sflag:$0x2] =	stream.indirect_vreg.gather [hbm4b:s5+s16], $0x80, v4, vm0, $0xb8;
	[tilespmem:$0x18200] =	vst v63  }
0x97: {  	v3 =	vadd.s32 v1, v3  }
0x98: {  	[tilespmem:s26], [sflag:$0x2] =	stream.indirect_vreg.gather [hbm4b:s8+s16], $0x80, v4, vm0, $0xb8;
	[tilespmem:$0x18200] =	vst v63  }
0x99: {  	_ = 	snop  }
0x9a: {  	[tilespmem:s28], [sflag:$0x2] =	stream.indirect_vreg.gather [hbm4b:s9+s16], $0x80, v4, vm0, $0xb8;
	[tilespmem:$0x18200] =	vst v63  }
0x9b: {  	_ = 	snop  }
0x9c: {  	[tilespmem:s29], [sflag:$0x2] =	stream.indirect_vreg.gather [hbm4b:s5+s16], $0x80, v3, vm0, $0xb8;
	[tilespmem:$0x18200] =	vst v63  }
0x9d: {  	_ = 	snop  }
0x9e: {  	[tilespmem:s30], [sflag:$0x2] =	stream.indirect_vreg.gather [hbm4b:s8+s16], $0x80, v3, vm0, $0xb8;
	[tilespmem:$0x18200] =	vst v63  }
0x9f: {  	_ = 	snop  }
0xa0: {  	[tilespmem:s31], [sflag:$0x2] =	stream.indirect_vreg.gather [hbm4b:s9+s16], $0x80, v3, vm0, $0xb8;
	[tilespmem:$0x18200] =	vst v63  }
0xa1: {  	v3 =	vld [tilespmem:s15+$0x130];
	_ =	sdelay $0x4  }
0xa2: {  	v4 =	vshrl.u32 v3, $0x3  }
0xa3: {  	v4 =	vmul.u32 $0x30, v4  }
0xa4: {  	v3 =	vand.u32 $0x7, v3  }
0xa5: {  	v3 =	vor.u32 v3, v4  }
0xa6: {  	v4 =	vperm.xlane v3, v0;
	_ =	sdelay $0x1  }
0xa7: {  	v4 =	vadd.s32 v1, v4;
	_ =	sdelay $0x3  }
0xa8: {  	v3 =	vperm.xlane v3, v2  }
0xa9: {  	[tilespmem:s0], [sflag:$0x2] =	stream.indirect_vreg.gather [hbm4b:s5+s16], $0x80, v4, vm0, $0xb8;
	[tilespmem:$0x18200] =	vst v63  }
0xaa: {  	v3 =	vadd.s32 v1, v3  }
0xab: {  	[tilespmem:s1], [sflag:$0x2] =	stream.indirect_vreg.gather [hbm4b:s8+s16], $0x80, v4, vm0, $0xb8;
	[tilespmem:$0x18200] =	vst v63  }
0xac: {  	_ = 	snop  }
0xad: {  	[tilespmem:s12], [sflag:$0x2] =	stream.indirect_vreg.gather [hbm4b:s9+s16], $0x80, v4, vm0, $0xb8;
	[tilespmem:$0x18200] =	vst v63  }
0xae: {  	_ = 	snop  }
0xaf: {  	[tilespmem:s6], [sflag:$0x2] =	stream.indirect_vreg.gather [hbm4b:s5+s16], $0x80, v3, vm0, $0xb8;
	[tilespmem:$0x18200] =	vst v63  }
0xb0: {  	_ = 	snop  }
0xb1: {  	[tilespmem:s7], [sflag:$0x2] =	stream.indirect_vreg.gather [hbm4b:s8+s16], $0x80, v3, vm0, $0xb8;
	[tilespmem:$0x18200] =	vst v63  }
0xb2: {  	_ = 	snop  }
0xb3: {  	[tilespmem:s10], [sflag:$0x2] =	stream.indirect_vreg.gather [hbm4b:s9+s16], $0x80, v3, vm0, $0xb8;
	[tilespmem:$0x18200] =	vst v63  }
0xb4: {  	_ =	swait.ge [sflag:s2], $0xC000  }
0xb5: {  	[sflag:s2] =	ssyncset.done $0x0  }
0xb6: {  	s20 =	simm.s32 $0x0;
	[sflag:s2] =	ssyncadd.s32 $0xFFFF4000  }
0xb7: {  	s17 =	smul.u32 $0x1800, s20;
	_ =	swait.ge [sflag:s14], $0xC000  }
0xb8: {  	s18 =	sand.u32 $0x380, s16;
	[sflag:s14] =	ssyncset.done $0x0  }
0xb9: {  	s17 =	sor.u32 s18, s17;
	[sflag:s14] =	ssyncadd.s32 $0xFFFF4000  }
0xba: {  	v12 =	vld [tilespmem:s17+$0xC200]  }
0xbb: {  	v13 =	vld [tilespmem:s17+$0xC210]  }
0xbc: {  	v14 =	vld [tilespmem:s17+$0xC220]  }
0xbd: {  	v15 =	vld [tilespmem:s17+$0xC230]  }
0xbe: {  	v16 =	vld [tilespmem:s17+$0xC240]  }
0xbf: {  	v17 =	vld [tilespmem:s17+$0xC250]  }
0xc0: {  	v18 =	vld [tilespmem:s17+$0xC260]  }
0xc1: {  	v19 =	vld [tilespmem:s17+$0xC270]  }
0xc2: {  	v20 =	vld [tilespmem:s17+$0xC600]  }
0xc3: {  	v21 =	vld [tilespmem:s17+$0xC610]  }
0xc4: {  	v22 =	vld [tilespmem:s17+$0xC620]  }
0xc5: {  	v23 =	vld [tilespmem:s17+$0xC630]  }
0xc6: {  	v24 =	vld [tilespmem:s17+$0xC640]  }
0xc7: {  	v25 =	vld [tilespmem:s17+$0xC650]  }
0xc8: {  	v26 =	vld [tilespmem:s17+$0xC660]  }
0xc9: {  	v27 =	vld [tilespmem:s17+$0xC670]  }
0xca: {  	v28 =	vld [tilespmem:s17+$0xCA00]  }
0xcb: {  	v29 =	vld [tilespmem:s17+$0xCA10]  }
0xcc: {  	v30 =	vld [tilespmem:s17+$0xCA20]  }
0xcd: {  	v31 =	vld [tilespmem:s17+$0xCA30]  }
0xce: {  	v32 =	vld [tilespmem:s17+$0xCA40]  }
0xcf: {  	v33 =	vld [tilespmem:s17+$0xCA50]  }
0xd0: {  	v34 =	vld [tilespmem:s17+$0xCA60]  }
0xd1: {  	v35 =	vld [tilespmem:s17+$0xCA70]  }
0xd2: {  	v36 =	vld [tilespmem:s17+$0xCE00]  }
0xd3: {  	v37 =	vld [tilespmem:s17+$0xCE10]  }
0xd4: {  	v38 =	vld [tilespmem:s17+$0xCE20]  }
0xd5: {  	v39 =	vld [tilespmem:s17+$0xCE30]  }
0xd6: {  	v40 =	vld [tilespmem:s17+$0xCE40]  }
0xd7: {  	v41 =	vld [tilespmem:s17+$0xCE50]  }
0xd8: {  	v42 =	vld [tilespmem:s17+$0xCE60]  }
0xd9: {  	v43 =	vld [tilespmem:s17+$0xCE70]  }
0xda: {  	v44 =	vld [tilespmem:s17+$0xD200]  }
0xdb: {  	v45 =	vld [tilespmem:s17+$0xD210]  }
0xdc: {  	v46 =	vld [tilespmem:s17+$0xD220]  }
0xdd: {  	v47 =	vld [tilespmem:s17+$0xD230]  }
0xde: {  	v48 =	vld [tilespmem:s17+$0xD240]  }
0xdf: {  	v49 =	vld [tilespmem:s17+$0xD250]  }
0xe0: {  	v50 =	vld [tilespmem:s17+$0xD260]  }
0xe1: {  	v11 =	vld [tilespmem:s17+$0xD270]  }
0xe2: {  	v10 =	vld [tilespmem:s17+$0xD600]  }
0xe3: {  	v9 =	vld [tilespmem:s17+$0xD610]  }
0xe4: {  	v8 =	vld [tilespmem:s17+$0xD620]  }
0xe5: {  	v7 =	vld [tilespmem:s17+$0xD630]  }
0xe6: {  	v6 =	vld [tilespmem:s17+$0xD640]  }
0xe7: {  	v51 =	vld [tilespmem:s17+$0x200]  }
0xe8: {  	v52 =	vld [tilespmem:s17+$0x210]  }
0xe9: {  	v53 =	vld [tilespmem:s17+$0x220]  }
0xea: {  	v54 =	vld [tilespmem:s17+$0x230]  }
0xeb: {  	v55 =	vld [tilespmem:s17+$0x240]  }
0xec: {  	v62 =	vld [tilespmem:s17+$0x250];
	v12 =	vadd.f32 v12, v51  }
0xed: {  	v63 =	vld [tilespmem:s17+$0x260];
	v13 =	vadd.f32 v13, v52  }
0xee: {  	[tilespmem:s17+$0x200] =	vst v12;
	v12 =	vadd.f32 v14, v53;
	v14 =	vld [tilespmem:s17+$0x270]  }
0xef: {  	[tilespmem:s17+$0x210] =	vst v13;
	v13 =	vadd.f32 v15, v54;
	v15 =	vld [tilespmem:s17+$0x600]  }
0xf0: {  	[tilespmem:s17+$0x220] =	vst v12;
	v12 =	vadd.f32 v16, v55;
	v16 =	vld [tilespmem:s17+$0x610]  }
0xf1: {  	[tilespmem:s17+$0x230] =	vst v13;
	v13 =	vadd.f32 v17, v62;
	v17 =	vld [tilespmem:s17+$0x620]  }
0xf2: {  	v5 =	vld [tilespmem:s17+$0xD650]  }
0xf3: {  	[tilespmem:s17+$0x240] =	vst v12;
	v12 =	vadd.f32 v18, v63;
	v18 =	vld [tilespmem:s17+$0x670]  }
0xf4: {  	[tilespmem:s17+$0x250] =	vst v13;
	v13 =	vadd.f32 v19, v14;
	v14 =	vld [tilespmem:s17+$0x630]  }
0xf5: {  	[tilespmem:s17+$0x260] =	vst v12;
	v12 =	vadd.f32 v20, v15;
	v15 =	vld [tilespmem:s17+$0x640]  }
0xf6: {  	[tilespmem:s17+$0x270] =	vst v13;
	v13 =	vadd.f32 v21, v16;
	v16 =	vadd.f32 v22, v17;
	v17 =	vld [tilespmem:s17+$0x660]  }
0xf7: {  	[tilespmem:s17+$0x600] =	vst v12;
	v12 =	vld [tilespmem:s17+$0x650]  }
0xf8: {  	[tilespmem:s17+$0x610] =	vst v13;
	v13 =	vld [tilespmem:s17+$0xA00];
	v18 =	vadd.f32 v27, v18  }
0xf9: {  	[tilespmem:s17+$0x620] =	vst v16;
	v16 =	vld [tilespmem:s17+$0xA10];
	v14 =	vadd.f32 v23, v14  }
0xfa: {  	v4 =	vld [tilespmem:s17+$0xD660];
	v15 =	vadd.f32 v24, v15;
	[tilespmem:s17+$0x670] =	vst v18  }
0xfb: {  	[tilespmem:s17+$0x630] =	vst v14;
	v14 =	vld [tilespmem:s17+$0xA20];
	v17 =	vadd.f32 v26, v17  }
0xfc: {  	v12 =	vadd.f32 v25, v12;
	[tilespmem:s17+$0x640] =	vst v15;
	v15 =	vld [tilespmem:s17+$0xA30]  }
0xfd: {  	v18 =	vld [tilespmem:s17+$0xA70];
	[tilespmem:s17+$0x660] =	vst v17;
	v13 =	vadd.f32 v28, v13  }
0xfe: {  	v16 =	vadd.f32 v29, v16;
	[tilespmem:s17+$0x650] =	vst v12;
	v12 =	vld [tilespmem:s17+$0xA40]  }
0xff: {  	v17 =	vld [tilespmem:s17+$0xA50];
	[tilespmem:s17+$0xA00] =	vst v13  }
0x100: {  	[tilespmem:s17+$0xA10] =	vst v16;
	v16 =	vld [tilespmem:s17+$0xA60];
	v13 =	vadd.f32 v30, v14  }
0x101: {  	v14 =	vld [tilespmem:s17+$0xE00];
	v15 =	vadd.f32 v31, v15  }
0x102: {  	[tilespmem:s17+$0xA20] =	vst v13;
	v13 =	vld [tilespmem:s17+$0xE10]  }
0x103: {  	v12 =	vadd.f32 v32, v12;
	[tilespmem:s17+$0xA30] =	vst v15;
	v15 =	vld [tilespmem:s17+$0xE20]  }
0x104: {  	v3 =	vld [tilespmem:s17+$0xD670];
	v17 =	vadd.f32 v33, v17  }
0x105: {  	v16 =	vadd.f32 v34, v16;
	[tilespmem:s17+$0xA40] =	vst v12;
	v12 =	vld [tilespmem:s17+$0xE30]  }
0x106: {  	[tilespmem:s17+$0xA50] =	vst v17;
	v17 =	vld [tilespmem:s17+$0xE40];
	v14 =	vadd.f32 v36, v14  }
0x107: {  	v18 =	vadd.f32 v35, v18;
	[tilespmem:s17+$0xA60] =	vst v16;
	v16 =	vld [tilespmem:s17+$0xE50]  }
0x108: {  	v13 =	vadd.f32 v37, v13;
	[tilespmem:s17+$0xE00] =	vst v14;
	v14 =	vadd.f32 v38, v15;
	v15 =	vld [tilespmem:s17+$0xE60]  }
0x109: {  	[tilespmem:s17+$0xA70] =	vst v18;
	v18 =	vld [tilespmem:s17+$0xE70]  }
0x10a: {  	[tilespmem:s17+$0xE10] =	vst v13;
	v13 =	vld [tilespmem:s17+$0x1200];
	v12 =	vadd.f32 v39, v12  }
0x10b: {  	v17 =	vadd.f32 v40, v17;
	[tilespmem:s17+$0xE20] =	vst v14;
	v14 =	vld [tilespmem:s17+$0x1210]  }
0x10c: {  	v16 =	vadd.f32 v41, v16;
	[tilespmem:s17+$0xE30] =	vst v12;
	v12 =	vld [tilespmem:s17+$0x1220]  }
0x10d: {  	[tilespmem:s17+$0xE40] =	vst v17;
	v17 =	vld [tilespmem:s17+$0x1230];
	v15 =	vadd.f32 v42, v15  }
0x10e: {  	v19 =	vld [tilespmem:s17+$0x1240];
	[tilespmem:s17+$0xE50] =	vst v16;
	v16 =	vadd.f32 v43, v18  }
0x10f: {  	v18 =	vld [tilespmem:s17+$0x1250];
	v13 =	vadd.f32 v44, v13;
	[tilespmem:s17+$0xE60] =	vst v15  }
0x110: {  	v20 =	vld [tilespmem:s17+$0x1260];
	[tilespmem:s17+$0xE70] =	vst v16;
	v14 =	vadd.f32 v45, v14  }
0x111: {  	v16 =	vld [tilespmem:s17+$0x1270];
	[tilespmem:s17+$0x1200] =	vst v13;
	v12 =	vadd.f32 v46, v12  }
0x112: {  	v15 =	vld [tilespmem:s17+$0x1600];
	v13 =	vadd.f32 v47, v17;
	[tilespmem:s17+$0x1210] =	vst v14  }
0x113: {  	v14 =	vld [tilespmem:s17+$0x1610];
	[tilespmem:s17+$0x1220] =	vst v12;
	v12 =	vadd.f32 v48, v19  }
0x114: {  	[tilespmem:s17+$0x1230] =	vst v13;
	v13 =	vld [tilespmem:s17+$0x1620];
	v18 =	vadd.f32 v49, v18  }
0x115: {  	s18 =	simm.s32 $0x1;
	v17 =	vadd.f32 v50, v20;
	[tilespmem:s17+$0x1240] =	vst v12;
	v12 =	vld [tilespmem:s17+$0x1630]  }
.LBB2_3:
0x116: {  	s19 =	sshrl.u32 s18, $0x3;
	p0 =	sne.s32 s18, $0x3F;
	[tilespmem:s17+$0x1250] =	vst v18;
	v11 =	vadd.f32 v11, v16;
	v16 =	vld [tilespmem:s17+$0x1640]  }
0x117: {  	s16 =	sadd.s32 $0x80, s16;
	s19 =	smul.u32 $0x1800, s19;
	[tilespmem:s17+$0x1260] =	vst v17;
	v10 =	vadd.f32 v10, v15;
	v15 =	vld [tilespmem:s17+$0x1650]  }
0x118: {  	s20 =	sand.u32 $0x380, s16;
	[tilespmem:s17+$0x1270] =	vst v11;
	v9 =	vadd.f32 v9, v14;
	v11 =	vld [tilespmem:s17+$0x1660]  }
0x119: {  	s19 =	sor.u32 s20, s19;
	[tilespmem:s17+$0x1600] =	vst v10;
	v8 =	vadd.f32 v8, v13;
	v10 =	vld [tilespmem:s17+$0x1670]  }
0x11a: {  	v39 =	vld [tilespmem:s19+$0xC200];
	[tilespmem:s17+$0x1610] =	vst v9;
	v7 =	vadd.f32 v7, v12  }
0x11b: {  	v40 =	vld [tilespmem:s19+$0xC210];
	[tilespmem:s17+$0x1620] =	vst v8;
	v6 =	vadd.f32 v6, v16  }
0x11c: {  	v41 =	vld [tilespmem:s19+$0xC220];
	[tilespmem:s17+$0x1630] =	vst v7;
	v5 =	vadd.f32 v5, v15  }
0x11d: {  	v42 =	vld [tilespmem:s19+$0xC230];
	[tilespmem:s17+$0x1640] =	vst v6;
	v4 =	vadd.f32 v4, v11  }
0x11e: {  	v43 =	vld [tilespmem:s19+$0xC240];
	[tilespmem:s17+$0x1650] =	vst v5;
	v3 =	vadd.f32 v3, v10  }
0x11f: {  	v44 =	vld [tilespmem:s19+$0xC250];
	[tilespmem:s17+$0x1660] =	vst v4  }
0x120: {  	v45 =	vld [tilespmem:s19+$0xC260];
	[tilespmem:s17+$0x1670] =	vst v3;
	s17 =	smov.u32 s19  }
0x121: {  	v46 =	vld [tilespmem:s17+$0xC270]  }
0x122: {  	v47 =	vld [tilespmem:s17+$0xC600]  }
0x123: {  	v48 =	vld [tilespmem:s17+$0xC610]  }
0x124: {  	v49 =	vld [tilespmem:s17+$0xC620]  }
0x125: {  	v50 =	vld [tilespmem:s17+$0xC630]  }
0x126: {  	v38 =	vld [tilespmem:s17+$0xC640]  }
0x127: {  	v37 =	vld [tilespmem:s17+$0xC650]  }
0x128: {  	v36 =	vld [tilespmem:s17+$0xC660]  }
0x129: {  	v35 =	vld [tilespmem:s17+$0xC670]  }
0x12a: {  	v34 =	vld [tilespmem:s17+$0xCA00]  }
0x12b: {  	v33 =	vld [tilespmem:s17+$0xCA10]  }
0x12c: {  	v32 =	vld [tilespmem:s17+$0xCA20]  }
0x12d: {  	v31 =	vld [tilespmem:s17+$0xCA30]  }
0x12e: {  	v30 =	vld [tilespmem:s17+$0xCA40]  }
0x12f: {  	v29 =	vld [tilespmem:s17+$0xCA50]  }
0x130: {  	v28 =	vld [tilespmem:s17+$0xCA60]  }
0x131: {  	v27 =	vld [tilespmem:s17+$0xCA70]  }
0x132: {  	v26 =	vld [tilespmem:s17+$0xCE00]  }
0x133: {  	v25 =	vld [tilespmem:s17+$0xCE10]  }
0x134: {  	v24 =	vld [tilespmem:s17+$0xCE20]  }
0x135: {  	v23 =	vld [tilespmem:s17+$0xCE30]  }
0x136: {  	v22 =	vld [tilespmem:s17+$0xCE40]  }
0x137: {  	v21 =	vld [tilespmem:s17+$0xCE50]  }
0x138: {  	v20 =	vld [tilespmem:s17+$0xCE60]  }
0x139: {  	v19 =	vld [tilespmem:s17+$0xCE70]  }
0x13a: {  	v18 =	vld [tilespmem:s17+$0xD200]  }
0x13b: {  	v17 =	vld [tilespmem:s17+$0xD210]  }
0x13c: {  	v16 =	vld [tilespmem:s17+$0xD220]  }
0x13d: {  	v15 =	vld [tilespmem:s17+$0xD230]  }
0x13e: {  	v14 =	vld [tilespmem:s17+$0xD240]  }
0x13f: {  	v13 =	vld [tilespmem:s17+$0xD250]  }
0x140: {  	v12 =	vld [tilespmem:s17+$0xD260]  }
0x141: {  	v11 =	vld [tilespmem:s17+$0xD270]  }
0x142: {  	v10 =	vld [tilespmem:s17+$0xD600]  }
0x143: {  	v9 =	vld [tilespmem:s17+$0xD610]  }
0x144: {  	v8 =	vld [tilespmem:s17+$0xD620]  }
0x145: {  	v7 =	vld [tilespmem:s17+$0xD630]  }
0x146: {  	v6 =	vld [tilespmem:s17+$0xD640]  }
0x147: {  	v5 =	vld [tilespmem:s17+$0xD650]  }
0x148: {  	v4 =	vld [tilespmem:s17+$0xD660]  }
0x149: {  	v3 =	vld [tilespmem:s17+$0xD670]  }
0x14a: {  	v51 =	vld [tilespmem:s17+$0x200]  }
0x14b: {  	v52 =	vld [tilespmem:s17+$0x210]  }
0x14c: {  	v53 =	vld [tilespmem:s17+$0x220]  }
0x14d: {  	v54 =	vld [tilespmem:s17+$0x230]  }
0x14e: {  	v55 =	vld [tilespmem:s17+$0x240]  }
0x14f: {  	v39 =	vadd.f32 v39, v51;
	v51 =	vld [tilespmem:s17+$0x250]  }
0x150: {  	v40 =	vadd.f32 v40, v52;
	v52 =	vld [tilespmem:s17+$0x260]  }
0x151: {  	[tilespmem:s17+$0x200] =	vst v39;
	v39 =	vadd.f32 v41, v53;
	v41 =	vld [tilespmem:s17+$0x270]  }
0x152: {  	[tilespmem:s17+$0x210] =	vst v40;
	v40 =	vadd.f32 v42, v54;
	v42 =	vld [tilespmem:s17+$0x600]  }
0x153: {  	[tilespmem:s17+$0x220] =	vst v39;
	v39 =	vadd.f32 v43, v55;
	v43 =	vld [tilespmem:s17+$0x610]  }
0x154: {  	[tilespmem:s17+$0x230] =	vst v40;
	v40 =	vadd.f32 v44, v51;
	v44 =	vld [tilespmem:s17+$0x620]  }
0x155: {  	[tilespmem:s17+$0x240] =	vst v39;
	v39 =	vadd.f32 v45, v52;
	v45 =	vld [tilespmem:s17+$0x630]  }
0x156: {  	[tilespmem:s17+$0x250] =	vst v40;
	v40 =	vadd.f32 v46, v41;
	v41 =	vld [tilespmem:s17+$0x640]  }
0x157: {  	[tilespmem:s17+$0x260] =	vst v39;
	v39 =	vadd.f32 v47, v42;
	v42 =	vld [tilespmem:s17+$0x650]  }
0x158: {  	[tilespmem:s17+$0x270] =	vst v40;
	v40 =	vadd.f32 v48, v43;
	v43 =	vld [tilespmem:s17+$0x660]  }
0x159: {  	[tilespmem:s17+$0x600] =	vst v39;
	v39 =	vadd.f32 v49, v44;
	v44 =	vld [tilespmem:s17+$0x670]  }
0x15a: {  	[tilespmem:s17+$0x610] =	vst v40;
	v40 =	vadd.f32 v50, v45;
	v45 =	vld [tilespmem:s17+$0xA00]  }
0x15b: {  	[tilespmem:s17+$0x620] =	vst v39;
	v38 =	vadd.f32 v38, v41;
	v39 =	vld [tilespmem:s17+$0xA10]  }
0x15c: {  	[tilespmem:s17+$0x630] =	vst v40;
	v37 =	vadd.f32 v37, v42;
	v40 =	vld [tilespmem:s17+$0xA20]  }
0x15d: {  	[tilespmem:s17+$0x640] =	vst v38;
	v36 =	vadd.f32 v36, v43;
	v38 =	vld [tilespmem:s17+$0xA30]  }
0x15e: {  	[tilespmem:s17+$0x650] =	vst v37;
	v35 =	vadd.f32 v35, v44;
	v37 =	vld [tilespmem:s17+$0xA40]  }
0x15f: {  	[tilespmem:s17+$0x660] =	vst v36;
	v34 =	vadd.f32 v34, v45;
	v36 =	vld [tilespmem:s17+$0xA50]  }
0x160: {  	[tilespmem:s17+$0x670] =	vst v35;
	v33 =	vadd.f32 v33, v39;
	v35 =	vld [tilespmem:s17+$0xA60]  }
0x161: {  	[tilespmem:s17+$0xA00] =	vst v34;
	v32 =	vadd.f32 v32, v40;
	v34 =	vld [tilespmem:s17+$0xA70]  }
0x162: {  	[tilespmem:s17+$0xA10] =	vst v33;
	v31 =	vadd.f32 v31, v38;
	v33 =	vld [tilespmem:s17+$0xE00]  }
0x163: {  	[tilespmem:s17+$0xA20] =	vst v32;
	v30 =	vadd.f32 v30, v37;
	v32 =	vld [tilespmem:s17+$0xE10]  }
0x164: {  	[tilespmem:s17+$0xA30] =	vst v31;
	v29 =	vadd.f32 v29, v36;
	v31 =	vld [tilespmem:s17+$0xE20]  }
0x165: {  	[tilespmem:s17+$0xA40] =	vst v30;
	v28 =	vadd.f32 v28, v35;
	v30 =	vld [tilespmem:s17+$0xE30]  }
0x166: {  	[tilespmem:s17+$0xA50] =	vst v29;
	v27 =	vadd.f32 v27, v34;
	v29 =	vld [tilespmem:s17+$0xE40]  }
0x167: {  	[tilespmem:s17+$0xA60] =	vst v28;
	v26 =	vadd.f32 v26, v33;
	v28 =	vld [tilespmem:s17+$0xE50]  }
0x168: {  	[tilespmem:s17+$0xA70] =	vst v27;
	v25 =	vadd.f32 v25, v32;
	v27 =	vld [tilespmem:s17+$0xE60]  }
0x169: {  	[tilespmem:s17+$0xE00] =	vst v26;
	v24 =	vadd.f32 v24, v31;
	v26 =	vld [tilespmem:s17+$0xE70]  }
0x16a: {  	[tilespmem:s17+$0xE10] =	vst v25;
	v23 =	vadd.f32 v23, v30;
	v25 =	vld [tilespmem:s17+$0x1200]  }
0x16b: {  	[tilespmem:s17+$0xE20] =	vst v24;
	v22 =	vadd.f32 v22, v29;
	v24 =	vld [tilespmem:s17+$0x1210]  }
0x16c: {  	[tilespmem:s17+$0xE30] =	vst v23;
	v21 =	vadd.f32 v21, v28;
	v23 =	vld [tilespmem:s17+$0x1220]  }
0x16d: {  	[tilespmem:s17+$0xE40] =	vst v22;
	v20 =	vadd.f32 v20, v27;
	v22 =	vld [tilespmem:s17+$0x1230]  }
0x16e: {  	[tilespmem:s17+$0xE50] =	vst v21;
	v19 =	vadd.f32 v19, v26;
	v21 =	vld [tilespmem:s17+$0x1240]  }
0x16f: {  	[tilespmem:s17+$0xE60] =	vst v20;
	v18 =	vadd.f32 v18, v25;
	v20 =	vld [tilespmem:s17+$0x1250]  }
0x170: {  	[tilespmem:s17+$0xE70] =	vst v19;
	v17 =	vadd.f32 v17, v24;
	v19 =	vld [tilespmem:s17+$0x1260]  }
.Ltmp0:
0x171: {  	[tilespmem:s17+$0x1200] =	vst v18;
	v18 =	vadd.f32 v16, v23;
	v16 =	vld [tilespmem:s17+$0x1270];
	(pc) =	sbr.rel @p0 .LBB2_3-.Ltmp0, $4  }
0x172: {  	[tilespmem:s17+$0x1210] =	vst v17;
	v17 =	vadd.f32 v15, v22;
	v15 =	vld [tilespmem:s17+$0x1600]  }
0x173: {  	[tilespmem:s17+$0x1220] =	vst v18;
	v21 =	vadd.f32 v14, v21;
	v14 =	vld [tilespmem:s17+$0x1610]  }
0x174: {  	[tilespmem:s17+$0x1230] =	vst v17;
	v18 =	vadd.f32 v13, v20;
	v13 =	vld [tilespmem:s17+$0x1620]  }
0x175: {  	s18 =	sadd.s32 $0x1, s18;
	[tilespmem:s17+$0x1240] =	vst v21;
	v17 =	vadd.f32 v12, v19;
	v12 =	vld [tilespmem:s17+$0x1630]  }
0x176: {  	[tilespmem:s17+$0x1250] =	vst v18;
	v60 =	vld [tilespmem:s17+$0x1640];
	v11 =	vadd.f32 v11, v16  }
0x177: {  	v61 =	vld [tilespmem:s17+$0x1650];
	[tilespmem:s17+$0x1260] =	vst v17;
	v10 =	vadd.f32 v10, v15  }
0x178: {  	v62 =	vld [tilespmem:s17+$0x1660];
	[tilespmem:s17+$0x1270] =	vst v11;
	v9 =	vadd.f32 v9, v14  }
0x179: {  	v63 =	vld [tilespmem:s17+$0x1670];
	[tilespmem:s17+$0x1600] =	vst v10;
	v8 =	vadd.f32 v8, v13  }
0x17a: {  	[tilespmem:s17+$0x1610] =	vst v9;
	v7 =	vadd.f32 v7, v12  }
0x17b: {  	[tilespmem:s17+$0x1620] =	vst v8;
	v6 =	vadd.f32 v6, v60  }
0x17c: {  	s15 =	sor.u32 s4, s15;
	v5 =	vadd.f32 v5, v61;
	[tilespmem:s17+$0x1630] =	vst v7  }
0x17d: {  	s15 =	sshrl.u32 s15, $0x3;
	v4 =	vadd.f32 v4, v62;
	[tilespmem:s17+$0x1640] =	vst v6  }
0x17e: {  	s3 =	sadd.s32 $0x1, s3;
	s15 =	smul.u32 $0x300, s15;
	v3 =	vadd.f32 v3, v63;
	[tilespmem:s17+$0x1650] =	vst v5  }
0x17f: {  	s16 =	rddreg [dreg:$0x1];
	p0 =	sne.s32 s3, $0x4;
	[tilespmem:s17+$0x1660] =	vst v4  }
.Ltmp1:
0x180: {  	s15 =	sadd.s32 s16, s15;
	[tilespmem:s17+$0x1670] =	vst v3;
	(pc) =	sbr.rel @p0 .LBB2_2-.Ltmp1, $4  }
0x181: {  	[hbm4b:s15+s21] =	stream.linear.scatter [tilespmem:s13], [sflag:$0x3], $0xC000, $0x38;
	[tilespmem:$0x18200] =	vst v63  }
0x182: {  	_ =	swait.ge [sflag:s11], $0xC000  }
0x183: {  	[sflag:s11] =	ssyncset.done $0x0  }
0x184: {  	[sflag:s11] =	ssyncadd.s32 $0xFFFF4000  }
0x185: {  	s15 =	rddreg [dreg:$0x6]  }
0x186: {  	s3 =	rddreg [dreg:$0x5];
	s15 =	sadd.s32 $0x1, s15  }
0x187: {  	p0 =	sne.s32 s15, s3  }
.Ltmp2:
0x188: {  	_ = 	snop;
	(pc) =	sbr.rel @p0 .LBB2_1-.Ltmp2, $1  }
0x189: {  	_ =	sdelay $0x3  }
0x18a: {  	_ =	sfence.sel $0x180000  }
0x18b: {  	[bflag:$0x0] =	sbarrier.arrive $0xFFFF  }
0x18c: {  	_ =	strace $0x9000004D  }
0x18d: {  	s0 =	stileid.u32;
	[bflag:$0x2] =	sbarrier.arrive $0xFFFF  }
0x18e: {  	p0 =	sne.s32 s0, $0x0;
	s0 =	rddreg [dreg:$0x2]  }
0x18f: {  	s0 =	sadd.s32 @!p0 $0x100000, s0  }
0x190: {  	[sflag:s0] =	ssyncadd.tile.s32 @!p0 $0x1;
	_ =	shalt  }
.Lfunc_end2:
_tile_overlayer_lowered:
.L_overlay_start_2:
0x191: {  	(tag) =	ssettag $0x2  }
0x192: {  	s0 =	rddreg [dreg:$0x0];
	s2 =	stileid.u32  }
0x193: {  	s1 =	rddreg [dreg:$0x1];
	p0 =	sne.s32 s2, $0x0  }
0x194: {  	s3 =	rddreg [dreg:$0x2];
	[bflag:$0x3] =	sbarrier.arrive $0xFFFF;
	s2 =	simm.s32 @!p0 $0x1C03  }
0x195: {  	[timem:s3], [sflag:s2] =	dma.local @!p0 [hbm:s0], s1  }
0x196: {  	s0 =	simm.s32 @!p0 $0x3  }
0x197: {  	_ =	swait.ge @!p0 [sflag:s0], s1  }
0x198: {  	s1 =	ssub.s32 @!p0 $0x0, s1;
	[sflag:s0] =	ssyncset.done @!p0 $0x0  }
0x199: {  	[sflag:s0] =	ssyncadd.s32 @!p0 s1  }
0x19a: {  	[bflag:$0x3] =	sbarrier.arrive $0xFFFF  }
0x19b: {  	_ =	shalt  }

// kernel: kernel.7.cloned.1.call-start
scs
__scs_entry_jumppad:
0x0: {  	(pc) =	sbr.rel $0x88, $3  }
0x1: {  	(tag) =	ssettag $0x0;
	lr =	simm.s32 $0x1  }
0x2: {  	[smem:$0x3F9A] =	sst lr;
	_ =	strace $0xD0000000  }
0x3: {  	_ = 	snop  }
0x4: {  	_ = 	snop  }
0x5: {  	_ = 	snop  }
0x6: {  	_ = 	snop  }
0x7: {  	_ = 	snop  }
__scs_overlays_trampoline_lowered:
0x8: {  	[smem:$0x3FA9] =	sst s0  }
0x9: {  	[smem:$0x3FAA] =	sst s1  }
0xa: {  	[smem:$0x3FAB] =	sst s2  }
0xb: {  	[smem:$0x3FAC] =	sst s3  }
0xc: {  	[smem:$0x3FAD] =	sst s4  }
0xd: {  	[smem:$0x3FAE] =	sst s5  }
0xe: {  	[smem:$0x3FAF] =	sst s6  }
0xf: {  	[smem:$0x3FB0] =	sst s7  }
0x10: {  	[smem:$0x3FB1] =	sst s8  }
0x11: {  	[smem:$0x3FB2] =	sst s9;
	s0 =	simm.s32 @!p0 $0x0  }
0x12: {  	s1 =	sld [smem:$0x3F98];
	s0 =	simm.s32 @p0 $0x1  }
0x13: {  	[smem:$0x3FB3] =	sst s0;
	s0 =	simm.s32 @!p1 $0x0  }
0x14: {  	s2 =	sld [smem:$0x3F97];
	s0 =	simm.s32 @p1 $0x1  }
0x15: {  	[smem:$0x3FB4] =	sst s0;
	s0 =	simm.s32 @!p2 $0x0  }
0x16: {  	s3 =	sld [smem:$0x3FDB];
	s0 =	simm.s32 @p2 $0x1  }
0x17: {  	s4 =	simm.s32 $0x1BF5;
	[smem:$0x3FB6] =	sst s0  }
0x18: {  	s0 =	sld [smem:$0x3F99];
	_ =	swait.ge [sflag:s4], $0x0  }
0x19: {  	s7 =	sld [smem:$0x3F9A]  }
0x1a: {  	s8 =	sadd.s32 $0xFFFFE003, lr  }
0x1b: {  	s9 =	sadd.s32 $0xFFFFFEF7, lr;
	s5 =	simm.s32 $0xFFFFFFFF;
	p2 =	slt.u32 s8, $0xFFFFF086  }
0x1c: {  	p1 =	slt.u32 s9, $0xF7A;
	s5 =	simm.s32 @!p2 $0x0  }
0x1d: {  	s5 =	simm.s32 @p1 $0x1;
	p0 =	seq.s32 s7, s2  }
0x1e: {  	s7 =	smul.u32 @!p0 $0xF7A, s2;
	p2 =	seq.s32 @!p0 s5, $0x0  }
0x1f: {  	s9 =	smul.u32 $0xF7A, s1;
	s8 =	simm.s32 @!p0 $0x1BF5;
	p2 =	por !p2, p0  }
0x20: {  	[sflag:s8] =	ssyncset.s32 @!p0 $0xFFFFF086;
	s6 =	sadd.s32 @!p0 s3, s7;
	s7 =	simm.s32 @!p0 $0x108  }
0x21: {  	s3 =	sadd.s32 s3, s9;
	s6 =	sadd.s32 @!p0 $0x88, s6;
	s7 =	simm.s32 @p2 $0x1082  }
0x22: {  	[simem:s7], [sflag:s8] =	dma.local @!p0 [hbm:s6], $0xF7A  }
0x23: {  	s9 =	sor.u32 $0xD0000000, s2;
	s6 =	simm.s32 $0x108;
	_ =	swait.ge @!p0 [sflag:s8], $0x0  }
0x24: {  	s3 =	sadd.s32 $0x88, s3;
	s6 =	simm.s32 @!p1 $0x1082;
	[sflag:s4] =	ssyncset.s32 $0xFFFFF086  }
0x25: {  	[simem:s6], [sflag:s4] =	dma.local [hbm:s3], $0xF7A  }
0x26: {  	[smem:$0x3F9A] =	sst s1;
	(tag) =	ssettag s2;
	_ =	strace s9  }
0x27: {  	s1 =	sld [smem:$0x3FAA]  }
0x28: {  	s2 =	sld [smem:$0x3FAB]  }
0x29: {  	s4 =	sld [smem:$0x3FAD]  }
0x2a: {  	p0 =	seq.s32 s5, $0x0;
	s5 =	sld [smem:$0x3FAE]  }
0x2b: {  	s6 =	sld [smem:$0x3FAF]  }
0x2c: {  	s7 =	sld [smem:$0x3FB0]  }
0x2d: {  	s3 =	simm.s32 $0x108;
	s8 =	sld [smem:$0x3FB1]  }
0x2e: {  	s3 =	simm.s32 @!p0 $0x1082;
	s9 =	sld [smem:$0x3FB2]  }
0x2f: {  	lr =	sadd.s32 s0, s3;
	s0 =	sld [smem:$0x3FA9]  }
0x30: {  	s3 =	sld [smem:$0x3FAC]  }
0x31: {  	[smem:$0x3FB5] =	sst s10  }
0x32: {  	s10 =	sld [smem:$0x3FB3];
	_ =	sdelay $0x3  }
0x33: {  	p0 =	seq.s32 s10, $0x1;
	s10 =	sld [smem:$0x3FB5];
	_ =	sdelay $0x3  }
0x34: {  	[smem:$0x3FB5] =	sst s10  }
0x35: {  	s10 =	sld [smem:$0x3FB4];
	_ =	sdelay $0x3  }
0x36: {  	p1 =	seq.s32 s10, $0x1;
	s10 =	sld [smem:$0x3FB5];
	_ =	sdelay $0x3  }
0x37: {  	[smem:$0x3FB5] =	sst s10  }
0x38: {  	s10 =	sld [smem:$0x3FB6]  }
0x39: {  	_ = 	snop;
	(pc) =	sbr.ind lr, $3  }
0x3a: {  	_ = 	snop  }
0x3b: {  	_ = 	snop  }
0x3c: {  	p2 =	seq.s32 s10, $0x1;
	s10 =	sld [smem:$0x3FB5]  }
0x3d: {  	_ =	shalt  }
0x3e: {  	_ =	shalt  }
0x3f: {  	_ =	shalt  }
0x40: {  	_ =	shalt  }
0x41: {  	_ =	shalt  }
0x42: {  	_ =	shalt  }
0x43: {  	_ =	shalt  }
0x44: {  	_ =	shalt  }
0x45: {  	_ =	shalt  }
0x46: {  	_ =	shalt  }
0x47: {  	_ =	shalt  }
0x48: {  	_ =	shalt  }
0x49: {  	_ =	shalt  }
0x4a: {  	_ =	shalt  }
0x4b: {  	_ =	shalt  }
0x4c: {  	_ =	shalt  }
0x4d: {  	_ =	shalt  }
0x4e: {  	_ =	shalt  }
0x4f: {  	_ =	shalt  }
0x50: {  	_ =	shalt  }
0x51: {  	_ =	shalt  }
0x52: {  	_ =	shalt  }
0x53: {  	_ =	shalt  }
0x54: {  	_ =	shalt  }
0x55: {  	_ =	shalt  }
0x56: {  	_ =	shalt  }
0x57: {  	_ =	shalt  }
0x58: {  	_ =	shalt  }
0x59: {  	_ =	shalt  }
0x5a: {  	_ =	shalt  }
0x5b: {  	_ =	shalt  }
0x5c: {  	_ =	shalt  }
0x5d: {  	_ =	shalt  }
0x5e: {  	_ =	shalt  }
0x5f: {  	_ =	shalt  }
0x60: {  	_ =	shalt  }
0x61: {  	_ =	shalt  }
0x62: {  	_ =	shalt  }
0x63: {  	_ =	shalt  }
0x64: {  	_ =	shalt  }
0x65: {  	_ =	shalt  }
0x66: {  	_ =	shalt  }
0x67: {  	_ =	shalt  }
0x68: {  	_ =	shalt  }
0x69: {  	_ =	shalt  }
0x6a: {  	_ =	shalt  }
0x6b: {  	_ =	shalt  }
0x6c: {  	_ =	shalt  }
0x6d: {  	_ =	shalt  }
0x6e: {  	_ =	shalt  }
0x6f: {  	_ =	shalt  }
0x70: {  	_ =	shalt  }
0x71: {  	_ =	shalt  }
0x72: {  	_ =	shalt  }
0x73: {  	_ =	shalt  }
0x74: {  	_ =	shalt  }
0x75: {  	_ =	shalt  }
0x76: {  	_ =	shalt  }
0x77: {  	_ =	shalt  }
0x78: {  	_ =	shalt  }
0x79: {  	_ =	shalt  }
0x7a: {  	_ =	shalt  }
0x7b: {  	_ =	shalt  }
0x7c: {  	_ =	shalt  }
0x7d: {  	_ =	shalt  }
0x7e: {  	_ =	shalt  }
0x7f: {  	_ =	shalt  }
0x80: {  	_ =	shalt  }
0x81: {  	_ =	shalt  }
0x82: {  	_ =	shalt  }
0x83: {  	_ =	shalt  }
0x84: {  	_ =	shalt  }
0x85: {  	_ =	shalt  }
0x86: {  	_ =	shalt  }
0x87: {  	_ =	shalt  }
.Lfunc_end0:
.L_simem_size_0:
called_computation_lowered:
.L_overlay_start_0:
0x88: {  	s2 =	sld [smem:$0x3FD9]  }
0x89: {  	s3 =	sld [smem:$0x3FFE];
	_ =	sdelay $0x1  }
0x8a: {  	s1 =	srdreg.scid  }
0x8b: {  	s0 =	sand.u32 $0x1, s1  }
0x8c: {  	s17 =	sshll.u32 s0, $0xA;
	s2 =	sadd.s32 s3, s2  }
0x8d: {  	s2 =	sadd.s32 s2, s17  }
0x8e: {  	[smem:$0x3FC1] =	sst s2  }
0x8f: {  	_ = 	snop  }
0x90: {  	s2 =	sld [smem:$0x3FD0];
	(tm) =	ssettm $0x1  }
0x91: {  	s18 =	sld [smem:$0x3FFB];
	_ =	sdelay $0x3  }
0x92: {  	_ =	strace s18  }
0x93: {  	s3 =	sld [smem:$0x3FFC];
	_ =	sdelay $0x3  }
0x94: {  	_ =	strace s3  }
0x95: {  	s3 =	sld [smem:$0x3FFD];
	_ =	sdelay $0x3  }
0x96: {  	_ =	strace s3  }
0x97: {  	_ =	strace $0x8FFFFFFF  }
0x98: {  	s19 =	sld [smem:$0x3FDB];
	_ =	sdelay $0x1  }
0x99: {  	s4 =	simm.s32 $_scs_section_size  }
0x9a: {  	s5 =	simm.s32 $_size__tile_overlayer_lowered;
	s6 =	simm.s32 $_tile_overlayer_lowered  }
0x9b: {  	s22 =	simm.s32 $0x1BFF;
	s21 =	sshll.u32 s6, $0x1;
	s3 =	sadd.s32 s4, s19  }
0x9c: {  	s7 =	simm.s32 $0x0;
	s20 =	sshll.u32 s5, $0x1;
	s5 =	sadd.s32 s21, s3  }
0x9d: {  	[timem:s7], [sflag:s22] =	dma.local [hbm:s5], s20  }
0x9e: {  	_ =	swait.ge [sflag:s22], s20  }
0x9f: {  	s4 =	ssub.s32 $0x0, s20;
	[sflag:s22] =	ssyncset.done $0x0  }
0xa0: {  	[sflag:s22] =	ssyncadd.s32 s4;
	_ =	sdelay $0x1  }
0xa1: {  	s23 =	simm.s32 $0x1B8B  }
0xa2: {  	_ =	swait.ge [sflag:s23], $0x1  }
0xa3: {  	[sflag:s23] =	ssyncset.done $0x0  }
0xa4: {  	s25 =	simm.s32 $0x1B8E;
	s24 =	sld [smem:$0x3FFE];
	[sflag:s23] =	ssyncadd.s32 $0xFFFFFFFF  }
0xa5: {  	s26 =	simm.s32 $execute0_lowered;
	[smem:$0x3FD2] =	sst s25  }
0xa6: {  	s5 =	sshll.u32 s26, $0x1;
	_ =	strace $0x80000046;
	[dreg:$0x1] =	wrdreg $0xFFFFFFFF  }
0xa7: {  	s28 =	simm.s32 $_size_execute0_lowered;
	s3 =	sadd.s32 s3, s5;
	[dreg:$0x0] =	wrdreg $0x0  }
0xa8: {  	s5 =	sshll.u32 s28, $0x1;
	[dreg:$0x2] =	wrdreg s3  }
0xa9: {  	[dreg:$0x3] =	wrdreg s5  }
0xaa: {  	[dreg:$0x4] =	wrdreg $0xC0  }
0xab: {  	_ =	task [dreg:s7], $0x5FFFF  }
0xac: {  	[dreg:$0x1] =	wrdreg $0xFFFFFFFF  }
0xad: {  	[dreg:$0x0] =	wrdreg $0x60  }
0xae: {  	[dreg:$0x2] =	wrdreg s24  }
0xaf: {  	[dreg:$0x3] =	wrdreg s2  }
0xb0: {  	[dreg:$0x4] =	wrdreg $0x9  }
0xb1: {  	_ =	task.clear_ibuf [dreg:s7], $0x5FFFF;
	_ =	strace $0x90000046  }
0xb2: {  	s29 =	simm.s32 $0x9;
	_ =	strace $0x80000048  }
0xb3: {  	_ =	swait.ge [sflag:s29], $0x1  }
0xb4: {  	[sflag:s29] =	ssyncadd.s32 $0xFFFFFFFF  }
0xb5: {  	_ =	strace $0x90000048  }
0xb6: {  	_ =	sfence  }
0xb7: {  	s30 =	sld [smem:$0x0];
	_ =	sdelay $0x2  }
0xb8: {  	s31 =	sshll.u32 s1, $0xD;
	s1 =	sshrl.u32 s1, $0x2  }
0xb9: {  	s3 =	sand.u32 $0x4000, s31;
	s1 =	sadd.s32 s1, s30  }
0xba: {  	s0 =	sor.u32 s3, s0;
	s1 =	sshll.u32 s1, $0x11  }
0xbb: {  	s0 =	sor.u32 s1, s0  }
0xbc: {  	s0 =	sadd.s32 $0x8F2B, s0  }
0xbd: {  	[sflag:s0] =	ssyncadd.remote.s32 $0x1  }
0xbe: {  	_ =	sfence.sel $0xFFFF  }
0xbf: {  	[dreg:$0x0] =	wrdreg $0xFFFFFFFF;
	(pc) =	sbr.abs _section_cstart, $3  }
0xc0: {  	[dreg:$0x1] =	wrdreg $0xFFFFFFFF  }
0xc1: {  	_ =	task.clear_ibuf [dreg:s7], $0x2FFFF;
	_ =	strace $0x9FFFFFFF  }
0xc2: {  	(tm) =	ssettm $0x7FFFFFFF  }
0xc3: {  	_ =	shalt  }
tec
execute0_lowered:
.L_overlay_start_1:
0x0: {  	(tag) =	ssettag $0x1  }
0x1: {  	s0 =	srdreg.scid  }
0x2: {  	s3 =	sand.u32 $0x1, s0;
	s0 =	stileid.u32  }
0x3: {  	s4 =	sshll.u32 s0, $0x1;
	s5 =	ssub.s32 $0x0, s3  }
0x4: {  	p0 =	sne.s32 s4, s5  }
.Ltmp0:
0x5: {  	_ = 	snop;
	(pc) =	sbr.rel @p0 .LBB2_7-.Ltmp0, $4  }
0x6: {  	_ = 	snop  }
0x7: {  	s8 =	rddreg [dreg:$0x0]  }
0x8: {  	s2 =	rddreg [dreg:$0x1]  }
0x9: {  	s1 =	rddreg [dreg:$0x2];
	_ =	strace $0x80000047  }
0xa: {  	s7 =	ssub.s32 $0x2, s3  }
0xb: {  	s3 =	sadd.s32 $0x1A00, s8;
	s4 =	sadd.s32 $0x2200, s8;
	s5 =	sadd.s32 $0x2A00, s8  }
0xc: {  	s6 =	sadd.s32 $0x1800, s8;
	s10 =	simm.s32 $0x0;
	s11 =	simm.s32 $0x1  }
0xd: {  	s12 =	simm.s32 $0x4000;
	s13 =	simm.s32 $0x8000;
	s14 =	simm.s32 $0x1A000  }
0xe: {  	s15 =	simm.s32 $0x10000;
	s16 =	simm.s32 $0x15000;
	s9 =	sshrl.u32 s7, $0x1  }
0xf: {  	s17 =	simm.s32 $0xC000;
	s18 =	simm.s32 $0x0;
	s9 =	ssub.s32 s7, s9  }
0x10: {  	v0 =	vlaneseq.u32;
	v1 =	vimm.f32 $0.0e+00;
	v2 =	vimm.s32 $0xFFFFE000;
	s7 =	sadd.s32 $0x3200, s8;
	s8 =	sadd.s32 $0x3C00, s8;
	s9 =	smax.u32 s9, $0x1  }
.LBB2_2:
0x11: {  	[tilespmem:s10], [sflag:$0x1] =	stream.linear.gather [hbm4b:s3+s10], $0x4000, $0x38;
	[tilespmem:$0x1A080] =	vst v63  }
0x12: {  	_ =	swait.ge [sflag:s11], $0x4000  }
0x13: {  	[sflag:s11] =	ssyncset.done $0x0  }
0x14: {  	[sflag:s11] =	ssyncadd.s32 $0xFFFFC000  }
0x15: {  	[tilespmem:s12], [sflag:$0x1] =	stream.linear.gather [hbm4b:s4+s10], $0x4000, $0x38;
	[tilespmem:$0x1A080] =	vst v63  }
0x16: {  	_ =	swait.ge [sflag:s11], $0x4000  }
0x17: {  	[sflag:s11] =	ssyncset.done $0x0  }
0x18: {  	[sflag:s11] =	ssyncadd.s32 $0xFFFFC000  }
0x19: {  	[tilespmem:s13], [sflag:$0x1] =	stream.linear.gather [hbm4b:s5+s10], $0x4000, $0x38;
	[tilespmem:$0x1A080] =	vst v63  }
0x1a: {  	_ =	swait.ge [sflag:s11], $0x4000  }
0x1b: {  	[sflag:s11] =	ssyncset.done $0x0  }
0x1c: {  	[sflag:s11] =	ssyncadd.s32 $0xFFFFC000  }
0x1d: {  	[tilespmem:s14], [sflag:$0x1] =	stream.linear.gather [hbm4b:s6+s10], $0x80, $0x38;
	[tilespmem:$0x1A080] =	vst v63  }
0x1e: {  	_ =	swait.ge [sflag:s11], $0x80  }
0x1f: {  	s19 =	simm.s32 $0x15000;
	[sflag:s11] =	ssyncset.done $0x0  }
0x20: {  	s20 =	simm.s32 $0x10000;
	s21 =	simm.s32 $0x0;
	[sflag:s11] =	ssyncadd.s32 $0xFFFFFF80  }
.LBB2_3:
0x21: {  	p0 =	sne.s32 s21, $0x4FF0  }
.Ltmp1:
0x22: {  	_ = 	snop;
	(pc) =	sbr.rel @p0 .LBB2_3-.Ltmp1, $4  }
0x23: {  	v3 =	vor.u32 s21, v0  }
0x24: {  	v3 =	vand.u32 $0x1FFF, v3  }
0x25: {  	[tilespmem:s20+$0x0] =	vst v3  }
0x26: {  	s21 =	sadd.s32 $0x10, s21;
	s20 =	sadd.s32 $0x10, s20;
	[tilespmem:s19+$0x0] =	vst v1;
	s19 =	sadd.s32 $0x10, s19  }
0x27: {  	s19 =	simm.s32 $0x0;
	s20 =	simm.s32 $0x4000  }
0x28: {  	s21 =	simm.s32 $0x8000;
	s22 =	simm.s32 $0xC000;
	s23 =	simm.s32 $0x0  }
.LBB2_5:
0x29: {  	v3 =	vld [tilespmem:s19+$0x0];
	_ =	sdelay $0x6  }
0x2a: {  	v4 =	vld [tilespmem:s20+$0x0]  }
0x2b: {  	v3 =	vld.idx.msk [tilespmem:v3+s14+$0x0], $0xffff;
	_ =	sdelay $0x4  }
0x2c: {  	v63 =	vmov s23;
	v3 =	vadd.s32 v4, v3  }
0x2d: {  	v5 =	vld [tilespmem:s21+$0x0];
	p0 =	sne.s32 s23, $0x3FF0;
	vm0 =	vlt.u32 v63, $0x2000  }
.Ltmp2:
0x2e: {  	v4 =	vsel vm0, $0x0, v2;
	(pc) =	sbr.rel @p0 .LBB2_5-.Ltmp2, $4  }
0x2f: {  	v4 =	vadd.s32 s23, v4  }
0x30: {  	[tilespmem:s22+$0x0] =	vst v3;
	v4 =	vadd.s32 v0, v4  }
0x31: {  	s19 =	sadd.s32 $0x10, s19;
	s20 =	sadd.s32 $0x10, s20;
	[tilespmem:v3+s15+$0x0] =	vst.idx.msk $0xffff, v4  }
0x32: {  	s21 =	sadd.s32 $0x10, s21;
	s22 =	sadd.s32 $0x10, s22;
	s23 =	sadd.s32 $0x10, s23;
	[tilespmem:v3+s16+$0x0] =	vst.idx.msk $0xffff, v5  }
0x33: {  	[hbm4b:s2+s10] =	stream.linear.scatter [tilespmem:s15], [sflag:$0x1], $0x5000, $0x38;
	[tilespmem:$0x1A080] =	vst v63  }
0x34: {  	_ =	swait.ge [sflag:s11], $0x5000  }
0x35: {  	[sflag:s11] =	ssyncset.done $0x0  }
0x36: {  	[sflag:s11] =	ssyncadd.s32 $0xFFFFB000  }
0x37: {  	[hbm4b:s7+s10] =	stream.linear.scatter [tilespmem:s16], [sflag:$0x1], $0x5000, $0x38;
	[tilespmem:$0x1A080] =	vst v63  }
0x38: {  	s18 =	sadd.s32 $0x1, s18;
	_ =	swait.ge [sflag:s11], $0x5000  }
0x39: {  	p0 =	sne.s32 s18, s9;
	[sflag:s11] =	ssyncset.done $0x0  }
.Ltmp3:
0x3a: {  	[sflag:s11] =	ssyncadd.s32 $0xFFFFB000;
	(pc) =	sbr.rel @p0 .LBB2_2-.Ltmp3, $4  }
0x3b: {  	[hbm4b:s8+s10] =	stream.linear.scatter [tilespmem:s17], [sflag:$0x1], $0x4000, $0x38;
	[tilespmem:$0x1A080] =	vst v63  }
0x3c: {  	_ =	swait.ge [sflag:s11], $0x4000  }
0x3d: {  	[sflag:s11] =	ssyncset.done $0x0  }
0x3e: {  	[sflag:s11] =	ssyncadd.s32 $0xFFFFC000  }
.LBB2_7:
0x3f: {  	_ =	sfence.sel $0x180000  }
0x40: {  	[bflag:$0x0] =	sbarrier.arrive $0xFFFF  }
0x41: {  	p0 =	sne.s32 s0, $0x0;
	_ =	strace $0x90000047  }
0x42: {  	s0 =	sadd.s32 @!p0 $0x100000, s1;
	[bflag:$0x2] =	sbarrier.arrive $0xFFFF  }
0x43: {  	[sflag:s0] =	ssyncadd.tile.s32 @!p0 $0x1;
	_ =	shalt  }
.Lfunc_end2:
_tile_overlayer_lowered:
.L_overlay_start_2:
0x44: {  	(tag) =	ssettag $0x2  }
0x45: {  	s0 =	rddreg [dreg:$0x0];
	s2 =	stileid.u32  }
0x46: {  	s1 =	rddreg [dreg:$0x1];
	p0 =	sne.s32 s2, $0x0  }
0x47: {  	s3 =	rddreg [dreg:$0x2];
	[bflag:$0x3] =	sbarrier.arrive $0xFFFF;
	s2 =	simm.s32 @!p0 $0x1C01  }
0x48: {  	[timem:s3], [sflag:s2] =	dma.local @!p0 [hbm:s0], s1  }
0x49: {  	s0 =	simm.s32 @!p0 $0x1  }
0x4a: {  	_ =	swait.ge @!p0 [sflag:s0], s1  }
0x4b: {  	s1 =	ssub.s32 @!p0 $0x0, s1;
	[sflag:s0] =	ssyncset.done @!p0 $0x0  }
0x4c: {  	[sflag:s0] =	ssyncadd.s32 @!p0 s1  }
0x4d: {  	[bflag:$0x3] =	sbarrier.arrive $0xFFFF  }
0x4e: {  	_ =	shalt  }

</sc_bundles>
